<compile_context>
chip_gen: v7x
topology: tpu7x:2x2x1
jax: 0.10.2.dev20260603
libtpu: 0.0.44.dev20260713+nightly
codegen_flags: <defaults>
</compile_context>

<pallas_src>
import functools

import jax
import jax.numpy as jnp
from jax import lax
from jax.experimental import pallas as pl
from jax.experimental.pallas import tpu as pltpu
from jax.experimental.pallas import tpu_sc as plsc

_B, _C1, _C2, _H, _W = 4, 384, 384, 56, 56
_E, _K = 8, 2
_HW = _H * _W

_NW = 32
_WPB = _NW // _B
_RPW = _C2 // _WPB
_NCH = _RPW // 16


def _route_kernel(x_ref, Wr_ref, idx_ref, wts_ref):
    for b in range(_B):
        xb = x_ref[b]
        gap = jnp.mean(xb, axis=1, keepdims=True)
        logits = jnp.sum(gap * Wr_ref[...], axis=0, keepdims=True)
        iota = lax.broadcasted_iota(jnp.int32, (1, _E), 1)
        m1 = jnp.max(logits)
        i1 = jnp.min(jnp.where(logits == m1, iota, _E))
        masked = jnp.where(iota == i1, -jnp.inf, logits)
        m2 = jnp.max(masked)
        i2 = jnp.min(jnp.where(masked == m2, iota, _E))
        e = jnp.exp(m2 - m1)
        w0 = 1.0 / (1.0 + e)
        w1 = e / (1.0 + e)
        idx_ref[2 * b : 2 * b + 1, :] = jnp.full((1, 128), i1, jnp.int32)
        idx_ref[2 * b + 1 : 2 * b + 2, :] = jnp.full((1, 128), i2, jnp.int32)
        wts_ref[2 * b : 2 * b + 1, :] = jnp.full((1, 128), w0, jnp.float32)
        wts_ref[2 * b + 1 : 2 * b + 2, :] = jnp.full((1, 128), w1, jnp.float32)


def _route(x, Wr):
    return pl.pallas_call(
        _route_kernel,
        grid=(1,),
        in_specs=[
            pl.BlockSpec((_B, _C1, _HW), lambda i: (0, 0, 0)),
            pl.BlockSpec((_C1, _E), lambda i: (0, 0)),
        ],
        out_specs=[
            pl.BlockSpec((2 * _B, 128), lambda i: (0, 0)),
            pl.BlockSpec((2 * _B, 128), lambda i: (0, 0)),
        ],
        out_shape=[
            jax.ShapeDtypeStruct((2 * _B, 128), jnp.int32),
            jax.ShapeDtypeStruct((2 * _B, 128), jnp.float32),
        ],
        compiler_params=pltpu.CompilerParams(
            dimension_semantics=("arbitrary",),
            vmem_limit_bytes=100 * 1024 * 1024,
        ),
    )(x, Wr)


def _make_combine():
    mesh = plsc.VectorSubcoreMesh(core_axis_name="c", subcore_axis_name="s")

    @functools.partial(
        pl.kernel,
        mesh=mesh,
        out_type=jax.ShapeDtypeStruct((_B * _C2, _C1), jnp.float32),
        scratch_types=[
            pltpu.VMEM((2 * 16,), jnp.int32),
            pltpu.VMEM((2 * 16,), jnp.float32),
            pltpu.VMEM((16,), jnp.int32),
            pltpu.VMEM((16,), jnp.int32),
            pltpu.VMEM((16, _C1), jnp.float32),
            pltpu.VMEM((16, _C1), jnp.float32),
            pltpu.VMEM((16, _C1), jnp.float32),
            pltpu.VMEM((16, _C1), jnp.float32),
            pltpu.SemaphoreType.DMA,
            pltpu.SemaphoreType.DMA,
        ],
    )
    def combine(we_hbm, ws_hbm, idx_hbm, wts_hbm, wc_hbm,
                idx_v, wts_v, rid0_v, rid1_v, r0_v, r1_v, ws_v, acc_v,
                sem0, sem1):
        wid = lax.axis_index("s") * 2 + lax.axis_index("c")
        b = wid // _WPB
        chunk0 = (wid % _WPB) * _NCH
        pltpu.sync_copy(idx_hbm.at[pl.ds(2 * b * 128, 16)], idx_v.at[pl.ds(0, 16)])
        pltpu.sync_copy(
            idx_hbm.at[pl.ds((2 * b + 1) * 128, 16)], idx_v.at[pl.ds(16, 16)]
        )
        pltpu.sync_copy(wts_hbm.at[pl.ds(2 * b * 128, 16)], wts_v.at[pl.ds(0, 16)])
        pltpu.sync_copy(
            wts_hbm.at[pl.ds((2 * b + 1) * 128, 16)], wts_v.at[pl.ds(16, 16)]
        )
        lane = lax.iota(jnp.int32, 16)
        i0 = idx_v[pl.ds(0, 16)]
        i1 = idx_v[pl.ds(16, 16)]
        w0 = wts_v[pl.ds(0, 16)]
        w1 = wts_v[pl.ds(16, 16)]
        for c in range(_NCH):
            row0 = (chunk0 + c) * 16
            rows = row0 + lane
            rid0_v[...] = i0 * _C2 + rows
            rid1_v[...] = i1 * _C2 + rows
            cp0 = pltpu.async_copy(we_hbm.at[rid0_v], r0_v, sem0)
            cp1 = pltpu.async_copy(we_hbm.at[rid1_v], r1_v, sem1)
            pltpu.sync_copy(ws_hbm.at[pl.ds(row0, 16)], ws_v)
            cp0.wait()
            cp1.wait()

            def body(r, _):
                for cc in range(_C1 // 16):
                    sl = pl.ds(cc * 16, 16)
                    acc_v[r, sl] = (
                        w0 * r0_v[r, sl] + w1 * r1_v[r, sl] + ws_v[r, sl]
                    )
                return 0

            lax.fori_loop(0, 16, body, 0)
            pltpu.sync_copy(acc_v, wc_hbm.at[pl.ds(b * _C2 + row0, 16)])

    return combine


_combine = _make_combine()


def _mm_kernel(x_ref, wc_ref, out_ref):
    for s in range(2):
        xb = x_ref[s]
        out_ref[s] = jnp.dot(wc_ref[s], xb, preferred_element_type=jnp.float32) + xb


def _matmul(x, Wc):
    return pl.pallas_call(
        _mm_kernel,
        grid=(_B // 2,),
        in_specs=[
            pl.BlockSpec((2, _C1, _HW), lambda b: (b, 0, 0)),
            pl.BlockSpec((2, _C2, _C1), lambda b: (b, 0, 0)),
        ],
        out_specs=pl.BlockSpec((2, _C2, _HW), lambda b: (b, 0, 0)),
        out_shape=jax.ShapeDtypeStruct((_B, _C2, _HW), jnp.float32),
        compiler_params=pltpu.CompilerParams(
            dimension_semantics=("arbitrary",),
            vmem_limit_bytes=100 * 1024 * 1024,
        ),
    )(x, Wc)


def kernel(x, Wr, We, Ws):
    xr = x.reshape(_B, _C1, _HW)
    idx, wts = _route(xr, Wr)
    wc_flat = _combine(
        We.reshape(_E * _C2, _C1), Ws, idx.reshape(-1), wts.reshape(-1)
    )
    out = _matmul(xr, wc_flat.reshape(_B, _C2, _C1))
    return out.reshape(_B, _C2, _H, _W)

# --- scband reference (transcript-rebuilt; emitter-appended) ---
"""Pipeline reference for scband-c2f-dual-modal-mo-e-52596169507002 (READ-ONLY COPY).

The authoritative reference and input builder live on the scoring server;
editing this copy changes nothing except your own understanding.
"""

import jax, jax.numpy as jnp
import numpy as np

B, C1, C2, H, W = 4, 384, 384, 56, 56
E, K = 8, 2


def setup_inputs(seed: int = 0) -> dict:
    key = jax.random.key(seed)
    k1, k2, k3, k4 = jax.random.split(key, 4)
    x = jax.random.normal(k1, (B, C1, H, W), dtype=jnp.float32)
    # router projection (global-pooled features -> expert logits)
    Wr = jax.random.normal(k2, (C1, E), dtype=jnp.float32) * 0.02
    # routed expert 1x1 conv weights [E, C2, C1]
    We = jax.random.normal(k3, (E, C2, C1), dtype=jnp.float32) * 0.02
    # shared expert 1x1 conv weight [C2, C1]
    Ws = jax.random.normal(k4, (C2, C1), dtype=jnp.float32) * 0.02
    return {"x": x, "Wr": Wr, "We": We, "Ws": Ws}


def reference(x, Wr, We, Ws):
    # --- UltraEfficientRouter: per-sample routing from global-avg-pooled features ---
    gap = jnp.mean(x, axis=(2, 3))                      # [B, C1]
    logits = gap @ Wr                                    # [B, E]
    top_vals, top_idx = jax.lax.top_k(logits, K)         # [B, K] router_weights/indices
    router_weights = jax.nn.softmax(top_vals, axis=-1)   # [B, K]
    # --- DecoupledMoEContainer ---
    # gather selected expert weights (SparseCore-style gather), apply as 1x1 conv
    W_sel = We[top_idx]                                  # [B, K, C2, C1]
    expert_out = jnp.einsum('bkoc,bchw->bkohw', W_sel, x)    # [B, K, C2, H, W]
    routed = jnp.einsum('bk,bkohw->bohw', router_weights, expert_out)  # [B, C2, H, W]
    # shared expert (always on)
    shared = jnp.einsum('oc,bchw->bohw', Ws, x)          # [B, C2, H, W]
    # pass-through expert: identity residual (c1 == c2)
    return routed + shared + x

if __name__ == "__main__":
    import jax
    _d = setup_inputs()
    print(jax.jit(kernel)(*tuple(_d.values())))

</pallas_src>

<mosaic_0001>
#map = affine_map<(d0, d1) -> (0, 0)>
#map1 = affine_map<(d0, d1) -> (0)>
module attributes {stable_mosaic.version = 14 : i64} {
  func.func @combine(%arg0: i32, %arg1: i32, %arg2: memref<3072x384xf32, #tpu.memory_space<hbm>>, %arg3: memref<384x384xf32, #tpu.memory_space<hbm>>, %arg4: memref<1024xi32, #tpu.memory_space<hbm>>, %arg5: memref<1024xf32, #tpu.memory_space<hbm>>, %arg6: memref<1536x384xf32, #tpu.memory_space<hbm>>, %arg7: memref<32xi32, #tpu.memory_space<vmem>>, %arg8: memref<32xf32, #tpu.memory_space<vmem>>, %arg9: memref<16xi32, #tpu.memory_space<vmem>>, %arg10: memref<16xi32, #tpu.memory_space<vmem>>, %arg11: memref<16x384xf32, #tpu.memory_space<vmem>>, %arg12: memref<16x384xf32, #tpu.memory_space<vmem>>, %arg13: memref<16x384xf32, #tpu.memory_space<vmem>>, %arg14: memref<16x384xf32, #tpu.memory_space<vmem>>, %arg15: memref<!tpu.dma_semaphore, #tpu.memory_space<semaphore_mem>>, %arg16: memref<!tpu.dma_semaphore, #tpu.memory_space<semaphore_mem>>) attributes {dimension_semantics = [#tpu.dimension_semantics<core_parallel>, #tpu.dimension_semantics<subcore_parallel>], iteration_bounds = array<i64: 2, 16>, scalar_prefetch = 0 : i64, scratch_operands = 10 : i64, tpu.core_type = #tpu.core_type<sc_vector_subcore>, window_params = [{transform_indices = #map}, {transform_indices = #map}, {transform_indices = #map1}, {transform_indices = #map1}, {transform_indices = #map}]} {
    %mul3A = arith.constant 2 : i32
    %mul3A_0 = arith.muli %arg1, %mul3A : i32
    %add3A = arith.addi %mul3A_0, %arg0 : i32
    %jit3A = arith.constant 8 : i32
    %div3A = arith.divsi %add3A, %jit3A : i32
    %sign3A = arith.constant 0 : i32
    %sign3A_1 = arith.cmpi sgt, %add3A, %sign3A : i32
    %sign3A_2 = arith.extui %sign3A_1 : i1 to i32
    %sign3A_3 = arith.constant 0 : i32
    %sign3A_4 = arith.cmpi slt, %add3A, %sign3A_3 : i32
    %sign3A_5 = arith.extui %sign3A_4 : i1 to i32
    %sign3A_6 = arith.subi %sign3A_2, %sign3A_5 : i32
    %sign3A_7 = arith.constant 0 : i32
    %sign3A_8 = arith.cmpi sgt, %jit3A, %sign3A_7 : i32
    %sign3A_9 = arith.extui %sign3A_8 : i1 to i32
    %sign3A_10 = arith.constant 0 : i32
    %sign3A_11 = arith.cmpi slt, %jit3A, %sign3A_10 : i32
    %sign3A_12 = arith.extui %sign3A_11 : i1 to i32
    %sign3A_13 = arith.subi %sign3A_9, %sign3A_12 : i32
    %ne3A = arith.cmpi ne, %sign3A_6, %sign3A_13 : i32
    %rem3A = arith.remsi %add3A, %jit3A : i32
    %ne3A_14 = arith.constant 0 : i32
    %ne3A_15 = arith.cmpi ne, %rem3A, %ne3A_14 : i32
    %and3A = arith.andi %ne3A, %ne3A_15 : i1
    %sub3A = arith.constant 1 : i32
    %sub3A_16 = arith.subi %div3A, %sub3A : i32
    %select_n3A = arith.select %and3A, %sub3A_16, %div3A : i32
    %jit3A_17 = arith.constant 8 : i32
    %eq3A = arith.constant 0 : i32
    %eq3A_18 = arith.cmpi eq, %jit3A_17, %eq3A : i32
    %jit3A_19 = arith.constant 1 : i32
    %select_n3A_20 = arith.select %eq3A_18, %jit3A_19, %jit3A_17 : i32
    %rem3A_21 = arith.remsi %add3A, %select_n3A_20 : i32
    %ne3A_22 = arith.constant 0 : i32
    %ne3A_23 = arith.cmpi ne, %rem3A_21, %ne3A_22 : i32
    %lt3A = arith.constant 0 : i32
    %lt3A_24 = arith.cmpi slt, %rem3A_21, %lt3A : i32
    %lt3A_25 = arith.constant 0 : i32
    %lt3A_26 = arith.cmpi slt, %select_n3A_20, %lt3A_25 : i32
    %ne3A_27 = arith.xori %lt3A_24, %lt3A_26 : i1
    %and3A_28 = arith.andi %ne3A_27, %ne3A_23 : i1
    %add3A_29 = arith.addi %rem3A_21, %select_n3A_20 : i32
    %select_n3A_30 = arith.select %and3A_28, %add3A_29, %rem3A_21 : i32
    %mul3A_31 = arith.constant 3 : i32
    %mul3A_32 = arith.muli %select_n3A_30, %mul3A_31 : i32
    %mul3A_33 = arith.constant 2 : i32
    %mul3A_34 = arith.muli %mul3A_33, %select_n3A : i32
    %mul3A_35 = arith.constant 128 : i32
    %mul3A_36 = arith.muli %mul3A_34, %mul3A_35 : i32
    "tpu.region"() ({
      %run_scoped3A = tpu.sem_alloc : memref<!tpu.dma_semaphore, #tpu.memory_space<semaphore_mem>>
      %dma_start3A_192 = arith.constant 0 : i32
      %dma_start3A_193 = tpu.memref_slice %arg7[%dma_start3A_192] : memref<32xi32, #tpu.memory_space<vmem>> -> memref<16xi32, #tpu.memory_space<vmem>>
      %dma_start3A_194 = tpu.memref_slice %arg4[%mul3A_36] : memref<1024xi32, #tpu.memory_space<hbm>> -> memref<16xi32, #tpu.memory_space<hbm>>
      %dma_start3A_195 = arith.constant 0 : i32
      %dma_start3A_196 = tpu.memref_slice %arg7[%dma_start3A_195] : memref<32xi32, #tpu.memory_space<vmem>> -> memref<16xi32, #tpu.memory_space<vmem>>
      %dma_start3A_197 = tpu.memref_slice %arg4[%mul3A_36] : memref<1024xi32, #tpu.memory_space<hbm>> -> memref<16xi32, #tpu.memory_space<hbm>>
      tpu.enqueue_dma source(%dma_start3A_197 : memref<16xi32, #tpu.memory_space<hbm>>) target(%dma_start3A_196 : memref<16xi32, #tpu.memory_space<vmem>>) target_semaphore(%run_scoped3A : memref<!tpu.dma_semaphore, #tpu.memory_space<semaphore_mem>>)
      %dma_wait3A_198 = arith.constant 0 : i32
      %dma_wait3A_199 = tpu.memref_slice %arg7[%dma_wait3A_198] : memref<32xi32, #tpu.memory_space<vmem>> -> memref<16xi32, #tpu.memory_space<vmem>>
      %dma_wait3A_200 = tpu.memref_slice %arg4[%mul3A_36] : memref<1024xi32, #tpu.memory_space<hbm>> -> memref<16xi32, #tpu.memory_space<hbm>>
      %dma_wait3A_201 = arith.constant 0 : i32
      %dma_wait3A_202 = tpu.memref_slice %arg7[%dma_wait3A_201] : memref<32xi32, #tpu.memory_space<vmem>> -> memref<16xi32, #tpu.memory_space<vmem>>
      %dma_wait3A_203 = tpu.memref_slice %arg4[%mul3A_36] : memref<1024xi32, #tpu.memory_space<hbm>> -> memref<16xi32, #tpu.memory_space<hbm>>
      tpu.wait_dma2 semaphore(%run_scoped3A : memref<!tpu.dma_semaphore, #tpu.memory_space<semaphore_mem>>) src(%dma_wait3A_203 : memref<16xi32, #tpu.memory_space<hbm>>) dst(%dma_wait3A_202 : memref<16xi32, #tpu.memory_space<vmem>>)
      tpu.yield
    }) : () -> ()
    %mul3A_37 = arith.constant 2 : i32
    %mul3A_38 = arith.muli %mul3A_37, %select_n3A : i32
    %add3A_39 = arith.constant 1 : i32
    %add3A_40 = arith.addi %mul3A_38, %add3A_39 : i32
    %mul3A_41 = arith.constant 128 : i32
    %mul3A_42 = arith.muli %add3A_40, %mul3A_41 : i32
    "tpu.region"() ({
      %run_scoped3A = tpu.sem_alloc : memref<!tpu.dma_semaphore, #tpu.memory_space<semaphore_mem>>
      %dma_start3A_192 = arith.constant 16 : i32
      %dma_start3A_193 = tpu.memref_slice %arg7[%dma_start3A_192] : memref<32xi32, #tpu.memory_space<vmem>> -> memref<16xi32, #tpu.memory_space<vmem>>
      %dma_start3A_194 = tpu.memref_slice %arg4[%mul3A_42] : memref<1024xi32, #tpu.memory_space<hbm>> -> memref<16xi32, #tpu.memory_space<hbm>>
      %dma_start3A_195 = arith.constant 16 : i32
      %dma_start3A_196 = tpu.memref_slice %arg7[%dma_start3A_195] : memref<32xi32, #tpu.memory_space<vmem>> -> memref<16xi32, #tpu.memory_space<vmem>>
      %dma_start3A_197 = tpu.memref_slice %arg4[%mul3A_42] : memref<1024xi32, #tpu.memory_space<hbm>> -> memref<16xi32, #tpu.memory_space<hbm>>
      tpu.enqueue_dma source(%dma_start3A_197 : memref<16xi32, #tpu.memory_space<hbm>>) target(%dma_start3A_196 : memref<16xi32, #tpu.memory_space<vmem>>) target_semaphore(%run_scoped3A : memref<!tpu.dma_semaphore, #tpu.memory_space<semaphore_mem>>)
      %dma_wait3A_198 = arith.constant 16 : i32
      %dma_wait3A_199 = tpu.memref_slice %arg7[%dma_wait3A_198] : memref<32xi32, #tpu.memory_space<vmem>> -> memref<16xi32, #tpu.memory_space<vmem>>
      %dma_wait3A_200 = tpu.memref_slice %arg4[%mul3A_42] : memref<1024xi32, #tpu.memory_space<hbm>> -> memref<16xi32, #tpu.memory_space<hbm>>
      %dma_wait3A_201 = arith.constant 16 : i32
      %dma_wait3A_202 = tpu.memref_slice %arg7[%dma_wait3A_201] : memref<32xi32, #tpu.memory_space<vmem>> -> memref<16xi32, #tpu.memory_space<vmem>>
      %dma_wait3A_203 = tpu.memref_slice %arg4[%mul3A_42] : memref<1024xi32, #tpu.memory_space<hbm>> -> memref<16xi32, #tpu.memory_space<hbm>>
      tpu.wait_dma2 semaphore(%run_scoped3A : memref<!tpu.dma_semaphore, #tpu.memory_space<semaphore_mem>>) src(%dma_wait3A_203 : memref<16xi32, #tpu.memory_space<hbm>>) dst(%dma_wait3A_202 : memref<16xi32, #tpu.memory_space<vmem>>)
      tpu.yield
    }) : () -> ()
    %mul3A_43 = arith.constant 2 : i32
    %mul3A_44 = arith.muli %mul3A_43, %select_n3A : i32
    %mul3A_45 = arith.constant 128 : i32
    %mul3A_46 = arith.muli %mul3A_44, %mul3A_45 : i32
    "tpu.region"() ({
      %run_scoped3A = tpu.sem_alloc : memref<!tpu.dma_semaphore, #tpu.memory_space<semaphore_mem>>
      %dma_start3A_192 = arith.constant 0 : i32
      %dma_start3A_193 = tpu.memref_slice %arg8[%dma_start3A_192] : memref<32xf32, #tpu.memory_space<vmem>> -> memref<16xf32, #tpu.memory_space<vmem>>
      %dma_start3A_194 = tpu.memref_slice %arg5[%mul3A_46] : memref<1024xf32, #tpu.memory_space<hbm>> -> memref<16xf32, #tpu.memory_space<hbm>>
      %dma_start3A_195 = arith.constant 0 : i32
      %dma_start3A_196 = tpu.memref_slice %arg8[%dma_start3A_195] : memref<32xf32, #tpu.memory_space<vmem>> -> memref<16xf32, #tpu.memory_space<vmem>>
      %dma_start3A_197 = tpu.memref_slice %arg5[%mul3A_46] : memref<1024xf32, #tpu.memory_space<hbm>> -> memref<16xf32, #tpu.memory_space<hbm>>
      tpu.enqueue_dma source(%dma_start3A_197 : memref<16xf32, #tpu.memory_space<hbm>>) target(%dma_start3A_196 : memref<16xf32, #tpu.memory_space<vmem>>) target_semaphore(%run_scoped3A : memref<!tpu.dma_semaphore, #tpu.memory_space<semaphore_mem>>)
      %dma_wait3A_198 = arith.constant 0 : i32
      %dma_wait3A_199 = tpu.memref_slice %arg8[%dma_wait3A_198] : memref<32xf32, #tpu.memory_space<vmem>> -> memref<16xf32, #tpu.memory_space<vmem>>
      %dma_wait3A_200 = tpu.memref_slice %arg5[%mul3A_46] : memref<1024xf32, #tpu.memory_space<hbm>> -> memref<16xf32, #tpu.memory_space<hbm>>
      %dma_wait3A_201 = arith.constant 0 : i32
      %dma_wait3A_202 = tpu.memref_slice %arg8[%dma_wait3A_201] : memref<32xf32, #tpu.memory_space<vmem>> -> memref<16xf32, #tpu.memory_space<vmem>>
      %dma_wait3A_203 = tpu.memref_slice %arg5[%mul3A_46] : memref<1024xf32, #tpu.memory_space<hbm>> -> memref<16xf32, #tpu.memory_space<hbm>>
      tpu.wait_dma2 semaphore(%run_scoped3A : memref<!tpu.dma_semaphore, #tpu.memory_space<semaphore_mem>>) src(%dma_wait3A_203 : memref<16xf32, #tpu.memory_space<hbm>>) dst(%dma_wait3A_202 : memref<16xf32, #tpu.memory_space<vmem>>)
      tpu.yield
    }) : () -> ()
    %mul3A_47 = arith.constant 2 : i32
    %mul3A_48 = arith.muli %mul3A_47, %select_n3A : i32
    %add3A_49 = arith.constant 1 : i32
    %add3A_50 = arith.addi %mul3A_48, %add3A_49 : i32
    %mul3A_51 = arith.constant 128 : i32
    %mul3A_52 = arith.muli %add3A_50, %mul3A_51 : i32
    "tpu.region"() ({
      %run_scoped3A = tpu.sem_alloc : memref<!tpu.dma_semaphore, #tpu.memory_space<semaphore_mem>>
      %dma_start3A_192 = arith.constant 16 : i32
      %dma_start3A_193 = tpu.memref_slice %arg8[%dma_start3A_192] : memref<32xf32, #tpu.memory_space<vmem>> -> memref<16xf32, #tpu.memory_space<vmem>>
      %dma_start3A_194 = tpu.memref_slice %arg5[%mul3A_52] : memref<1024xf32, #tpu.memory_space<hbm>> -> memref<16xf32, #tpu.memory_space<hbm>>
      %dma_start3A_195 = arith.constant 16 : i32
      %dma_start3A_196 = tpu.memref_slice %arg8[%dma_start3A_195] : memref<32xf32, #tpu.memory_space<vmem>> -> memref<16xf32, #tpu.memory_space<vmem>>
      %dma_start3A_197 = tpu.memref_slice %arg5[%mul3A_52] : memref<1024xf32, #tpu.memory_space<hbm>> -> memref<16xf32, #tpu.memory_space<hbm>>
      tpu.enqueue_dma source(%dma_start3A_197 : memref<16xf32, #tpu.memory_space<hbm>>) target(%dma_start3A_196 : memref<16xf32, #tpu.memory_space<vmem>>) target_semaphore(%run_scoped3A : memref<!tpu.dma_semaphore, #tpu.memory_space<semaphore_mem>>)
      %dma_wait3A_198 = arith.constant 16 : i32
      %dma_wait3A_199 = tpu.memref_slice %arg8[%dma_wait3A_198] : memref<32xf32, #tpu.memory_space<vmem>> -> memref<16xf32, #tpu.memory_space<vmem>>
      %dma_wait3A_200 = tpu.memref_slice %arg5[%mul3A_52] : memref<1024xf32, #tpu.memory_space<hbm>> -> memref<16xf32, #tpu.memory_space<hbm>>
      %dma_wait3A_201 = arith.constant 16 : i32
      %dma_wait3A_202 = tpu.memref_slice %arg8[%dma_wait3A_201] : memref<32xf32, #tpu.memory_space<vmem>> -> memref<16xf32, #tpu.memory_space<vmem>>
      %dma_wait3A_203 = tpu.memref_slice %arg5[%mul3A_52] : memref<1024xf32, #tpu.memory_space<hbm>> -> memref<16xf32, #tpu.memory_space<hbm>>
      tpu.wait_dma2 semaphore(%run_scoped3A : memref<!tpu.dma_semaphore, #tpu.memory_space<semaphore_mem>>) src(%dma_wait3A_203 : memref<16xf32, #tpu.memory_space<hbm>>) dst(%dma_wait3A_202 : memref<16xf32, #tpu.memory_space<vmem>>)
      tpu.yield
    }) : () -> ()
    %iota3A = tpu.iota {dimensions = array<i32: 0>} : vector<16xi32>
    %get3A = arith.constant 0 : index
    %get3A_53 = tpu.vector_load %arg7[%get3A] {strides = array<i32>} : memref<32xi32, #tpu.memory_space<vmem>>, vector<16xi32>,
    %get3A_54 = vector.shape_cast %get3A_53 : vector<16xi32> to vector<16xi32>
    %get3A_55 = arith.constant 16 : index
    %get3A_56 = tpu.vector_load %arg7[%get3A_55] {strides = array<i32>} : memref<32xi32, #tpu.memory_space<vmem>>, vector<16xi32>,
    %get3A_57 = vector.shape_cast %get3A_56 : vector<16xi32> to vector<16xi32>
    %get3A_58 = arith.constant 0 : index
    %get3A_59 = tpu.vector_load %arg8[%get3A_58] {strides = array<i32>} : memref<32xf32, #tpu.memory_space<vmem>>, vector<16xf32>,
    %get3A_60 = vector.shape_cast %get3A_59 : vector<16xf32> to vector<16xf32>
    %get3A_61 = arith.constant 16 : index
    %get3A_62 = tpu.vector_load %arg8[%get3A_61] {strides = array<i32>} : memref<32xf32, #tpu.memory_space<vmem>>, vector<16xf32>,
    %get3A_63 = vector.shape_cast %get3A_62 : vector<16xf32> to vector<16xf32>
    %add3A_64 = arith.constant 0 : i32
    %add3A_65 = arith.addi %mul3A_32, %add3A_64 : i32
    %mul3A_66 = arith.constant 16 : i32
    %mul3A_67 = arith.muli %add3A_65, %mul3A_66 : i32
    %add3A_68 = vector.broadcast %mul3A_67 : i32 to vector<16xi32>
    %add3A_69 = arith.addi %add3A_68, %iota3A : vector<16xi32>
    %mul3A_70 = arith.constant 384 : i32
    %mul3A_71 = vector.broadcast %mul3A_70 : i32 to vector<16xi32>
    %mul3A_72 = arith.muli %get3A_54, %mul3A_71 : vector<16xi32>
    %add3A_73 = arith.addi %mul3A_72, %add3A_69 : vector<16xi32>
    %swap3A = arith.constant 0 : index
    %swap3A_74 = tpu.vector_load %arg9[%swap3A] {strides = array<i32>} : memref<16xi32, #tpu.memory_space<vmem>>, vector<16xi32>,
    %swap3A_75 = vector.shape_cast %swap3A_74 : vector<16xi32> to vector<16xi32>
    %swap3A_76 = vector.shape_cast %add3A_73 : vector<16xi32> to vector<16xi32>
    tpu.vector_store %arg9[%swap3A], %swap3A_76 {strides = array<i32>} : memref<16xi32, #tpu.memory_space<vmem>>, vector<16xi32>,
    %mul3A_77 = arith.constant 384 : i32
    %mul3A_78 = vector.broadcast %mul3A_77 : i32 to vector<16xi32>
    %mul3A_79 = arith.muli %get3A_57, %mul3A_78 : vector<16xi32>
    %add3A_80 = arith.addi %mul3A_79, %add3A_69 : vector<16xi32>
    %swap3A_81 = arith.constant 0 : index
    %swap3A_82 = tpu.vector_load %arg10[%swap3A_81] {strides = array<i32>} : memref<16xi32, #tpu.memory_space<vmem>>, vector<16xi32>,
    %swap3A_83 = vector.shape_cast %swap3A_82 : vector<16xi32> to vector<16xi32>
    %swap3A_84 = vector.shape_cast %add3A_80 : vector<16xi32> to vector<16xi32>
    tpu.vector_store %arg10[%swap3A_81], %swap3A_84 {strides = array<i32>} : memref<16xi32, #tpu.memory_space<vmem>>, vector<16xi32>,
    %dma_start3A = arith.constant 0 : i32
    %dma_start3A_85 = arith.constant 0 : i32
    %dma_start3A_86 = tpu.memref_slice %arg2[%dma_start3A, %dma_start3A_85] : memref<3072x384xf32, #tpu.memory_space<hbm>> -> memref<3072x384xf32, #tpu.memory_space<hbm>>
    tpu.enqueue_indirect_dma source(%dma_start3A_86 : memref<3072x384xf32, #tpu.memory_space<hbm>>) target(%arg11 : memref<16x384xf32, #tpu.memory_space<vmem>>) offsets(%arg9 : memref<16xi32, #tpu.memory_space<vmem>>) semaphore(%arg15 : memref<!tpu.dma_semaphore, #tpu.memory_space<semaphore_mem>>)
    %dma_start3A_87 = arith.constant 0 : i32
    %dma_start3A_88 = arith.constant 0 : i32
    %dma_start3A_89 = tpu.memref_slice %arg2[%dma_start3A_87, %dma_start3A_88] : memref<3072x384xf32, #tpu.memory_space<hbm>> -> memref<3072x384xf32, #tpu.memory_space<hbm>>
    tpu.enqueue_indirect_dma source(%dma_start3A_89 : memref<3072x384xf32, #tpu.memory_space<hbm>>) target(%arg12 : memref<16x384xf32, #tpu.memory_space<vmem>>) offsets(%arg10 : memref<16xi32, #tpu.memory_space<vmem>>) semaphore(%arg16 : memref<!tpu.dma_semaphore, #tpu.memory_space<semaphore_mem>>)
    "tpu.region"() ({
      %run_scoped3A = tpu.sem_alloc : memref<!tpu.dma_semaphore, #tpu.memory_space<semaphore_mem>>
      %dma_start3A_192 = arith.constant 0 : i32
      %dma_start3A_193 = tpu.memref_slice %arg3[%mul3A_67, %dma_start3A_192] : memref<384x384xf32, #tpu.memory_space<hbm>> -> memref<16x384xf32, #tpu.memory_space<hbm>>
      %dma_start3A_194 = arith.constant 0 : i32
      %dma_start3A_195 = tpu.memref_slice %arg3[%mul3A_67, %dma_start3A_194] : memref<384x384xf32, #tpu.memory_space<hbm>> -> memref<16x384xf32, #tpu.memory_space<hbm>>
      tpu.enqueue_dma source(%dma_start3A_195 : memref<16x384xf32, #tpu.memory_space<hbm>>) target(%arg13 : memref<16x384xf32, #tpu.memory_space<vmem>>) target_semaphore(%run_scoped3A : memref<!tpu.dma_semaphore, #tpu.memory_space<semaphore_mem>>)
      %dma_wait3A_196 = arith.constant 0 : i32
      %dma_wait3A_197 = tpu.memref_slice %arg3[%mul3A_67, %dma_wait3A_196] : memref<384x384xf32, #tpu.memory_space<hbm>> -> memref<16x384xf32, #tpu.memory_space<hbm>>
      %dma_wait3A_198 = arith.constant 0 : i32
      %dma_wait3A_199 = tpu.memref_slice %arg3[%mul3A_67, %dma_wait3A_198] : memref<384x384xf32, #tpu.memory_space<hbm>> -> memref<16x384xf32, #tpu.memory_space<hbm>>
      tpu.wait_dma2 semaphore(%run_scoped3A : memref<!tpu.dma_semaphore, #tpu.memory_space<semaphore_mem>>) src(%dma_wait3A_199 : memref<16x384xf32, #tpu.memory_space<hbm>>) dst(%arg13 : memref<16x384xf32, #tpu.memory_space<vmem>>)
      tpu.yield
    }) : () -> ()
    %dma_wait3A = arith.constant 0 : i32
    %dma_wait3A_90 = arith.constant 0 : i32
    %dma_wait3A_91 = tpu.memref_slice %arg2[%dma_wait3A, %dma_wait3A_90] : memref<3072x384xf32, #tpu.memory_space<hbm>> -> memref<3072x384xf32, #tpu.memory_space<hbm>>
    tpu.wait_indirect_dma semaphore(%arg15 : memref<!tpu.dma_semaphore, #tpu.memory_space<semaphore_mem>>) src(%dma_wait3A_91 : memref<3072x384xf32, #tpu.memory_space<hbm>>) dst(%arg11 : memref<16x384xf32, #tpu.memory_space<vmem>>)
    %dma_wait3A_92 = arith.constant 0 : i32
    %dma_wait3A_93 = arith.constant 0 : i32
    %dma_wait3A_94 = tpu.memref_slice %arg2[%dma_wait3A_92, %dma_wait3A_93] : memref<3072x384xf32, #tpu.memory_space<hbm>> -> memref<3072x384xf32, #tpu.memory_space<hbm>>
    tpu.wait_indirect_dma semaphore(%arg16 : memref<!tpu.dma_semaphore, #tpu.memory_space<semaphore_mem>>) src(%dma_wait3A_94 : memref<3072x384xf32, #tpu.memory_space<hbm>>) dst(%arg12 : memref<16x384xf32, #tpu.memory_space<vmem>>)
    %scan3A = arith.constant 0 : i32
    %scan3A_95 = arith.constant 0 : i32
    %scan3A_96 = arith.constant 16 : i32
    %scan3A_97 = arith.addi %scan3A_95, %scan3A_96 : i32
    %scan3A_98 = arith.constant 1 : i32
    %scan3A_99 = scf.for %scan3A_192 = %scan3A_95 to %scan3A_97 step %scan3A_98 iter_args(%scan3A_193 = %scan3A) -> (i32)  : i32 {
      %get3A_194 = arith.index_cast %scan3A_192 : i32 to index
      %get3A_195 = arith.constant 0 : index
      %get3A_196 = tpu.vector_load %arg11[%get3A_194, %get3A_195] {strides = array<i32>} : memref<16x384xf32, #tpu.memory_space<vmem>>, vector<1x16xf32>,
      %get3A_197 = vector.shape_cast %get3A_196 : vector<1x16xf32> to vector<16xf32>
      %mul3A_198 = arith.mulf %get3A_60, %get3A_197 : vector<16xf32>
      %get3A_199 = arith.index_cast %scan3A_192 : i32 to index
      %get3A_200 = arith.constant 0 : index
      %get3A_201 = tpu.vector_load %arg12[%get3A_199, %get3A_200] {strides = array<i32>} : memref<16x384xf32, #tpu.memory_space<vmem>>, vector<1x16xf32>,
      %get3A_202 = vector.shape_cast %get3A_201 : vector<1x16xf32> to vector<16xf32>
      %mul3A_203 = arith.mulf %get3A_63, %get3A_202 : vector<16xf32>
      %add3A_204 = arith.addf %mul3A_198, %mul3A_203 : vector<16xf32>
      %get3A_205 = arith.index_cast %scan3A_192 : i32 to index
      %get3A_206 = arith.constant 0 : index
      %get3A_207 = tpu.vector_load %arg13[%get3A_205, %get3A_206] {strides = array<i32>} : memref<16x384xf32, #tpu.memory_space<vmem>>, vector<1x16xf32>,
      %get3A_208 = vector.shape_cast %get3A_207 : vector<1x16xf32> to vector<16xf32>
      %add3A_209 = arith.addf %add3A_204, %get3A_208 : vector<16xf32>
      %swap3A_210 = arith.index_cast %scan3A_192 : i32 to index
      %swap3A_211 = arith.constant 0 : index
      %swap3A_212 = tpu.vector_load %arg14[%swap3A_210, %swap3A_211] {strides = array<i32>} : memref<16x384xf32, #tpu.memory_space<vmem>>, vector<1x16xf32>,
      %swap3A_213 = vector.shape_cast %swap3A_212 : vector<1x16xf32> to vector<16xf32>
      %swap3A_214 = vector.shape_cast %add3A_209 : vector<16xf32> to vector<1x16xf32>
      tpu.vector_store %arg14[%swap3A_210, %swap3A_211], %swap3A_214 {strides = array<i32>} : memref<16x384xf32, #tpu.memory_space<vmem>>, vector<1x16xf32>,
      %get3A_215 = arith.index_cast %scan3A_192 : i32 to index
      %get3A_216 = arith.constant 16 : index
      %get3A_217 = tpu.vector_load %arg11[%get3A_215, %get3A_216] {strides = array<i32>} : memref<16x384xf32, #tpu.memory_space<vmem>>, vector<1x16xf32>,
      %get3A_218 = vector.shape_cast %get3A_217 : vector<1x16xf32> to vector<16xf32>
      %mul3A_219 = arith.mulf %get3A_60, %get3A_218 : vector<16xf32>
      %get3A_220 = arith.index_cast %scan3A_192 : i32 to index
      %get3A_221 = arith.constant 16 : index
      %get3A_222 = tpu.vector_load %arg12[%get3A_220, %get3A_221] {strides = array<i32>} : memref<16x384xf32, #tpu.memory_space<vmem>>, vector<1x16xf32>,
      %get3A_223 = vector.shape_cast %get3A_222 : vector<1x16xf32> to vector<16xf32>
      %mul3A_224 = arith.mulf %get3A_63, %get3A_223 : vector<16xf32>
      %add3A_225 = arith.addf %mul3A_219, %mul3A_224 : vector<16xf32>
      %get3A_226 = arith.index_cast %scan3A_192 : i32 to index
      %get3A_227 = arith.constant 16 : index
      %get3A_228 = tpu.vector_load %arg13[%get3A_226, %get3A_227] {strides = array<i32>} : memref<16x384xf32, #tpu.memory_space<vmem>>, vector<1x16xf32>,
      %get3A_229 = vector.shape_cast %get3A_228 : vector<1x16xf32> to vector<16xf32>
      %add3A_230 = arith.addf %add3A_225, %get3A_229 : vector<16xf32>
      %swap3A_231 = arith.index_cast %scan3A_192 : i32 to index
      %swap3A_232 = arith.constant 16 : index
      %swap3A_233 = tpu.vector_load %arg14[%swap3A_231, %swap3A_232] {strides = array<i32>} : memref<16x384xf32, #tpu.memory_space<vmem>>, vector<1x16xf32>,
      %swap3A_234 = vector.shape_cast %swap3A_233 : vector<1x16xf32> to vector<16xf32>
      %swap3A_235 = vector.shape_cast %add3A_230 : vector<16xf32> to vector<1x16xf32>
      tpu.vector_store %arg14[%swap3A_231, %swap3A_232], %swap3A_235 {strides = array<i32>} : memref<16x384xf32, #tpu.memory_space<vmem>>, vector<1x16xf32>,
      %get3A_236 = arith.index_cast %scan3A_192 : i32 to index
      %get3A_237 = arith.constant 32 : index
      %get3A_238 = tpu.vector_load %arg11[%get3A_236, %get3A_237] {strides = array<i32>} : memref<16x384xf32, #tpu.memory_space<vmem>>, vector<1x16xf32>,
      %get3A_239 = vector.shape_cast %get3A_238 : vector<1x16xf32> to vector<16xf32>
      %mul3A_240 = arith.mulf %get3A_60, %get3A_239 : vector<16xf32>
      %get3A_241 = arith.index_cast %scan3A_192 : i32 to index
      %get3A_242 = arith.constant 32 : index
      %get3A_243 = tpu.vector_load %arg12[%get3A_241, %get3A_242] {strides = array<i32>} : memref<16x384xf32, #tpu.memory_space<vmem>>, vector<1x16xf32>,
      %get3A_244 = vector.shape_cast %get3A_243 : vector<1x16xf32> to vector<16xf32>
      %mul3A_245 = arith.mulf %get3A_63, %get3A_244 : vector<16xf32>
      %add3A_246 = arith.addf %mul3A_240, %mul3A_245 : vector<16xf32>
      %get3A_247 = arith.index_cast %scan3A_192 : i32 to index
      %get3A_248 = arith.constant 32 : index
      %get3A_249 = tpu.vector_load %arg13[%get3A_247, %get3A_248] {strides = array<i32>} : memref<16x384xf32, #tpu.memory_space<vmem>>, vector<1x16xf32>,
      %get3A_250 = vector.shape_cast %get3A_249 : vector<1x16xf32> to vector<16xf32>
      %add3A_251 = arith.addf %add3A_246, %get3A_250 : vector<16xf32>
      %swap3A_252 = arith.index_cast %scan3A_192 : i32 to index
      %swap3A_253 = arith.constant 32 : index
      %swap3A_254 = tpu.vector_load %arg14[%swap3A_252, %swap3A_253] {strides = array<i32>} : memref<16x384xf32, #tpu.memory_space<vmem>>, vector<1x16xf32>,
      %swap3A_255 = vector.shape_cast %swap3A_254 : vector<1x16xf32> to vector<16xf32>
      %swap3A_256 = vector.shape_cast %add3A_251 : vector<16xf32> to vector<1x16xf32>
      tpu.vector_store %arg14[%swap3A_252, %swap3A_253], %swap3A_256 {strides = array<i32>} : memref<16x384xf32, #tpu.memory_space<vmem>>, vector<1x16xf32>,
      %get3A_257 = arith.index_cast %scan3A_192 : i32 to index
      %get3A_258 = arith.constant 48 : index
      %get3A_259 = tpu.vector_load %arg11[%get3A_257, %get3A_258] {strides = array<i32>} : memref<16x384xf32, #tpu.memory_space<vmem>>, vector<1x16xf32>,
      %get3A_260 = vector.shape_cast %get3A_259 : vector<1x16xf32> to vector<16xf32>
      %mul3A_261 = arith.mulf %get3A_60, %get3A_260 : vector<16xf32>
      %get3A_262 = arith.index_cast %scan3A_192 : i32 to index
      %get3A_263 = arith.constant 48 : index
      %get3A_264 = tpu.vector_load %arg12[%get3A_262, %get3A_263] {strides = array<i32>} : memref<16x384xf32, #tpu.memory_space<vmem>>, vector<1x16xf32>,
      %get3A_265 = vector.shape_cast %get3A_264 : vector<1x16xf32> to vector<16xf32>
      %mul3A_266 = arith.mulf %get3A_63, %get3A_265 : vector<16xf32>
      %add3A_267 = arith.addf %mul3A_261, %mul3A_266 : vector<16xf32>
      %get3A_268 = arith.index_cast %scan3A_192 : i32 to index
      %get3A_269 = arith.constant 48 : index
      %get3A_270 = tpu.vector_load %arg13[%get3A_268, %get3A_269] {strides = array<i32>} : memref<16x384xf32, #tpu.memory_space<vmem>>, vector<1x16xf32>,
      %get3A_271 = vector.shape_cast %get3A_270 : vector<1x16xf32> to vector<16xf32>
      %add3A_272 = arith.addf %add3A_267, %get3A_271 : vector<16xf32>
      %swap3A_273 = arith.index_cast %scan3A_192 : i32 to index
      %swap3A_274 = arith.constant 48 : index
      %swap3A_275 = tpu.vector_load %arg14[%swap3A_273, %swap3A_274] {strides = array<i32>} : memref<16x384xf32, #tpu.memory_space<vmem>>, vector<1x16xf32>,
      %swap3A_276 = vector.shape_cast %swap3A_275 : vector<1x16xf32> to vector<16xf32>
      %swap3A_277 = vector.shape_cast %add3A_272 : vector<16xf32> to vector<1x16xf32>
      tpu.vector_store %arg14[%swap3A_273, %swap3A_274], %swap3A_277 {strides = array<i32>} : memref<16x384xf32, #tpu.memory_space<vmem>>, vector<1x16xf32>,
      %get3A_278 = arith.index_cast %scan3A_192 : i32 to index
      %get3A_279 = arith.constant 64 : index
      %get3A_280 = tpu.vector_load %arg11[%get3A_278, %get3A_279] {strides = array<i32>} : memref<16x384xf32, #tpu.memory_space<vmem>>, vector<1x16xf32>,
      %get3A_281 = vector.shape_cast %get3A_280 : vector<1x16xf32> to vector<16xf32>
      %mul3A_282 = arith.mulf %get3A_60, %get3A_281 : vector<16xf32>
      %get3A_283 = arith.index_cast %scan3A_192 : i32 to index
      %get3A_284 = arith.constant 64 : index
      %get3A_285 = tpu.vector_load %arg12[%get3A_283, %get3A_284] {strides = array<i32>} : memref<16x384xf32, #tpu.memory_space<vmem>>, vector<1x16xf32>,
      %get3A_286 = vector.shape_cast %get3A_285 : vector<1x16xf32> to vector<16xf32>
      %mul3A_287 = arith.mulf %get3A_63, %get3A_286 : vector<16xf32>
      %add3A_288 = arith.addf %mul3A_282, %mul3A_287 : vector<16xf32>
      %get3A_289 = arith.index_cast %scan3A_192 : i32 to index
      %get3A_290 = arith.constant 64 : index
      %get3A_291 = tpu.vector_load %arg13[%get3A_289, %get3A_290] {strides = array<i32>} : memref<16x384xf32, #tpu.memory_space<vmem>>, vector<1x16xf32>,
      %get3A_292 = vector.shape_cast %get3A_291 : vector<1x16xf32> to vector<16xf32>
      %add3A_293 = arith.addf %add3A_288, %get3A_292 : vector<16xf32>
      %swap3A_294 = arith.index_cast %scan3A_192 : i32 to index
      %swap3A_295 = arith.constant 64 : index
      %swap3A_296 = tpu.vector_load %arg14[%swap3A_294, %swap3A_295] {strides = array<i32>} : memref<16x384xf32, #tpu.memory_space<vmem>>, vector<1x16xf32>,
      %swap3A_297 = vector.shape_cast %swap3A_296 : vector<1x16xf32> to vector<16xf32>
      %swap3A_298 = vector.shape_cast %add3A_293 : vector<16xf32> to vector<1x16xf32>
      tpu.vector_store %arg14[%swap3A_294, %swap3A_295], %swap3A_298 {strides = array<i32>} : memref<16x384xf32, #tpu.memory_space<vmem>>, vector<1x16xf32>,
      %get3A_299 = arith.index_cast %scan3A_192 : i32 to index
      %get3A_300 = arith.constant 80 : index
      %get3A_301 = tpu.vector_load %arg11[%get3A_299, %get3A_300] {strides = array<i32>} : memref<16x384xf32, #tpu.memory_space<vmem>>, vector<1x16xf32>,
      %get3A_302 = vector.shape_cast %get3A_301 : vector<1x16xf32> to vector<16xf32>
      %mul3A_303 = arith.mulf %get3A_60, %get3A_302 : vector<16xf32>
      %get3A_304 = arith.index_cast %scan3A_192 : i32 to index
      %get3A_305 = arith.constant 80 : index
      %get3A_306 = tpu.vector_load %arg12[%get3A_304, %get3A_305] {strides = array<i32>} : memref<16x384xf32, #tpu.memory_space<vmem>>, vector<1x16xf32>,
      %get3A_307 = vector.shape_cast %get3A_306 : vector<1x16xf32> to vector<16xf32>
      %mul3A_308 = arith.mulf %get3A_63, %get3A_307 : vector<16xf32>
      %add3A_309 = arith.addf %mul3A_303, %mul3A_308 : vector<16xf32>
      %get3A_310 = arith.index_cast %scan3A_192 : i32 to index
      %get3A_311 = arith.constant 80 : index
      %get3A_312 = tpu.vector_load %arg13[%get3A_310, %get3A_311] {strides = array<i32>} : memref<16x384xf32, #tpu.memory_space<vmem>>, vector<1x16xf32>,
      %get3A_313 = vector.shape_cast %get3A_312 : vector<1x16xf32> to vector<16xf32>
      %add3A_314 = arith.addf %add3A_309, %get3A_313 : vector<16xf32>
      %swap3A_315 = arith.index_cast %scan3A_192 : i32 to index
      %swap3A_316 = arith.constant 80 : index
      %swap3A_317 = tpu.vector_load %arg14[%swap3A_315, %swap3A_316] {strides = array<i32>} : memref<16x384xf32, #tpu.memory_space<vmem>>, vector<1x16xf32>,
      %swap3A_318 = vector.shape_cast %swap3A_317 : vector<1x16xf32> to vector<16xf32>
      %swap3A_319 = vector.shape_cast %add3A_314 : vector<16xf32> to vector<1x16xf32>
      tpu.vector_store %arg14[%swap3A_315, %swap3A_316], %swap3A_319 {strides = array<i32>} : memref<16x384xf32, #tpu.memory_space<vmem>>, vector<1x16xf32>,
      %get3A_320 = arith.index_cast %scan3A_192 : i32 to index
      %get3A_321 = arith.constant 96 : index
      %get3A_322 = tpu.vector_load %arg11[%get3A_320, %get3A_321] {strides = array<i32>} : memref<16x384xf32, #tpu.memory_space<vmem>>, vector<1x16xf32>,
      %get3A_323 = vector.shape_cast %get3A_322 : vector<1x16xf32> to vector<16xf32>
      %mul3A_324 = arith.mulf %get3A_60, %get3A_323 : vector<16xf32>
      %get3A_325 = arith.index_cast %scan3A_192 : i32 to index
      %get3A_326 = arith.constant 96 : index
      %get3A_327 = tpu.vector_load %arg12[%get3A_325, %get3A_326] {strides = array<i32>} : memref<16x384xf32, #tpu.memory_space<vmem>>, vector<1x16xf32>,
      %get3A_328 = vector.shape_cast %get3A_327 : vector<1x16xf32> to vector<16xf32>
      %mul3A_329 = arith.mulf %get3A_63, %get3A_328 : vector<16xf32>
      %add3A_330 = arith.addf %mul3A_324, %mul3A_329 : vector<16xf32>
      %get3A_331 = arith.index_cast %scan3A_192 : i32 to index
      %get3A_332 = arith.constant 96 : index
      %get3A_333 = tpu.vector_load %arg13[%get3A_331, %get3A_332] {strides = array<i32>} : memref<16x384xf32, #tpu.memory_space<vmem>>, vector<1x16xf32>,
      %get3A_334 = vector.shape_cast %get3A_333 : vector<1x16xf32> to vector<16xf32>
      %add3A_335 = arith.addf %add3A_330, %get3A_334 : vector<16xf32>
      %swap3A_336 = arith.index_cast %scan3A_192 : i32 to index
      %swap3A_337 = arith.constant 96 : index
      %swap3A_338 = tpu.vector_load %arg14[%swap3A_336, %swap3A_337] {strides = array<i32>} : memref<16x384xf32, #tpu.memory_space<vmem>>, vector<1x16xf32>,
      %swap3A_339 = vector.shape_cast %swap3A_338 : vector<1x16xf32> to vector<16xf32>
      %swap3A_340 = vector.shape_cast %add3A_335 : vector<16xf32> to vector<1x16xf32>
      tpu.vector_store %arg14[%swap3A_336, %swap3A_337], %swap3A_340 {strides = array<i32>} : memref<16x384xf32, #tpu.memory_space<vmem>>, vector<1x16xf32>,
      %get3A_341 = arith.index_cast %scan3A_192 : i32 to index
      %get3A_342 = arith.constant 112 : index
      %get3A_343 = tpu.vector_load %arg11[%get3A_341, %get3A_342] {strides = array<i32>} : memref<16x384xf32, #tpu.memory_space<vmem>>, vector<1x16xf32>,
      %get3A_344 = vector.shape_cast %get3A_343 : vector<1x16xf32> to vector<16xf32>
      %mul3A_345 = arith.mulf %get3A_60, %get3A_344 : vector<16xf32>
      %get3A_346 = arith.index_cast %scan3A_192 : i32 to index
      %get3A_347 = arith.constant 112 : index
      %get3A_348 = tpu.vector_load %arg12[%get3A_346, %get3A_347] {strides = array<i32>} : memref<16x384xf32, #tpu.memory_space<vmem>>, vector<1x16xf32>,
      %get3A_349 = vector.shape_cast %get3A_348 : vector<1x16xf32> to vector<16xf32>
      %mul3A_350 = arith.mulf %get3A_63, %get3A_349 : vector<16xf32>
      %add3A_351 = arith.addf %mul3A_345, %mul3A_350 : vector<16xf32>
      %get3A_352 = arith.index_cast %scan3A_192 : i32 to index
      %get3A_353 = arith.constant 112 : index
      %get3A_354 = tpu.vector_load %arg13[%get3A_352, %get3A_353] {strides = array<i32>} : memref<16x384xf32, #tpu.memory_space<vmem>>, vector<1x16xf32>,
      %get3A_355 = vector.shape_cast %get3A_354 : vector<1x16xf32> to vector<16xf32>
      %add3A_356 = arith.addf %add3A_351, %get3A_355 : vector<16xf32>
      %swap3A_357 = arith.index_cast %scan3A_192 : i32 to index
      %swap3A_358 = arith.constant 112 : index
      %swap3A_359 = tpu.vector_load %arg14[%swap3A_357, %swap3A_358] {strides = array<i32>} : memref<16x384xf32, #tpu.memory_space<vmem>>, vector<1x16xf32>,
      %swap3A_360 = vector.shape_cast %swap3A_359 : vector<1x16xf32> to vector<16xf32>
      %swap3A_361 = vector.shape_cast %add3A_356 : vector<16xf32> to vector<1x16xf32>
      tpu.vector_store %arg14[%swap3A_357, %swap3A_358], %swap3A_361 {strides = array<i32>} : memref<16x384xf32, #tpu.memory_space<vmem>>, vector<1x16xf32>,
      %get3A_362 = arith.index_cast %scan3A_192 : i32 to index
      %get3A_363 = arith.constant 128 : index
      %get3A_364 = tpu.vector_load %arg11[%get3A_362, %get3A_363] {strides = array<i32>} : memref<16x384xf32, #tpu.memory_space<vmem>>, vector<1x16xf32>,
      %get3A_365 = vector.shape_cast %get3A_364 : vector<1x16xf32> to vector<16xf32>
      %mul3A_366 = arith.mulf %get3A_60, %get3A_365 : vector<16xf32>
      %get3A_367 = arith.index_cast %scan3A_192 : i32 to index
      %get3A_368 = arith.constant 128 : index
      %get3A_369 = tpu.vector_load %arg12[%get3A_367, %get3A_368] {strides = array<i32>} : memref<16x384xf32, #tpu.memory_space<vmem>>, vector<1x16xf32>,
      %get3A_370 = vector.shape_cast %get3A_369 : vector<1x16xf32> to vector<16xf32>
      %mul3A_371 = arith.mulf %get3A_63, %get3A_370 : vector<16xf32>
      %add3A_372 = arith.addf %mul3A_366, %mul3A_371 : vector<16xf32>
      %get3A_373 = arith.index_cast %scan3A_192 : i32 to index
      %get3A_374 = arith.constant 128 : index
      %get3A_375 = tpu.vector_load %arg13[%get3A_373, %get3A_374] {strides = array<i32>} : memref<16x384xf32, #tpu.memory_space<vmem>>, vector<1x16xf32>,
      %get3A_376 = vector.shape_cast %get3A_375 : vector<1x16xf32> to vector<16xf32>
      %add3A_377 = arith.addf %add3A_372, %get3A_376 : vector<16xf32>
      %swap3A_378 = arith.index_cast %scan3A_192 : i32 to index
      %swap3A_379 = arith.constant 128 : index
      %swap3A_380 = tpu.vector_load %arg14[%swap3A_378, %swap3A_379] {strides = array<i32>} : memref<16x384xf32, #tpu.memory_space<vmem>>, vector<1x16xf32>,
      %swap3A_381 = vector.shape_cast %swap3A_380 : vector<1x16xf32> to vector<16xf32>
      %swap3A_382 = vector.shape_cast %add3A_377 : vector<16xf32> to vector<1x16xf32>
      tpu.vector_store %arg14[%swap3A_378, %swap3A_379], %swap3A_382 {strides = array<i32>} : memref<16x384xf32, #tpu.memory_space<vmem>>, vector<1x16xf32>,
      %get3A_383 = arith.index_cast %scan3A_192 : i32 to index
      %get3A_384 = arith.constant 144 : index
      %get3A_385 = tpu.vector_load %arg11[%get3A_383, %get3A_384] {strides = array<i32>} : memref<16x384xf32, #tpu.memory_space<vmem>>, vector<1x16xf32>,
      %get3A_386 = vector.shape_cast %get3A_385 : vector<1x16xf32> to vector<16xf32>
      %mul3A_387 = arith.mulf %get3A_60, %get3A_386 : vector<16xf32>
      %get3A_388 = arith.index_cast %scan3A_192 : i32 to index
      %get3A_389 = arith.constant 144 : index
      %get3A_390 = tpu.vector_load %arg12[%get3A_388, %get3A_389] {strides = array<i32>} : memref<16x384xf32, #tpu.memory_space<vmem>>, vector<1x16xf32>,
      %get3A_391 = vector.shape_cast %get3A_390 : vector<1x16xf32> to vector<16xf32>
      %mul3A_392 = arith.mulf %get3A_63, %get3A_391 : vector<16xf32>
      %add3A_393 = arith.addf %mul3A_387, %mul3A_392 : vector<16xf32>
      %get3A_394 = arith.index_cast %scan3A_192 : i32 to index
      %get3A_395 = arith.constant 144 : index
      %get3A_396 = tpu.vector_load %arg13[%get3A_394, %get3A_395] {strides = array<i32>} : memref<16x384xf32, #tpu.memory_space<vmem>>, vector<1x16xf32>,
      %get3A_397 = vector.shape_cast %get3A_396 : vector<1x16xf32> to vector<16xf32>
      %add3A_398 = arith.addf %add3A_393, %get3A_397 : vector<16xf32>
      %swap3A_399 = arith.index_cast %scan3A_192 : i32 to index
      %swap3A_400 = arith.constant 144 : index
      %swap3A_401 = tpu.vector_load %arg14[%swap3A_399, %swap3A_400] {strides = array<i32>} : memref<16x384xf32, #tpu.memory_space<vmem>>, vector<1x16xf32>,
      %swap3A_402 = vector.shape_cast %swap3A_401 : vector<1x16xf32> to vector<16xf32>
      %swap3A_403 = vector.shape_cast %add3A_398 : vector<16xf32> to vector<1x16xf32>
      tpu.vector_store %arg14[%swap3A_399, %swap3A_400], %swap3A_403 {strides = array<i32>} : memref<16x384xf32, #tpu.memory_space<vmem>>, vector<1x16xf32>,
      %get3A_404 = arith.index_cast %scan3A_192 : i32 to index
      %get3A_405 = arith.constant 160 : index
      %get3A_406 = tpu.vector_load %arg11[%get3A_404, %get3A_405] {strides = array<i32>} : memref<16x384xf32, #tpu.memory_space<vmem>>, vector<1x16xf32>,
      %get3A_407 = vector.shape_cast %get3A_406 : vector<1x16xf32> to vector<16xf32>
      %mul3A_408 = arith.mulf %get3A_60, %get3A_407 : vector<16xf32>
      %get3A_409 = arith.index_cast %scan3A_192 : i32 to index
      %get3A_410 = arith.constant 160 : index
      %get3A_411 = tpu.vector_load %arg12[%get3A_409, %get3A_410] {strides = array<i32>} : memref<16x384xf32, #tpu.memory_space<vmem>>, vector<1x16xf32>,
      %get3A_412 = vector.shape_cast %get3A_411 : vector<1x16xf32> to vector<16xf32>
      %mul3A_413 = arith.mulf %get3A_63, %get3A_412 : vector<16xf32>
      %add3A_414 = arith.addf %mul3A_408, %mul3A_413 : vector<16xf32>
      %get3A_415 = arith.index_cast %scan3A_192 : i32 to index
      %get3A_416 = arith.constant 160 : index
      %get3A_417 = tpu.vector_load %arg13[%get3A_415, %get3A_416] {strides = array<i32>} : memref<16x384xf32, #tpu.memory_space<vmem>>, vector<1x16xf32>,
      %get3A_418 = vector.shape_cast %get3A_417 : vector<1x16xf32> to vector<16xf32>
      %add3A_419 = arith.addf %add3A_414, %get3A_418 : vector<16xf32>
      %swap3A_420 = arith.index_cast %scan3A_192 : i32 to index
      %swap3A_421 = arith.constant 160 : index
      %swap3A_422 = tpu.vector_load %arg14[%swap3A_420, %swap3A_421] {strides = array<i32>} : memref<16x384xf32, #tpu.memory_space<vmem>>, vector<1x16xf32>,
      %swap3A_423 = vector.shape_cast %swap3A_422 : vector<1x16xf32> to vector<16xf32>
      %swap3A_424 = vector.shape_cast %add3A_419 : vector<16xf32> to vector<1x16xf32>
      tpu.vector_store %arg14[%swap3A_420, %swap3A_421], %swap3A_424 {strides = array<i32>} : memref<16x384xf32, #tpu.memory_space<vmem>>, vector<1x16xf32>,
      %get3A_425 = arith.index_cast %scan3A_192 : i32 to index
      %get3A_426 = arith.constant 176 : index
      %get3A_427 = tpu.vector_load %arg11[%get3A_425, %get3A_426] {strides = array<i32>} : memref<16x384xf32, #tpu.memory_space<vmem>>, vector<1x16xf32>,
      %get3A_428 = vector.shape_cast %get3A_427 : vector<1x16xf32> to vector<16xf32>
      %mul3A_429 = arith.mulf %get3A_60, %get3A_428 : vector<16xf32>
      %get3A_430 = arith.index_cast %scan3A_192 : i32 to index
      %get3A_431 = arith.constant 176 : index
      %get3A_432 = tpu.vector_load %arg12[%get3A_430, %get3A_431] {strides = array<i32>} : memref<16x384xf32, #tpu.memory_space<vmem>>, vector<1x16xf32>,
      %get3A_433 = vector.shape_cast %get3A_432 : vector<1x16xf32> to vector<16xf32>
      %mul3A_434 = arith.mulf %get3A_63, %get3A_433 : vector<16xf32>
      %add3A_435 = arith.addf %mul3A_429, %mul3A_434 : vector<16xf32>
      %get3A_436 = arith.index_cast %scan3A_192 : i32 to index
      %get3A_437 = arith.constant 176 : index
      %get3A_438 = tpu.vector_load %arg13[%get3A_436, %get3A_437] {strides = array<i32>} : memref<16x384xf32, #tpu.memory_space<vmem>>, vector<1x16xf32>,
      %get3A_439 = vector.shape_cast %get3A_438 : vector<1x16xf32> to vector<16xf32>
      %add3A_440 = arith.addf %add3A_435, %get3A_439 : vector<16xf32>
      %swap3A_441 = arith.index_cast %scan3A_192 : i32 to index
      %swap3A_442 = arith.constant 176 : index
      %swap3A_443 = tpu.vector_load %arg14[%swap3A_441, %swap3A_442] {strides = array<i32>} : memref<16x384xf32, #tpu.memory_space<vmem>>, vector<1x16xf32>,
      %swap3A_444 = vector.shape_cast %swap3A_443 : vector<1x16xf32> to vector<16xf32>
      %swap3A_445 = vector.shape_cast %add3A_440 : vector<16xf32> to vector<1x16xf32>
      tpu.vector_store %arg14[%swap3A_441, %swap3A_442], %swap3A_445 {strides = array<i32>} : memref<16x384xf32, #tpu.memory_space<vmem>>, vector<1x16xf32>,
      %get3A_446 = arith.index_cast %scan3A_192 : i32 to index
      %get3A_447 = arith.constant 192 : index
      %get3A_448 = tpu.vector_load %arg11[%get3A_446, %get3A_447] {strides = array<i32>} : memref<16x384xf32, #tpu.memory_space<vmem>>, vector<1x16xf32>,
      %get3A_449 = vector.shape_cast %get3A_448 : vector<1x16xf32> to vector<16xf32>
      %mul3A_450 = arith.mulf %get3A_60, %get3A_449 : vector<16xf32>
      %get3A_451 = arith.index_cast %scan3A_192 : i32 to index
      %get3A_452 = arith.constant 192 : index
      %get3A_453 = tpu.vector_load %arg12[%get3A_451, %get3A_452] {strides = array<i32>} : memref<16x384xf32, #tpu.memory_space<vmem>>, vector<1x16xf32>,
      %get3A_454 = vector.shape_cast %get3A_453 : vector<1x16xf32> to vector<16xf32>
      %mul3A_455 = arith.mulf %get3A_63, %get3A_454 : vector<16xf32>
      %add3A_456 = arith.addf %mul3A_450, %mul3A_455 : vector<16xf32>
      %get3A_457 = arith.index_cast %scan3A_192 : i32 to index
      %get3A_458 = arith.constant 192 : index
      %get3A_459 = tpu.vector_load %arg13[%get3A_457, %get3A_458] {strides = array<i32>} : memref<16x384xf32, #tpu.memory_space<vmem>>, vector<1x16xf32>,
      %get3A_460 = vector.shape_cast %get3A_459 : vector<1x16xf32> to vector<16xf32>
      %add3A_461 = arith.addf %add3A_456, %get3A_460 : vector<16xf32>
      %swap3A_462 = arith.index_cast %scan3A_192 : i32 to index
      %swap3A_463 = arith.constant 192 : index
      %swap3A_464 = tpu.vector_load %arg14[%swap3A_462, %swap3A_463] {strides = array<i32>} : memref<16x384xf32, #tpu.memory_space<vmem>>, vector<1x16xf32>,
      %swap3A_465 = vector.shape_cast %swap3A_464 : vector<1x16xf32> to vector<16xf32>
      %swap3A_466 = vector.shape_cast %add3A_461 : vector<16xf32> to vector<1x16xf32>
      tpu.vector_store %arg14[%swap3A_462, %swap3A_463], %swap3A_466 {strides = array<i32>} : memref<16x384xf32, #tpu.memory_space<vmem>>, vector<1x16xf32>,
      %get3A_467 = arith.index_cast %scan3A_192 : i32 to index
      %get3A_468 = arith.constant 208 : index
      %get3A_469 = tpu.vector_load %arg11[%get3A_467, %get3A_468] {strides = array<i32>} : memref<16x384xf32, #tpu.memory_space<vmem>>, vector<1x16xf32>,
      %get3A_470 = vector.shape_cast %get3A_469 : vector<1x16xf32> to vector<16xf32>
      %mul3A_471 = arith.mulf %get3A_60, %get3A_470 : vector<16xf32>
      %get3A_472 = arith.index_cast %scan3A_192 : i32 to index
      %get3A_473 = arith.constant 208 : index
      %get3A_474 = tpu.vector_load %arg12[%get3A_472, %get3A_473] {strides = array<i32>} : memref<16x384xf32, #tpu.memory_space<vmem>>, vector<1x16xf32>,
      %get3A_475 = vector.shape_cast %get3A_474 : vector<1x16xf32> to vector<16xf32>
      %mul3A_476 = arith.mulf %get3A_63, %get3A_475 : vector<16xf32>
      %add3A_477 = arith.addf %mul3A_471, %mul3A_476 : vector<16xf32>
      %get3A_478 = arith.index_cast %scan3A_192 : i32 to index
      %get3A_479 = arith.constant 208 : index
      %get3A_480 = tpu.vector_load %arg13[%get3A_478, %get3A_479] {strides = array<i32>} : memref<16x384xf32, #tpu.memory_space<vmem>>, vector<1x16xf32>,
      %get3A_481 = vector.shape_cast %get3A_480 : vector<1x16xf32> to vector<16xf32>
      %add3A_482 = arith.addf %add3A_477, %get3A_481 : vector<16xf32>
      %swap3A_483 = arith.index_cast %scan3A_192 : i32 to index
      %swap3A_484 = arith.constant 208 : index
      %swap3A_485 = tpu.vector_load %arg14[%swap3A_483, %swap3A_484] {strides = array<i32>} : memref<16x384xf32, #tpu.memory_space<vmem>>, vector<1x16xf32>,
      %swap3A_486 = vector.shape_cast %swap3A_485 : vector<1x16xf32> to vector<16xf32>
      %swap3A_487 = vector.shape_cast %add3A_482 : vector<16xf32> to vector<1x16xf32>
      tpu.vector_store %arg14[%swap3A_483, %swap3A_484], %swap3A_487 {strides = array<i32>} : memref<16x384xf32, #tpu.memory_space<vmem>>, vector<1x16xf32>,
      %get3A_488 = arith.index_cast %scan3A_192 : i32 to index
      %get3A_489 = arith.constant 224 : index
      %get3A_490 = tpu.vector_load %arg11[%get3A_488, %get3A_489] {strides = array<i32>} : memref<16x384xf32, #tpu.memory_space<vmem>>, vector<1x16xf32>,
      %get3A_491 = vector.shape_cast %get3A_490 : vector<1x16xf32> to vector<16xf32>
      %mul3A_492 = arith.mulf %get3A_60, %get3A_491 : vector<16xf32>
      %get3A_493 = arith.index_cast %scan3A_192 : i32 to index
      %get3A_494 = arith.constant 224 : index
      %get3A_495 = tpu.vector_load %arg12[%get3A_493, %get3A_494] {strides = array<i32>} : memref<16x384xf32, #tpu.memory_space<vmem>>, vector<1x16xf32>,
      %get3A_496 = vector.shape_cast %get3A_495 : vector<1x16xf32> to vector<16xf32>
      %mul3A_497 = arith.mulf %get3A_63, %get3A_496 : vector<16xf32>
      %add3A_498 = arith.addf %mul3A_492, %mul3A_497 : vector<16xf32>
      %get3A_499 = arith.index_cast %scan3A_192 : i32 to index
      %get3A_500 = arith.constant 224 : index
      %get3A_501 = tpu.vector_load %arg13[%get3A_499, %get3A_500] {strides = array<i32>} : memref<16x384xf32, #tpu.memory_space<vmem>>, vector<1x16xf32>,
      %get3A_502 = vector.shape_cast %get3A_501 : vector<1x16xf32> to vector<16xf32>
      %add3A_503 = arith.addf %add3A_498, %get3A_502 : vector<16xf32>
      %swap3A_504 = arith.index_cast %scan3A_192 : i32 to index
      %swap3A_505 = arith.constant 224 : index
      %swap3A_506 = tpu.vector_load %arg14[%swap3A_504, %swap3A_505] {strides = array<i32>} : memref<16x384xf32, #tpu.memory_space<vmem>>, vector<1x16xf32>,
      %swap3A_507 = vector.shape_cast %swap3A_506 : vector<1x16xf32> to vector<16xf32>
      %swap3A_508 = vector.shape_cast %add3A_503 : vector<16xf32> to vector<1x16xf32>
      tpu.vector_store %arg14[%swap3A_504, %swap3A_505], %swap3A_508 {strides = array<i32>} : memref<16x384xf32, #tpu.memory_space<vmem>>, vector<1x16xf32>,
      %get3A_509 = arith.index_cast %scan3A_192 : i32 to index
      %get3A_510 = arith.constant 240 : index
      %get3A_511 = tpu.vector_load %arg11[%get3A_509, %get3A_510] {strides = array<i32>} : memref<16x384xf32, #tpu.memory_space<vmem>>, vector<1x16xf32>,
      %get3A_512 = vector.shape_cast %get3A_511 : vector<1x16xf32> to vector<16xf32>
      %mul3A_513 = arith.mulf %get3A_60, %get3A_512 : vector<16xf32>
      %get3A_514 = arith.index_cast %scan3A_192 : i32 to index
      %get3A_515 = arith.constant 240 : index
      %get3A_516 = tpu.vector_load %arg12[%get3A_514, %get3A_515] {strides = array<i32>} : memref<16x384xf32, #tpu.memory_space<vmem>>, vector<1x16xf32>,
      %get3A_517 = vector.shape_cast %get3A_516 : vector<1x16xf32> to vector<16xf32>
      %mul3A_518 = arith.mulf %get3A_63, %get3A_517 : vector<16xf32>
      %add3A_519 = arith.addf %mul3A_513, %mul3A_518 : vector<16xf32>
      %get3A_520 = arith.index_cast %scan3A_192 : i32 to index
      %get3A_521 = arith.constant 240 : index
      %get3A_522 = tpu.vector_load %arg13[%get3A_520, %get3A_521] {strides = array<i32>} : memref<16x384xf32, #tpu.memory_space<vmem>>, vector<1x16xf32>,
      %get3A_523 = vector.shape_cast %get3A_522 : vector<1x16xf32> to vector<16xf32>
      %add3A_524 = arith.addf %add3A_519, %get3A_523 : vector<16xf32>
      %swap3A_525 = arith.index_cast %scan3A_192 : i32 to index
      %swap3A_526 = arith.constant 240 : index
      %swap3A_527 = tpu.vector_load %arg14[%swap3A_525, %swap3A_526] {strides = array<i32>} : memref<16x384xf32, #tpu.memory_space<vmem>>, vector<1x16xf32>,
      %swap3A_528 = vector.shape_cast %swap3A_527 : vector<1x16xf32> to vector<16xf32>
      %swap3A_529 = vector.shape_cast %add3A_524 : vector<16xf32> to vector<1x16xf32>
      tpu.vector_store %arg14[%swap3A_525, %swap3A_526], %swap3A_529 {strides = array<i32>} : memref<16x384xf32, #tpu.memory_space<vmem>>, vector<1x16xf32>,
      %get3A_530 = arith.index_cast %scan3A_192 : i32 to index
      %get3A_531 = arith.constant 256 : index
      %get3A_532 = tpu.vector_load %arg11[%get3A_530, %get3A_531] {strides = array<i32>} : memref<16x384xf32, #tpu.memory_space<vmem>>, vector<1x16xf32>,
      %get3A_533 = vector.shape_cast %get3A_532 : vector<1x16xf32> to vector<16xf32>
      %mul3A_534 = arith.mulf %get3A_60, %get3A_533 : vector<16xf32>
      %get3A_535 = arith.index_cast %scan3A_192 : i32 to index
      %get3A_536 = arith.constant 256 : index
      %get3A_537 = tpu.vector_load %arg12[%get3A_535, %get3A_536] {strides = array<i32>} : memref<16x384xf32, #tpu.memory_space<vmem>>, vector<1x16xf32>,
      %get3A_538 = vector.shape_cast %get3A_537 : vector<1x16xf32> to vector<16xf32>
      %mul3A_539 = arith.mulf %get3A_63, %get3A_538 : vector<16xf32>
      %add3A_540 = arith.addf %mul3A_534, %mul3A_539 : vector<16xf32>
      %get3A_541 = arith.index_cast %scan3A_192 : i32 to index
      %get3A_542 = arith.constant 256 : index
      %get3A_543 = tpu.vector_load %arg13[%get3A_541, %get3A_542] {strides = array<i32>} : memref<16x384xf32, #tpu.memory_space<vmem>>, vector<1x16xf32>,
      %get3A_544 = vector.shape_cast %get3A_543 : vector<1x16xf32> to vector<16xf32>
      %add3A_545 = arith.addf %add3A_540, %get3A_544 : vector<16xf32>
      %swap3A_546 = arith.index_cast %scan3A_192 : i32 to index
      %swap3A_547 = arith.constant 256 : index
      %swap3A_548 = tpu.vector_load %arg14[%swap3A_546, %swap3A_547] {strides = array<i32>} : memref<16x384xf32, #tpu.memory_space<vmem>>, vector<1x16xf32>,
      %swap3A_549 = vector.shape_cast %swap3A_548 : vector<1x16xf32> to vector<16xf32>
      %swap3A_550 = vector.shape_cast %add3A_545 : vector<16xf32> to vector<1x16xf32>
      tpu.vector_store %arg14[%swap3A_546, %swap3A_547], %swap3A_550 {strides = array<i32>} : memref<16x384xf32, #tpu.memory_space<vmem>>, vector<1x16xf32>,
      %get3A_551 = arith.index_cast %scan3A_192 : i32 to index
      %get3A_552 = arith.constant 272 : index
      %get3A_553 = tpu.vector_load %arg11[%get3A_551, %get3A_552] {strides = array<i32>} : memref<16x384xf32, #tpu.memory_space<vmem>>, vector<1x16xf32>,
      %get3A_554 = vector.shape_cast %get3A_553 : vector<1x16xf32> to vector<16xf32>
      %mul3A_555 = arith.mulf %get3A_60, %get3A_554 : vector<16xf32>
      %get3A_556 = arith.index_cast %scan3A_192 : i32 to index
      %get3A_557 = arith.constant 272 : index
      %get3A_558 = tpu.vector_load %arg12[%get3A_556, %get3A_557] {strides = array<i32>} : memref<16x384xf32, #tpu.memory_space<vmem>>, vector<1x16xf32>,
      %get3A_559 = vector.shape_cast %get3A_558 : vector<1x16xf32> to vector<16xf32>
      %mul3A_560 = arith.mulf %get3A_63, %get3A_559 : vector<16xf32>
      %add3A_561 = arith.addf %mul3A_555, %mul3A_560 : vector<16xf32>
      %get3A_562 = arith.index_cast %scan3A_192 : i32 to index
      %get3A_563 = arith.constant 272 : index
      %get3A_564 = tpu.vector_load %arg13[%get3A_562, %get3A_563] {strides = array<i32>} : memref<16x384xf32, #tpu.memory_space<vmem>>, vector<1x16xf32>,
      %get3A_565 = vector.shape_cast %get3A_564 : vector<1x16xf32> to vector<16xf32>
      %add3A_566 = arith.addf %add3A_561, %get3A_565 : vector<16xf32>
      %swap3A_567 = arith.index_cast %scan3A_192 : i32 to index
      %swap3A_568 = arith.constant 272 : index
      %swap3A_569 = tpu.vector_load %arg14[%swap3A_567, %swap3A_568] {strides = array<i32>} : memref<16x384xf32, #tpu.memory_space<vmem>>, vector<1x16xf32>,
      %swap3A_570 = vector.shape_cast %swap3A_569 : vector<1x16xf32> to vector<16xf32>
      %swap3A_571 = vector.shape_cast %add3A_566 : vector<16xf32> to vector<1x16xf32>
      tpu.vector_store %arg14[%swap3A_567, %swap3A_568], %swap3A_571 {strides = array<i32>} : memref<16x384xf32, #tpu.memory_space<vmem>>, vector<1x16xf32>,
      %get3A_572 = arith.index_cast %scan3A_192 : i32 to index
      %get3A_573 = arith.constant 288 : index
      %get3A_574 = tpu.vector_load %arg11[%get3A_572, %get3A_573] {strides = array<i32>} : memref<16x384xf32, #tpu.memory_space<vmem>>, vector<1x16xf32>,
      %get3A_575 = vector.shape_cast %get3A_574 : vector<1x16xf32> to vector<16xf32>
      %mul3A_576 = arith.mulf %get3A_60, %get3A_575 : vector<16xf32>
      %get3A_577 = arith.index_cast %scan3A_192 : i32 to index
      %get3A_578 = arith.constant 288 : index
      %get3A_579 = tpu.vector_load %arg12[%get3A_577, %get3A_578] {strides = array<i32>} : memref<16x384xf32, #tpu.memory_space<vmem>>, vector<1x16xf32>,
      %get3A_580 = vector.shape_cast %get3A_579 : vector<1x16xf32> to vector<16xf32>
      %mul3A_581 = arith.mulf %get3A_63, %get3A_580 : vector<16xf32>
      %add3A_582 = arith.addf %mul3A_576, %mul3A_581 : vector<16xf32>
      %get3A_583 = arith.index_cast %scan3A_192 : i32 to index
      %get3A_584 = arith.constant 288 : index
      %get3A_585 = tpu.vector_load %arg13[%get3A_583, %get3A_584] {strides = array<i32>} : memref<16x384xf32, #tpu.memory_space<vmem>>, vector<1x16xf32>,
      %get3A_586 = vector.shape_cast %get3A_585 : vector<1x16xf32> to vector<16xf32>
      %add3A_587 = arith.addf %add3A_582, %get3A_586 : vector<16xf32>
      %swap3A_588 = arith.index_cast %scan3A_192 : i32 to index
      %swap3A_589 = arith.constant 288 : index
      %swap3A_590 = tpu.vector_load %arg14[%swap3A_588, %swap3A_589] {strides = array<i32>} : memref<16x384xf32, #tpu.memory_space<vmem>>, vector<1x16xf32>,
      %swap3A_591 = vector.shape_cast %swap3A_590 : vector<1x16xf32> to vector<16xf32>
      %swap3A_592 = vector.shape_cast %add3A_587 : vector<16xf32> to vector<1x16xf32>
      tpu.vector_store %arg14[%swap3A_588, %swap3A_589], %swap3A_592 {strides = array<i32>} : memref<16x384xf32, #tpu.memory_space<vmem>>, vector<1x16xf32>,
      %get3A_593 = arith.index_cast %scan3A_192 : i32 to index
      %get3A_594 = arith.constant 304 : index
      %get3A_595 = tpu.vector_load %arg11[%get3A_593, %get3A_594] {strides = array<i32>} : memref<16x384xf32, #tpu.memory_space<vmem>>, vector<1x16xf32>,
      %get3A_596 = vector.shape_cast %get3A_595 : vector<1x16xf32> to vector<16xf32>
      %mul3A_597 = arith.mulf %get3A_60, %get3A_596 : vector<16xf32>
      %get3A_598 = arith.index_cast %scan3A_192 : i32 to index
      %get3A_599 = arith.constant 304 : index
      %get3A_600 = tpu.vector_load %arg12[%get3A_598, %get3A_599] {strides = array<i32>} : memref<16x384xf32, #tpu.memory_space<vmem>>, vector<1x16xf32>,
      %get3A_601 = vector.shape_cast %get3A_600 : vector<1x16xf32> to vector<16xf32>
      %mul3A_602 = arith.mulf %get3A_63, %get3A_601 : vector<16xf32>
      %add3A_603 = arith.addf %mul3A_597, %mul3A_602 : vector<16xf32>
      %get3A_604 = arith.index_cast %scan3A_192 : i32 to index
      %get3A_605 = arith.constant 304 : index
      %get3A_606 = tpu.vector_load %arg13[%get3A_604, %get3A_605] {strides = array<i32>} : memref<16x384xf32, #tpu.memory_space<vmem>>, vector<1x16xf32>,
      %get3A_607 = vector.shape_cast %get3A_606 : vector<1x16xf32> to vector<16xf32>
      %add3A_608 = arith.addf %add3A_603, %get3A_607 : vector<16xf32>
      %swap3A_609 = arith.index_cast %scan3A_192 : i32 to index
      %swap3A_610 = arith.constant 304 : index
      %swap3A_611 = tpu.vector_load %arg14[%swap3A_609, %swap3A_610] {strides = array<i32>} : memref<16x384xf32, #tpu.memory_space<vmem>>, vector<1x16xf32>,
      %swap3A_612 = vector.shape_cast %swap3A_611 : vector<1x16xf32> to vector<16xf32>
      %swap3A_613 = vector.shape_cast %add3A_608 : vector<16xf32> to vector<1x16xf32>
      tpu.vector_store %arg14[%swap3A_609, %swap3A_610], %swap3A_613 {strides = array<i32>} : memref<16x384xf32, #tpu.memory_space<vmem>>, vector<1x16xf32>,
      %get3A_614 = arith.index_cast %scan3A_192 : i32 to index
      %get3A_615 = arith.constant 320 : index
      %get3A_616 = tpu.vector_load %arg11[%get3A_614, %get3A_615] {strides = array<i32>} : memref<16x384xf32, #tpu.memory_space<vmem>>, vector<1x16xf32>,
      %get3A_617 = vector.shape_cast %get3A_616 : vector<1x16xf32> to vector<16xf32>
      %mul3A_618 = arith.mulf %get3A_60, %get3A_617 : vector<16xf32>
      %get3A_619 = arith.index_cast %scan3A_192 : i32 to index
      %get3A_620 = arith.constant 320 : index
      %get3A_621 = tpu.vector_load %arg12[%get3A_619, %get3A_620] {strides = array<i32>} : memref<16x384xf32, #tpu.memory_space<vmem>>, vector<1x16xf32>,
      %get3A_622 = vector.shape_cast %get3A_621 : vector<1x16xf32> to vector<16xf32>
      %mul3A_623 = arith.mulf %get3A_63, %get3A_622 : vector<16xf32>
      %add3A_624 = arith.addf %mul3A_618, %mul3A_623 : vector<16xf32>
      %get3A_625 = arith.index_cast %scan3A_192 : i32 to index
      %get3A_626 = arith.constant 320 : index
      %get3A_627 = tpu.vector_load %arg13[%get3A_625, %get3A_626] {strides = array<i32>} : memref<16x384xf32, #tpu.memory_space<vmem>>, vector<1x16xf32>,
      %get3A_628 = vector.shape_cast %get3A_627 : vector<1x16xf32> to vector<16xf32>
      %add3A_629 = arith.addf %add3A_624, %get3A_628 : vector<16xf32>
      %swap3A_630 = arith.index_cast %scan3A_192 : i32 to index
      %swap3A_631 = arith.constant 320 : index
      %swap3A_632 = tpu.vector_load %arg14[%swap3A_630, %swap3A_631] {strides = array<i32>} : memref<16x384xf32, #tpu.memory_space<vmem>>, vector<1x16xf32>,
      %swap3A_633 = vector.shape_cast %swap3A_632 : vector<1x16xf32> to vector<16xf32>
      %swap3A_634 = vector.shape_cast %add3A_629 : vector<16xf32> to vector<1x16xf32>
      tpu.vector_store %arg14[%swap3A_630, %swap3A_631], %swap3A_634 {strides = array<i32>} : memref<16x384xf32, #tpu.memory_space<vmem>>, vector<1x16xf32>,
      %get3A_635 = arith.index_cast %scan3A_192 : i32 to index
      %get3A_636 = arith.constant 336 : index
      %get3A_637 = tpu.vector_load %arg11[%get3A_635, %get3A_636] {strides = array<i32>} : memref<16x384xf32, #tpu.memory_space<vmem>>, vector<1x16xf32>,
      %get3A_638 = vector.shape_cast %get3A_637 : vector<1x16xf32> to vector<16xf32>
      %mul3A_639 = arith.mulf %get3A_60, %get3A_638 : vector<16xf32>
      %get3A_640 = arith.index_cast %scan3A_192 : i32 to index
      %get3A_641 = arith.constant 336 : index
      %get3A_642 = tpu.vector_load %arg12[%get3A_640, %get3A_641] {strides = array<i32>} : memref<16x384xf32, #tpu.memory_space<vmem>>, vector<1x16xf32>,
      %get3A_643 = vector.shape_cast %get3A_642 : vector<1x16xf32> to vector<16xf32>
      %mul3A_644 = arith.mulf %get3A_63, %get3A_643 : vector<16xf32>
      %add3A_645 = arith.addf %mul3A_639, %mul3A_644 : vector<16xf32>
      %get3A_646 = arith.index_cast %scan3A_192 : i32 to index
      %get3A_647 = arith.constant 336 : index
      %get3A_648 = tpu.vector_load %arg13[%get3A_646, %get3A_647] {strides = array<i32>} : memref<16x384xf32, #tpu.memory_space<vmem>>, vector<1x16xf32>,
      %get3A_649 = vector.shape_cast %get3A_648 : vector<1x16xf32> to vector<16xf32>
      %add3A_650 = arith.addf %add3A_645, %get3A_649 : vector<16xf32>
      %swap3A_651 = arith.index_cast %scan3A_192 : i32 to index
      %swap3A_652 = arith.constant 336 : index
      %swap3A_653 = tpu.vector_load %arg14[%swap3A_651, %swap3A_652] {strides = array<i32>} : memref<16x384xf32, #tpu.memory_space<vmem>>, vector<1x16xf32>,
      %swap3A_654 = vector.shape_cast %swap3A_653 : vector<1x16xf32> to vector<16xf32>
      %swap3A_655 = vector.shape_cast %add3A_650 : vector<16xf32> to vector<1x16xf32>
      tpu.vector_store %arg14[%swap3A_651, %swap3A_652], %swap3A_655 {strides = array<i32>} : memref<16x384xf32, #tpu.memory_space<vmem>>, vector<1x16xf32>,
      %get3A_656 = arith.index_cast %scan3A_192 : i32 to index
      %get3A_657 = arith.constant 352 : index
      %get3A_658 = tpu.vector_load %arg11[%get3A_656, %get3A_657] {strides = array<i32>} : memref<16x384xf32, #tpu.memory_space<vmem>>, vector<1x16xf32>,
      %get3A_659 = vector.shape_cast %get3A_658 : vector<1x16xf32> to vector<16xf32>
      %mul3A_660 = arith.mulf %get3A_60, %get3A_659 : vector<16xf32>
      %get3A_661 = arith.index_cast %scan3A_192 : i32 to index
      %get3A_662 = arith.constant 352 : index
      %get3A_663 = tpu.vector_load %arg12[%get3A_661, %get3A_662] {strides = array<i32>} : memref<16x384xf32, #tpu.memory_space<vmem>>, vector<1x16xf32>,
      %get3A_664 = vector.shape_cast %get3A_663 : vector<1x16xf32> to vector<16xf32>
      %mul3A_665 = arith.mulf %get3A_63, %get3A_664 : vector<16xf32>
      %add3A_666 = arith.addf %mul3A_660, %mul3A_665 : vector<16xf32>
      %get3A_667 = arith.index_cast %scan3A_192 : i32 to index
      %get3A_668 = arith.constant 352 : index
      %get3A_669 = tpu.vector_load %arg13[%get3A_667, %get3A_668] {strides = array<i32>} : memref<16x384xf32, #tpu.memory_space<vmem>>, vector<1x16xf32>,
      %get3A_670 = vector.shape_cast %get3A_669 : vector<1x16xf32> to vector<16xf32>
      %add3A_671 = arith.addf %add3A_666, %get3A_670 : vector<16xf32>
      %swap3A_672 = arith.index_cast %scan3A_192 : i32 to index
      %swap3A_673 = arith.constant 352 : index
      %swap3A_674 = tpu.vector_load %arg14[%swap3A_672, %swap3A_673] {strides = array<i32>} : memref<16x384xf32, #tpu.memory_space<vmem>>, vector<1x16xf32>,
      %swap3A_675 = vector.shape_cast %swap3A_674 : vector<1x16xf32> to vector<16xf32>
      %swap3A_676 = vector.shape_cast %add3A_671 : vector<16xf32> to vector<1x16xf32>
      tpu.vector_store %arg14[%swap3A_672, %swap3A_673], %swap3A_676 {strides = array<i32>} : memref<16x384xf32, #tpu.memory_space<vmem>>, vector<1x16xf32>,
      %get3A_677 = arith.index_cast %scan3A_192 : i32 to index
      %get3A_678 = arith.constant 368 : index
      %get3A_679 = tpu.vector_load %arg11[%get3A_677, %get3A_678] {strides = array<i32>} : memref<16x384xf32, #tpu.memory_space<vmem>>, vector<1x16xf32>,
      %get3A_680 = vector.shape_cast %get3A_679 : vector<1x16xf32> to vector<16xf32>
      %mul3A_681 = arith.mulf %get3A_60, %get3A_680 : vector<16xf32>
      %get3A_682 = arith.index_cast %scan3A_192 : i32 to index
      %get3A_683 = arith.constant 368 : index
      %get3A_684 = tpu.vector_load %arg12[%get3A_682, %get3A_683] {strides = array<i32>} : memref<16x384xf32, #tpu.memory_space<vmem>>, vector<1x16xf32>,
      %get3A_685 = vector.shape_cast %get3A_684 : vector<1x16xf32> to vector<16xf32>
      %mul3A_686 = arith.mulf %get3A_63, %get3A_685 : vector<16xf32>
      %add3A_687 = arith.addf %mul3A_681, %mul3A_686 : vector<16xf32>
      %get3A_688 = arith.index_cast %scan3A_192 : i32 to index
      %get3A_689 = arith.constant 368 : index
      %get3A_690 = tpu.vector_load %arg13[%get3A_688, %get3A_689] {strides = array<i32>} : memref<16x384xf32, #tpu.memory_space<vmem>>, vector<1x16xf32>,
      %get3A_691 = vector.shape_cast %get3A_690 : vector<1x16xf32> to vector<16xf32>
      %add3A_692 = arith.addf %add3A_687, %get3A_691 : vector<16xf32>
      %swap3A_693 = arith.index_cast %scan3A_192 : i32 to index
      %swap3A_694 = arith.constant 368 : index
      %swap3A_695 = tpu.vector_load %arg14[%swap3A_693, %swap3A_694] {strides = array<i32>} : memref<16x384xf32, #tpu.memory_space<vmem>>, vector<1x16xf32>,
      %swap3A_696 = vector.shape_cast %swap3A_695 : vector<1x16xf32> to vector<16xf32>
      %swap3A_697 = vector.shape_cast %add3A_692 : vector<16xf32> to vector<1x16xf32>
      tpu.vector_store %arg14[%swap3A_693, %swap3A_694], %swap3A_697 {strides = array<i32>} : memref<16x384xf32, #tpu.memory_space<vmem>>, vector<1x16xf32>,
      %scan3A_698 = arith.constant 0 : i32
      scf.yield %scan3A_698 : i32
    }
    %scan3A_100 = arith.constant 16 : i32
    %mul3A_101 = arith.constant 384 : i32
    %mul3A_102 = arith.muli %select_n3A, %mul3A_101 : i32
    %add3A_103 = arith.addi %mul3A_102, %mul3A_67 : i32
    "tpu.region"() ({
      %run_scoped3A = tpu.sem_alloc : memref<!tpu.dma_semaphore, #tpu.memory_space<semaphore_mem>>
      %dma_start3A_192 = arith.constant 0 : i32
      %dma_start3A_193 = tpu.memref_slice %arg6[%add3A_103, %dma_start3A_192] : memref<1536x384xf32, #tpu.memory_space<hbm>> -> memref<16x384xf32, #tpu.memory_space<hbm>>
      %dma_start3A_194 = arith.constant 0 : i32
      %dma_start3A_195 = tpu.memref_slice %arg6[%add3A_103, %dma_start3A_194] : memref<1536x384xf32, #tpu.memory_space<hbm>> -> memref<16x384xf32, #tpu.memory_space<hbm>>
      tpu.enqueue_dma source(%arg14 : memref<16x384xf32, #tpu.memory_space<vmem>>) target(%dma_start3A_195 : memref<16x384xf32, #tpu.memory_space<hbm>>) target_semaphore(%run_scoped3A : memref<!tpu.dma_semaphore, #tpu.memory_space<semaphore_mem>>)
      %dma_wait3A_196 = arith.constant 0 : i32
      %dma_wait3A_197 = tpu.memref_slice %arg6[%add3A_103, %dma_wait3A_196] : memref<1536x384xf32, #tpu.memory_space<hbm>> -> memref<16x384xf32, #tpu.memory_space<hbm>>
      %dma_wait3A_198 = arith.constant 0 : i32
      %dma_wait3A_199 = tpu.memref_slice %arg6[%add3A_103, %dma_wait3A_198] : memref<1536x384xf32, #tpu.memory_space<hbm>> -> memref<16x384xf32, #tpu.memory_space<hbm>>
      tpu.wait_dma2 semaphore(%run_scoped3A : memref<!tpu.dma_semaphore, #tpu.memory_space<semaphore_mem>>) src(%arg14 : memref<16x384xf32, #tpu.memory_space<vmem>>) dst(%dma_wait3A_199 : memref<16x384xf32, #tpu.memory_space<hbm>>)
      tpu.yield
    }) : () -> ()
    %add3A_104 = arith.constant 1 : i32
    %add3A_105 = arith.addi %mul3A_32, %add3A_104 : i32
    %mul3A_106 = arith.constant 16 : i32
    %mul3A_107 = arith.muli %add3A_105, %mul3A_106 : i32
    %add3A_108 = vector.broadcast %mul3A_107 : i32 to vector<16xi32>
    %add3A_109 = arith.addi %add3A_108, %iota3A : vector<16xi32>
    %mul3A_110 = arith.constant 384 : i32
    %mul3A_111 = vector.broadcast %mul3A_110 : i32 to vector<16xi32>
    %mul3A_112 = arith.muli %get3A_54, %mul3A_111 : vector<16xi32>
    %add3A_113 = arith.addi %mul3A_112, %add3A_109 : vector<16xi32>
    %swap3A_114 = arith.constant 0 : index
    %swap3A_115 = tpu.vector_load %arg9[%swap3A_114] {strides = array<i32>} : memref<16xi32, #tpu.memory_space<vmem>>, vector<16xi32>,
    %swap3A_116 = vector.shape_cast %swap3A_115 : vector<16xi32> to vector<16xi32>
    %swap3A_117 = vector.shape_cast %add3A_113 : vector<16xi32> to vector<16xi32>
    tpu.vector_store %arg9[%swap3A_114], %swap3A_117 {strides = array<i32>} : memref<16xi32, #tpu.memory_space<vmem>>, vector<16xi32>,
    %mul3A_118 = arith.constant 384 : i32
    %mul3A_119 = vector.broadcast %mul3A_118 : i32 to vector<16xi32>
    %mul3A_120 = arith.muli %get3A_57, %mul3A_119 : vector<16xi32>
    %add3A_121 = arith.addi %mul3A_120, %add3A_109 : vector<16xi32>
    %swap3A_122 = arith.constant 0 : index
    %swap3A_123 = tpu.vector_load %arg10[%swap3A_122] {strides = array<i32>} : memref<16xi32, #tpu.memory_space<vmem>>, vector<16xi32>,
    %swap3A_124 = vector.shape_cast %swap3A_123 : vector<16xi32> to vector<16xi32>
    %swap3A_125 = vector.shape_cast %add3A_121 : vector<16xi32> to vector<16xi32>
    tpu.vector_store %arg10[%swap3A_122], %swap3A_125 {strides = array<i32>} : memref<16xi32, #tpu.memory_space<vmem>>, vector<16xi32>,
    %dma_start3A_126 = arith.constant 0 : i32
    %dma_start3A_127 = arith.constant 0 : i32
    %dma_start3A_128 = tpu.memref_slice %arg2[%dma_start3A_126, %dma_start3A_127] : memref<3072x384xf32, #tpu.memory_space<hbm>> -> memref<3072x384xf32, #tpu.memory_space<hbm>>
    tpu.enqueue_indirect_dma source(%dma_start3A_128 : memref<3072x384xf32, #tpu.memory_space<hbm>>) target(%arg11 : memref<16x384xf32, #tpu.memory_space<vmem>>) offsets(%arg9 : memref<16xi32, #tpu.memory_space<vmem>>) semaphore(%arg15 : memref<!tpu.dma_semaphore, #tpu.memory_space<semaphore_mem>>)
    %dma_start3A_129 = arith.constant 0 : i32
    %dma_start3A_130 = arith.constant 0 : i32
    %dma_start3A_131 = tpu.memref_slice %arg2[%dma_start3A_129, %dma_start3A_130] : memref<3072x384xf32, #tpu.memory_space<hbm>> -> memref<3072x384xf32, #tpu.memory_space<hbm>>
    tpu.enqueue_indirect_dma source(%dma_start3A_131 : memref<3072x384xf32, #tpu.memory_space<hbm>>) target(%arg12 : memref<16x384xf32, #tpu.memory_space<vmem>>) offsets(%arg10 : memref<16xi32, #tpu.memory_space<vmem>>) semaphore(%arg16 : memref<!tpu.dma_semaphore, #tpu.memory_space<semaphore_mem>>)
    "tpu.region"() ({
      %run_scoped3A = tpu.sem_alloc : memref<!tpu.dma_semaphore, #tpu.memory_space<semaphore_mem>>
      %dma_start3A_192 = arith.constant 0 : i32
      %dma_start3A_193 = tpu.memref_slice %arg3[%mul3A_107, %dma_start3A_192] : memref<384x384xf32, #tpu.memory_space<hbm>> -> memref<16x384xf32, #tpu.memory_space<hbm>>
      %dma_start3A_194 = arith.constant 0 : i32
      %dma_start3A_195 = tpu.memref_slice %arg3[%mul3A_107, %dma_start3A_194] : memref<384x384xf32, #tpu.memory_space<hbm>> -> memref<16x384xf32, #tpu.memory_space<hbm>>
      tpu.enqueue_dma source(%dma_start3A_195 : memref<16x384xf32, #tpu.memory_space<hbm>>) target(%arg13 : memref<16x384xf32, #tpu.memory_space<vmem>>) target_semaphore(%run_scoped3A : memref<!tpu.dma_semaphore, #tpu.memory_space<semaphore_mem>>)
      %dma_wait3A_196 = arith.constant 0 : i32
      %dma_wait3A_197 = tpu.memref_slice %arg3[%mul3A_107, %dma_wait3A_196] : memref<384x384xf32, #tpu.memory_space<hbm>> -> memref<16x384xf32, #tpu.memory_space<hbm>>
      %dma_wait3A_198 = arith.constant 0 : i32
      %dma_wait3A_199 = tpu.memref_slice %arg3[%mul3A_107, %dma_wait3A_198] : memref<384x384xf32, #tpu.memory_space<hbm>> -> memref<16x384xf32, #tpu.memory_space<hbm>>
      tpu.wait_dma2 semaphore(%run_scoped3A : memref<!tpu.dma_semaphore, #tpu.memory_space<semaphore_mem>>) src(%dma_wait3A_199 : memref<16x384xf32, #tpu.memory_space<hbm>>) dst(%arg13 : memref<16x384xf32, #tpu.memory_space<vmem>>)
      tpu.yield
    }) : () -> ()
    %dma_wait3A_132 = arith.constant 0 : i32
    %dma_wait3A_133 = arith.constant 0 : i32
    %dma_wait3A_134 = tpu.memref_slice %arg2[%dma_wait3A_132, %dma_wait3A_133] : memref<3072x384xf32, #tpu.memory_space<hbm>> -> memref<3072x384xf32, #tpu.memory_space<hbm>>
    tpu.wait_indirect_dma semaphore(%arg15 : memref<!tpu.dma_semaphore, #tpu.memory_space<semaphore_mem>>) src(%dma_wait3A_134 : memref<3072x384xf32, #tpu.memory_space<hbm>>) dst(%arg11 : memref<16x384xf32, #tpu.memory_space<vmem>>)
    %dma_wait3A_135 = arith.constant 0 : i32
    %dma_wait3A_136 = arith.constant 0 : i32
    %dma_wait3A_137 = tpu.memref_slice %arg2[%dma_wait3A_135, %dma_wait3A_136] : memref<3072x384xf32, #tpu.memory_space<hbm>> -> memref<3072x384xf32, #tpu.memory_space<hbm>>
    tpu.wait_indirect_dma semaphore(%arg16 : memref<!tpu.dma_semaphore, #tpu.memory_space<semaphore_mem>>) src(%dma_wait3A_137 : memref<3072x384xf32, #tpu.memory_space<hbm>>) dst(%arg12 : memref<16x384xf32, #tpu.memory_space<vmem>>)
    %scan3A_138 = arith.constant 0 : i32
    %scan3A_139 = arith.constant 0 : i32
    %scan3A_140 = arith.constant 16 : i32
    %scan3A_141 = arith.addi %scan3A_139, %scan3A_140 : i32
    %scan3A_142 = arith.constant 1 : i32
    %scan3A_143 = scf.for %scan3A_192 = %scan3A_139 to %scan3A_141 step %scan3A_142 iter_args(%scan3A_193 = %scan3A_138) -> (i32)  : i32 {
      %get3A_194 = arith.index_cast %scan3A_192 : i32 to index
      %get3A_195 = arith.constant 0 : index
      %get3A_196 = tpu.vector_load %arg11[%get3A_194, %get3A_195] {strides = array<i32>} : memref<16x384xf32, #tpu.memory_space<vmem>>, vector<1x16xf32>,
      %get3A_197 = vector.shape_cast %get3A_196 : vector<1x16xf32> to vector<16xf32>
      %mul3A_198 = arith.mulf %get3A_60, %get3A_197 : vector<16xf32>
      %get3A_199 = arith.index_cast %scan3A_192 : i32 to index
      %get3A_200 = arith.constant 0 : index
      %get3A_201 = tpu.vector_load %arg12[%get3A_199, %get3A_200] {strides = array<i32>} : memref<16x384xf32, #tpu.memory_space<vmem>>, vector<1x16xf32>,
      %get3A_202 = vector.shape_cast %get3A_201 : vector<1x16xf32> to vector<16xf32>
      %mul3A_203 = arith.mulf %get3A_63, %get3A_202 : vector<16xf32>
      %add3A_204 = arith.addf %mul3A_198, %mul3A_203 : vector<16xf32>
      %get3A_205 = arith.index_cast %scan3A_192 : i32 to index
      %get3A_206 = arith.constant 0 : index
      %get3A_207 = tpu.vector_load %arg13[%get3A_205, %get3A_206] {strides = array<i32>} : memref<16x384xf32, #tpu.memory_space<vmem>>, vector<1x16xf32>,
      %get3A_208 = vector.shape_cast %get3A_207 : vector<1x16xf32> to vector<16xf32>
      %add3A_209 = arith.addf %add3A_204, %get3A_208 : vector<16xf32>
      %swap3A_210 = arith.index_cast %scan3A_192 : i32 to index
      %swap3A_211 = arith.constant 0 : index
      %swap3A_212 = tpu.vector_load %arg14[%swap3A_210, %swap3A_211] {strides = array<i32>} : memref<16x384xf32, #tpu.memory_space<vmem>>, vector<1x16xf32>,
      %swap3A_213 = vector.shape_cast %swap3A_212 : vector<1x16xf32> to vector<16xf32>
      %swap3A_214 = vector.shape_cast %add3A_209 : vector<16xf32> to vector<1x16xf32>
      tpu.vector_store %arg14[%swap3A_210, %swap3A_211], %swap3A_214 {strides = array<i32>} : memref<16x384xf32, #tpu.memory_space<vmem>>, vector<1x16xf32>,
      %get3A_215 = arith.index_cast %scan3A_192 : i32 to index
      %get3A_216 = arith.constant 16 : index
      %get3A_217 = tpu.vector_load %arg11[%get3A_215, %get3A_216] {strides = array<i32>} : memref<16x384xf32, #tpu.memory_space<vmem>>, vector<1x16xf32>,
      %get3A_218 = vector.shape_cast %get3A_217 : vector<1x16xf32> to vector<16xf32>
      %mul3A_219 = arith.mulf %get3A_60, %get3A_218 : vector<16xf32>
      %get3A_220 = arith.index_cast %scan3A_192 : i32 to index
      %get3A_221 = arith.constant 16 : index
      %get3A_222 = tpu.vector_load %arg12[%get3A_220, %get3A_221] {strides = array<i32>} : memref<16x384xf32, #tpu.memory_space<vmem>>, vector<1x16xf32>,
      %get3A_223 = vector.shape_cast %get3A_222 : vector<1x16xf32> to vector<16xf32>
      %mul3A_224 = arith.mulf %get3A_63, %get3A_223 : vector<16xf32>
      %add3A_225 = arith.addf %mul3A_219, %mul3A_224 : vector<16xf32>
      %get3A_226 = arith.index_cast %scan3A_192 : i32 to index
      %get3A_227 = arith.constant 16 : index
      %get3A_228 = tpu.vector_load %arg13[%get3A_226, %get3A_227] {strides = array<i32>} : memref<16x384xf32, #tpu.memory_space<vmem>>, vector<1x16xf32>,
      %get3A_229 = vector.shape_cast %get3A_228 : vector<1x16xf32> to vector<16xf32>
      %add3A_230 = arith.addf %add3A_225, %get3A_229 : vector<16xf32>
      %swap3A_231 = arith.index_cast %scan3A_192 : i32 to index
      %swap3A_232 = arith.constant 16 : index
      %swap3A_233 = tpu.vector_load %arg14[%swap3A_231, %swap3A_232] {strides = array<i32>} : memref<16x384xf32, #tpu.memory_space<vmem>>, vector<1x16xf32>,
      %swap3A_234 = vector.shape_cast %swap3A_233 : vector<1x16xf32> to vector<16xf32>
      %swap3A_235 = vector.shape_cast %add3A_230 : vector<16xf32> to vector<1x16xf32>
      tpu.vector_store %arg14[%swap3A_231, %swap3A_232], %swap3A_235 {strides = array<i32>} : memref<16x384xf32, #tpu.memory_space<vmem>>, vector<1x16xf32>,
      %get3A_236 = arith.index_cast %scan3A_192 : i32 to index
      %get3A_237 = arith.constant 32 : index
      %get3A_238 = tpu.vector_load %arg11[%get3A_236, %get3A_237] {strides = array<i32>} : memref<16x384xf32, #tpu.memory_space<vmem>>, vector<1x16xf32>,
      %get3A_239 = vector.shape_cast %get3A_238 : vector<1x16xf32> to vector<16xf32>
      %mul3A_240 = arith.mulf %get3A_60, %get3A_239 : vector<16xf32>
      %get3A_241 = arith.index_cast %scan3A_192 : i32 to index
      %get3A_242 = arith.constant 32 : index
      %get3A_243 = tpu.vector_load %arg12[%get3A_241, %get3A_242] {strides = array<i32>} : memref<16x384xf32, #tpu.memory_space<vmem>>, vector<1x16xf32>,
      %get3A_244 = vector.shape_cast %get3A_243 : vector<1x16xf32> to vector<16xf32>
      %mul3A_245 = arith.mulf %get3A_63, %get3A_244 : vector<16xf32>
      %add3A_246 = arith.addf %mul3A_240, %mul3A_245 : vector<16xf32>
      %get3A_247 = arith.index_cast %scan3A_192 : i32 to index
      %get3A_248 = arith.constant 32 : index
      %get3A_249 = tpu.vector_load %arg13[%get3A_247, %get3A_248] {strides = array<i32>} : memref<16x384xf32, #tpu.memory_space<vmem>>, vector<1x16xf32>,
      %get3A_250 = vector.shape_cast %get3A_249 : vector<1x16xf32> to vector<16xf32>
      %add3A_251 = arith.addf %add3A_246, %get3A_250 : vector<16xf32>
      %swap3A_252 = arith.index_cast %scan3A_192 : i32 to index
      %swap3A_253 = arith.constant 32 : index
      %swap3A_254 = tpu.vector_load %arg14[%swap3A_252, %swap3A_253] {strides = array<i32>} : memref<16x384xf32, #tpu.memory_space<vmem>>, vector<1x16xf32>,
      %swap3A_255 = vector.shape_cast %swap3A_254 : vector<1x16xf32> to vector<16xf32>
      %swap3A_256 = vector.shape_cast %add3A_251 : vector<16xf32> to vector<1x16xf32>
      tpu.vector_store %arg14[%swap3A_252, %swap3A_253], %swap3A_256 {strides = array<i32>} : memref<16x384xf32, #tpu.memory_space<vmem>>, vector<1x16xf32>,
      %get3A_257 = arith.index_cast %scan3A_192 : i32 to index
      %get3A_258 = arith.constant 48 : index
      %get3A_259 = tpu.vector_load %arg11[%get3A_257, %get3A_258] {strides = array<i32>} : memref<16x384xf32, #tpu.memory_space<vmem>>, vector<1x16xf32>,
      %get3A_260 = vector.shape_cast %get3A_259 : vector<1x16xf32> to vector<16xf32>
      %mul3A_261 = arith.mulf %get3A_60, %get3A_260 : vector<16xf32>
      %get3A_262 = arith.index_cast %scan3A_192 : i32 to index
      %get3A_263 = arith.constant 48 : index
      %get3A_264 = tpu.vector_load %arg12[%get3A_262, %get3A_263] {strides = array<i32>} : memref<16x384xf32, #tpu.memory_space<vmem>>, vector<1x16xf32>,
      %get3A_265 = vector.shape_cast %get3A_264 : vector<1x16xf32> to vector<16xf32>
      %mul3A_266 = arith.mulf %get3A_63, %get3A_265 : vector<16xf32>
      %add3A_267 = arith.addf %mul3A_261, %mul3A_266 : vector<16xf32>
      %get3A_268 = arith.index_cast %scan3A_192 : i32 to index
      %get3A_269 = arith.constant 48 : index
      %get3A_270 = tpu.vector_load %arg13[%get3A_268, %get3A_269] {strides = array<i32>} : memref<16x384xf32, #tpu.memory_space<vmem>>, vector<1x16xf32>,
      %get3A_271 = vector.shape_cast %get3A_270 : vector<1x16xf32> to vector<16xf32>
      %add3A_272 = arith.addf %add3A_267, %get3A_271 : vector<16xf32>
      %swap3A_273 = arith.index_cast %scan3A_192 : i32 to index
      %swap3A_274 = arith.constant 48 : index
      %swap3A_275 = tpu.vector_load %arg14[%swap3A_273, %swap3A_274] {strides = array<i32>} : memref<16x384xf32, #tpu.memory_space<vmem>>, vector<1x16xf32>,
      %swap3A_276 = vector.shape_cast %swap3A_275 : vector<1x16xf32> to vector<16xf32>
      %swap3A_277 = vector.shape_cast %add3A_272 : vector<16xf32> to vector<1x16xf32>
      tpu.vector_store %arg14[%swap3A_273, %swap3A_274], %swap3A_277 {strides = array<i32>} : memref<16x384xf32, #tpu.memory_space<vmem>>, vector<1x16xf32>,
      %get3A_278 = arith.index_cast %scan3A_192 : i32 to index
      %get3A_279 = arith.constant 64 : index
      %get3A_280 = tpu.vector_load %arg11[%get3A_278, %get3A_279] {strides = array<i32>} : memref<16x384xf32, #tpu.memory_space<vmem>>, vector<1x16xf32>,
      %get3A_281 = vector.shape_cast %get3A_280 : vector<1x16xf32> to vector<16xf32>
      %mul3A_282 = arith.mulf %get3A_60, %get3A_281 : vector<16xf32>
      %get3A_283 = arith.index_cast %scan3A_192 : i32 to index
      %get3A_284 = arith.constant 64 : index
      %get3A_285 = tpu.vector_load %arg12[%get3A_283, %get3A_284] {strides = array<i32>} : memref<16x384xf32, #tpu.memory_space<vmem>>, vector<1x16xf32>,
      %get3A_286 = vector.shape_cast %get3A_285 : vector<1x16xf32> to vector<16xf32>
      %mul3A_287 = arith.mulf %get3A_63, %get3A_286 : vector<16xf32>
      %add3A_288 = arith.addf %mul3A_282, %mul3A_287 : vector<16xf32>
      %get3A_289 = arith.index_cast %scan3A_192 : i32 to index
      %get3A_290 = arith.constant 64 : index
      %get3A_291 = tpu.vector_load %arg13[%get3A_289, %get3A_290] {strides = array<i32>} : memref<16x384xf32, #tpu.memory_space<vmem>>, vector<1x16xf32>,
      %get3A_292 = vector.shape_cast %get3A_291 : vector<1x16xf32> to vector<16xf32>
      %add3A_293 = arith.addf %add3A_288, %get3A_292 : vector<16xf32>
      %swap3A_294 = arith.index_cast %scan3A_192 : i32 to index
      %swap3A_295 = arith.constant 64 : index
      %swap3A_296 = tpu.vector_load %arg14[%swap3A_294, %swap3A_295] {strides = array<i32>} : memref<16x384xf32, #tpu.memory_space<vmem>>, vector<1x16xf32>,
      %swap3A_297 = vector.shape_cast %swap3A_296 : vector<1x16xf32> to vector<16xf32>
      %swap3A_298 = vector.shape_cast %add3A_293 : vector<16xf32> to vector<1x16xf32>
      tpu.vector_store %arg14[%swap3A_294, %swap3A_295], %swap3A_298 {strides = array<i32>} : memref<16x384xf32, #tpu.memory_space<vmem>>, vector<1x16xf32>,
      %get3A_299 = arith.index_cast %scan3A_192 : i32 to index
      %get3A_300 = arith.constant 80 : index
      %get3A_301 = tpu.vector_load %arg11[%get3A_299, %get3A_300] {strides = array<i32>} : memref<16x384xf32, #tpu.memory_space<vmem>>, vector<1x16xf32>,
      %get3A_302 = vector.shape_cast %get3A_301 : vector<1x16xf32> to vector<16xf32>
      %mul3A_303 = arith.mulf %get3A_60, %get3A_302 : vector<16xf32>
      %get3A_304 = arith.index_cast %scan3A_192 : i32 to index
      %get3A_305 = arith.constant 80 : index
      %get3A_306 = tpu.vector_load %arg12[%get3A_304, %get3A_305] {strides = array<i32>} : memref<16x384xf32, #tpu.memory_space<vmem>>, vector<1x16xf32>,
      %get3A_307 = vector.shape_cast %get3A_306 : vector<1x16xf32> to vector<16xf32>
      %mul3A_308 = arith.mulf %get3A_63, %get3A_307 : vector<16xf32>
      %add3A_309 = arith.addf %mul3A_303, %mul3A_308 : vector<16xf32>
      %get3A_310 = arith.index_cast %scan3A_192 : i32 to index
      %get3A_311 = arith.constant 80 : index
      %get3A_312 = tpu.vector_load %arg13[%get3A_310, %get3A_311] {strides = array<i32>} : memref<16x384xf32, #tpu.memory_space<vmem>>, vector<1x16xf32>,
      %get3A_313 = vector.shape_cast %get3A_312 : vector<1x16xf32> to vector<16xf32>
      %add3A_314 = arith.addf %add3A_309, %get3A_313 : vector<16xf32>
      %swap3A_315 = arith.index_cast %scan3A_192 : i32 to index
      %swap3A_316 = arith.constant 80 : index
      %swap3A_317 = tpu.vector_load %arg14[%swap3A_315, %swap3A_316] {strides = array<i32>} : memref<16x384xf32, #tpu.memory_space<vmem>>, vector<1x16xf32>,
      %swap3A_318 = vector.shape_cast %swap3A_317 : vector<1x16xf32> to vector<16xf32>
      %swap3A_319 = vector.shape_cast %add3A_314 : vector<16xf32> to vector<1x16xf32>
      tpu.vector_store %arg14[%swap3A_315, %swap3A_316], %swap3A_319 {strides = array<i32>} : memref<16x384xf32, #tpu.memory_space<vmem>>, vector<1x16xf32>,
      %get3A_320 = arith.index_cast %scan3A_192 : i32 to index
      %get3A_321 = arith.constant 96 : index
      %get3A_322 = tpu.vector_load %arg11[%get3A_320, %get3A_321] {strides = array<i32>} : memref<16x384xf32, #tpu.memory_space<vmem>>, vector<1x16xf32>,
      %get3A_323 = vector.shape_cast %get3A_322 : vector<1x16xf32> to vector<16xf32>
      %mul3A_324 = arith.mulf %get3A_60, %get3A_323 : vector<16xf32>
      %get3A_325 = arith.index_cast %scan3A_192 : i32 to index
      %get3A_326 = arith.constant 96 : index
      %get3A_327 = tpu.vector_load %arg12[%get3A_325, %get3A_326] {strides = array<i32>} : memref<16x384xf32, #tpu.memory_space<vmem>>, vector<1x16xf32>,
      %get3A_328 = vector.shape_cast %get3A_327 : vector<1x16xf32> to vector<16xf32>
      %mul3A_329 = arith.mulf %get3A_63, %get3A_328 : vector<16xf32>
      %add3A_330 = arith.addf %mul3A_324, %mul3A_329 : vector<16xf32>
      %get3A_331 = arith.index_cast %scan3A_192 : i32 to index
      %get3A_332 = arith.constant 96 : index
      %get3A_333 = tpu.vector_load %arg13[%get3A_331, %get3A_332] {strides = array<i32>} : memref<16x384xf32, #tpu.memory_space<vmem>>, vector<1x16xf32>,
      %get3A_334 = vector.shape_cast %get3A_333 : vector<1x16xf32> to vector<16xf32>
      %add3A_335 = arith.addf %add3A_330, %get3A_334 : vector<16xf32>
      %swap3A_336 = arith.index_cast %scan3A_192 : i32 to index
      %swap3A_337 = arith.constant 96 : index
      %swap3A_338 = tpu.vector_load %arg14[%swap3A_336, %swap3A_337] {strides = array<i32>} : memref<16x384xf32, #tpu.memory_space<vmem>>, vector<1x16xf32>,
      %swap3A_339 = vector.shape_cast %swap3A_338 : vector<1x16xf32> to vector<16xf32>
      %swap3A_340 = vector.shape_cast %add3A_335 : vector<16xf32> to vector<1x16xf32>
      tpu.vector_store %arg14[%swap3A_336, %swap3A_337], %swap3A_340 {strides = array<i32>} : memref<16x384xf32, #tpu.memory_space<vmem>>, vector<1x16xf32>,
      %get3A_341 = arith.index_cast %scan3A_192 : i32 to index
      %get3A_342 = arith.constant 112 : index
      %get3A_343 = tpu.vector_load %arg11[%get3A_341, %get3A_342] {strides = array<i32>} : memref<16x384xf32, #tpu.memory_space<vmem>>, vector<1x16xf32>,
      %get3A_344 = vector.shape_cast %get3A_343 : vector<1x16xf32> to vector<16xf32>
      %mul3A_345 = arith.mulf %get3A_60, %get3A_344 : vector<16xf32>
      %get3A_346 = arith.index_cast %scan3A_192 : i32 to index
      %get3A_347 = arith.constant 112 : index
      %get3A_348 = tpu.vector_load %arg12[%get3A_346, %get3A_347] {strides = array<i32>} : memref<16x384xf32, #tpu.memory_space<vmem>>, vector<1x16xf32>,
      %get3A_349 = vector.shape_cast %get3A_348 : vector<1x16xf32> to vector<16xf32>
      %mul3A_350 = arith.mulf %get3A_63, %get3A_349 : vector<16xf32>
      %add3A_351 = arith.addf %mul3A_345, %mul3A_350 : vector<16xf32>
      %get3A_352 = arith.index_cast %scan3A_192 : i32 to index
      %get3A_353 = arith.constant 112 : index
      %get3A_354 = tpu.vector_load %arg13[%get3A_352, %get3A_353] {strides = array<i32>} : memref<16x384xf32, #tpu.memory_space<vmem>>, vector<1x16xf32>,
      %get3A_355 = vector.shape_cast %get3A_354 : vector<1x16xf32> to vector<16xf32>
      %add3A_356 = arith.addf %add3A_351, %get3A_355 : vector<16xf32>
      %swap3A_357 = arith.index_cast %scan3A_192 : i32 to index
      %swap3A_358 = arith.constant 112 : index
      %swap3A_359 = tpu.vector_load %arg14[%swap3A_357, %swap3A_358] {strides = array<i32>} : memref<16x384xf32, #tpu.memory_space<vmem>>, vector<1x16xf32>,
      %swap3A_360 = vector.shape_cast %swap3A_359 : vector<1x16xf32> to vector<16xf32>
      %swap3A_361 = vector.shape_cast %add3A_356 : vector<16xf32> to vector<1x16xf32>
      tpu.vector_store %arg14[%swap3A_357, %swap3A_358], %swap3A_361 {strides = array<i32>} : memref<16x384xf32, #tpu.memory_space<vmem>>, vector<1x16xf32>,
      %get3A_362 = arith.index_cast %scan3A_192 : i32 to index
      %get3A_363 = arith.constant 128 : index
      %get3A_364 = tpu.vector_load %arg11[%get3A_362, %get3A_363] {strides = array<i32>} : memref<16x384xf32, #tpu.memory_space<vmem>>, vector<1x16xf32>,
      %get3A_365 = vector.shape_cast %get3A_364 : vector<1x16xf32> to vector<16xf32>
      %mul3A_366 = arith.mulf %get3A_60, %get3A_365 : vector<16xf32>
      %get3A_367 = arith.index_cast %scan3A_192 : i32 to index
      %get3A_368 = arith.constant 128 : index
      %get3A_369 = tpu.vector_load %arg12[%get3A_367, %get3A_368] {strides = array<i32>} : memref<16x384xf32, #tpu.memory_space<vmem>>, vector<1x16xf32>,
      %get3A_370 = vector.shape_cast %get3A_369 : vector<1x16xf32> to vector<16xf32>
      %mul3A_371 = arith.mulf %get3A_63, %get3A_370 : vector<16xf32>
      %add3A_372 = arith.addf %mul3A_366, %mul3A_371 : vector<16xf32>
      %get3A_373 = arith.index_cast %scan3A_192 : i32 to index
      %get3A_374 = arith.constant 128 : index
      %get3A_375 = tpu.vector_load %arg13[%get3A_373, %get3A_374] {strides = array<i32>} : memref<16x384xf32, #tpu.memory_space<vmem>>, vector<1x16xf32>,
      %get3A_376 = vector.shape_cast %get3A_375 : vector<1x16xf32> to vector<16xf32>
      %add3A_377 = arith.addf %add3A_372, %get3A_376 : vector<16xf32>
      %swap3A_378 = arith.index_cast %scan3A_192 : i32 to index
      %swap3A_379 = arith.constant 128 : index
      %swap3A_380 = tpu.vector_load %arg14[%swap3A_378, %swap3A_379] {strides = array<i32>} : memref<16x384xf32, #tpu.memory_space<vmem>>, vector<1x16xf32>,
      %swap3A_381 = vector.shape_cast %swap3A_380 : vector<1x16xf32> to vector<16xf32>
      %swap3A_382 = vector.shape_cast %add3A_377 : vector<16xf32> to vector<1x16xf32>
      tpu.vector_store %arg14[%swap3A_378, %swap3A_379], %swap3A_382 {strides = array<i32>} : memref<16x384xf32, #tpu.memory_space<vmem>>, vector<1x16xf32>,
      %get3A_383 = arith.index_cast %scan3A_192 : i32 to index
      %get3A_384 = arith.constant 144 : index
      %get3A_385 = tpu.vector_load %arg11[%get3A_383, %get3A_384] {strides = array<i32>} : memref<16x384xf32, #tpu.memory_space<vmem>>, vector<1x16xf32>,
      %get3A_386 = vector.shape_cast %get3A_385 : vector<1x16xf32> to vector<16xf32>
      %mul3A_387 = arith.mulf %get3A_60, %get3A_386 : vector<16xf32>
      %get3A_388 = arith.index_cast %scan3A_192 : i32 to index
      %get3A_389 = arith.constant 144 : index
      %get3A_390 = tpu.vector_load %arg12[%get3A_388, %get3A_389] {strides = array<i32>} : memref<16x384xf32, #tpu.memory_space<vmem>>, vector<1x16xf32>,
      %get3A_391 = vector.shape_cast %get3A_390 : vector<1x16xf32> to vector<16xf32>
      %mul3A_392 = arith.mulf %get3A_63, %get3A_391 : vector<16xf32>
      %add3A_393 = arith.addf %mul3A_387, %mul3A_392 : vector<16xf32>
      %get3A_394 = arith.index_cast %scan3A_192 : i32 to index
      %get3A_395 = arith.constant 144 : index
      %get3A_396 = tpu.vector_load %arg13[%get3A_394, %get3A_395] {strides = array<i32>} : memref<16x384xf32, #tpu.memory_space<vmem>>, vector<1x16xf32>,
      %get3A_397 = vector.shape_cast %get3A_396 : vector<1x16xf32> to vector<16xf32>
      %add3A_398 = arith.addf %add3A_393, %get3A_397 : vector<16xf32>
      %swap3A_399 = arith.index_cast %scan3A_192 : i32 to index
      %swap3A_400 = arith.constant 144 : index
      %swap3A_401 = tpu.vector_load %arg14[%swap3A_399, %swap3A_400] {strides = array<i32>} : memref<16x384xf32, #tpu.memory_space<vmem>>, vector<1x16xf32>,
      %swap3A_402 = vector.shape_cast %swap3A_401 : vector<1x16xf32> to vector<16xf32>
      %swap3A_403 = vector.shape_cast %add3A_398 : vector<16xf32> to vector<1x16xf32>
      tpu.vector_store %arg14[%swap3A_399, %swap3A_400], %swap3A_403 {strides = array<i32>} : memref<16x384xf32, #tpu.memory_space<vmem>>, vector<1x16xf32>,
      %get3A_404 = arith.index_cast %scan3A_192 : i32 to index
      %get3A_405 = arith.constant 160 : index
      %get3A_406 = tpu.vector_load %arg11[%get3A_404, %get3A_405] {strides = array<i32>} : memref<16x384xf32, #tpu.memory_space<vmem>>, vector<1x16xf32>,
      %get3A_407 = vector.shape_cast %get3A_406 : vector<1x16xf32> to vector<16xf32>
      %mul3A_408 = arith.mulf %get3A_60, %get3A_407 : vector<16xf32>
      %get3A_409 = arith.index_cast %scan3A_192 : i32 to index
      %get3A_410 = arith.constant 160 : index
      %get3A_411 = tpu.vector_load %arg12[%get3A_409, %get3A_410] {strides = array<i32>} : memref<16x384xf32, #tpu.memory_space<vmem>>, vector<1x16xf32>,
      %get3A_412 = vector.shape_cast %get3A_411 : vector<1x16xf32> to vector<16xf32>
      %mul3A_413 = arith.mulf %get3A_63, %get3A_412 : vector<16xf32>
      %add3A_414 = arith.addf %mul3A_408, %mul3A_413 : vector<16xf32>
      %get3A_415 = arith.index_cast %scan3A_192 : i32 to index
      %get3A_416 = arith.constant 160 : index
      %get3A_417 = tpu.vector_load %arg13[%get3A_415, %get3A_416] {strides = array<i32>} : memref<16x384xf32, #tpu.memory_space<vmem>>, vector<1x16xf32>,
      %get3A_418 = vector.shape_cast %get3A_417 : vector<1x16xf32> to vector<16xf32>
      %add3A_419 = arith.addf %add3A_414, %get3A_418 : vector<16xf32>
      %swap3A_420 = arith.index_cast %scan3A_192 : i32 to index
      %swap3A_421 = arith.constant 160 : index
      %swap3A_422 = tpu.vector_load %arg14[%swap3A_420, %swap3A_421] {strides = array<i32>} : memref<16x384xf32, #tpu.memory_space<vmem>>, vector<1x16xf32>,
      %swap3A_423 = vector.shape_cast %swap3A_422 : vector<1x16xf32> to vector<16xf32>
      %swap3A_424 = vector.shape_cast %add3A_419 : vector<16xf32> to vector<1x16xf32>
      tpu.vector_store %arg14[%swap3A_420, %swap3A_421], %swap3A_424 {strides = array<i32>} : memref<16x384xf32, #tpu.memory_space<vmem>>, vector<1x16xf32>,
      %get3A_425 = arith.index_cast %scan3A_192 : i32 to index
      %get3A_426 = arith.constant 176 : index
      %get3A_427 = tpu.vector_load %arg11[%get3A_425, %get3A_426] {strides = array<i32>} : memref<16x384xf32, #tpu.memory_space<vmem>>, vector<1x16xf32>,
      %get3A_428 = vector.shape_cast %get3A_427 : vector<1x16xf32> to vector<16xf32>
      %mul3A_429 = arith.mulf %get3A_60, %get3A_428 : vector<16xf32>
      %get3A_430 = arith.index_cast %scan3A_192 : i32 to index
      %get3A_431 = arith.constant 176 : index
      %get3A_432 = tpu.vector_load %arg12[%get3A_430, %get3A_431] {strides = array<i32>} : memref<16x384xf32, #tpu.memory_space<vmem>>, vector<1x16xf32>,
      %get3A_433 = vector.shape_cast %get3A_432 : vector<1x16xf32> to vector<16xf32>
      %mul3A_434 = arith.mulf %get3A_63, %get3A_433 : vector<16xf32>
      %add3A_435 = arith.addf %mul3A_429, %mul3A_434 : vector<16xf32>
      %get3A_436 = arith.index_cast %scan3A_192 : i32 to index
      %get3A_437 = arith.constant 176 : index
      %get3A_438 = tpu.vector_load %arg13[%get3A_436, %get3A_437] {strides = array<i32>} : memref<16x384xf32, #tpu.memory_space<vmem>>, vector<1x16xf32>,
      %get3A_439 = vector.shape_cast %get3A_438 : vector<1x16xf32> to vector<16xf32>
      %add3A_440 = arith.addf %add3A_435, %get3A_439 : vector<16xf32>
      %swap3A_441 = arith.index_cast %scan3A_192 : i32 to index
      %swap3A_442 = arith.constant 176 : index
      %swap3A_443 = tpu.vector_load %arg14[%swap3A_441, %swap3A_442] {strides = array<i32>} : memref<16x384xf32, #tpu.memory_space<vmem>>, vector<1x16xf32>,
      %swap3A_444 = vector.shape_cast %swap3A_443 : vector<1x16xf32> to vector<16xf32>
      %swap3A_445 = vector.shape_cast %add3A_440 : vector<16xf32> to vector<1x16xf32>
      tpu.vector_store %arg14[%swap3A_441, %swap3A_442], %swap3A_445 {strides = array<i32>} : memref<16x384xf32, #tpu.memory_space<vmem>>, vector<1x16xf32>,
      %get3A_446 = arith.index_cast %scan3A_192 : i32 to index
      %get3A_447 = arith.constant 192 : index
      %get3A_448 = tpu.vector_load %arg11[%get3A_446, %get3A_447] {strides = array<i32>} : memref<16x384xf32, #tpu.memory_space<vmem>>, vector<1x16xf32>,
      %get3A_449 = vector.shape_cast %get3A_448 : vector<1x16xf32> to vector<16xf32>
      %mul3A_450 = arith.mulf %get3A_60, %get3A_449 : vector<16xf32>
      %get3A_451 = arith.index_cast %scan3A_192 : i32 to index
      %get3A_452 = arith.constant 192 : index
      %get3A_453 = tpu.vector_load %arg12[%get3A_451, %get3A_452] {strides = array<i32>} : memref<16x384xf32, #tpu.memory_space<vmem>>, vector<1x16xf32>,
      %get3A_454 = vector.shape_cast %get3A_453 : vector<1x16xf32> to vector<16xf32>
      %mul3A_455 = arith.mulf %get3A_63, %get3A_454 : vector<16xf32>
      %add3A_456 = arith.addf %mul3A_450, %mul3A_455 : vector<16xf32>
      %get3A_457 = arith.index_cast %scan3A_192 : i32 to index
      %get3A_458 = arith.constant 192 : index
      %get3A_459 = tpu.vector_load %arg13[%get3A_457, %get3A_458] {strides = array<i32>} : memref<16x384xf32, #tpu.memory_space<vmem>>, vector<1x16xf32>,
      %get3A_460 = vector.shape_cast %get3A_459 : vector<1x16xf32> to vector<16xf32>
      %add3A_461 = arith.addf %add3A_456, %get3A_460 : vector<16xf32>
      %swap3A_462 = arith.index_cast %scan3A_192 : i32 to index
      %swap3A_463 = arith.constant 192 : index
      %swap3A_464 = tpu.vector_load %arg14[%swap3A_462, %swap3A_463] {strides = array<i32>} : memref<16x384xf32, #tpu.memory_space<vmem>>, vector<1x16xf32>,
      %swap3A_465 = vector.shape_cast %swap3A_464 : vector<1x16xf32> to vector<16xf32>
      %swap3A_466 = vector.shape_cast %add3A_461 : vector<16xf32> to vector<1x16xf32>
      tpu.vector_store %arg14[%swap3A_462, %swap3A_463], %swap3A_466 {strides = array<i32>} : memref<16x384xf32, #tpu.memory_space<vmem>>, vector<1x16xf32>,
      %get3A_467 = arith.index_cast %scan3A_192 : i32 to index
      %get3A_468 = arith.constant 208 : index
      %get3A_469 = tpu.vector_load %arg11[%get3A_467, %get3A_468] {strides = array<i32>} : memref<16x384xf32, #tpu.memory_space<vmem>>, vector<1x16xf32>,
      %get3A_470 = vector.shape_cast %get3A_469 : vector<1x16xf32> to vector<16xf32>
      %mul3A_471 = arith.mulf %get3A_60, %get3A_470 : vector<16xf32>
      %get3A_472 = arith.index_cast %scan3A_192 : i32 to index
      %get3A_473 = arith.constant 208 : index
      %get3A_474 = tpu.vector_load %arg12[%get3A_472, %get3A_473] {strides = array<i32>} : memref<16x384xf32, #tpu.memory_space<vmem>>, vector<1x16xf32>,
      %get3A_475 = vector.shape_cast %get3A_474 : vector<1x16xf32> to vector<16xf32>
      %mul3A_476 = arith.mulf %get3A_63, %get3A_475 : vector<16xf32>
      %add3A_477 = arith.addf %mul3A_471, %mul3A_476 : vector<16xf32>
      %get3A_478 = arith.index_cast %scan3A_192 : i32 to index
      %get3A_479 = arith.constant 208 : index
      %get3A_480 = tpu.vector_load %arg13[%get3A_478, %get3A_479] {strides = array<i32>} : memref<16x384xf32, #tpu.memory_space<vmem>>, vector<1x16xf32>,
      %get3A_481 = vector.shape_cast %get3A_480 : vector<1x16xf32> to vector<16xf32>
      %add3A_482 = arith.addf %add3A_477, %get3A_481 : vector<16xf32>
      %swap3A_483 = arith.index_cast %scan3A_192 : i32 to index
      %swap3A_484 = arith.constant 208 : index
      %swap3A_485 = tpu.vector_load %arg14[%swap3A_483, %swap3A_484] {strides = array<i32>} : memref<16x384xf32, #tpu.memory_space<vmem>>, vector<1x16xf32>,
      %swap3A_486 = vector.shape_cast %swap3A_485 : vector<1x16xf32> to vector<16xf32>
      %swap3A_487 = vector.shape_cast %add3A_482 : vector<16xf32> to vector<1x16xf32>
      tpu.vector_store %arg14[%swap3A_483, %swap3A_484], %swap3A_487 {strides = array<i32>} : memref<16x384xf32, #tpu.memory_space<vmem>>, vector<1x16xf32>,
      %get3A_488 = arith.index_cast %scan3A_192 : i32 to index
      %get3A_489 = arith.constant 224 : index
      %get3A_490 = tpu.vector_load %arg11[%get3A_488, %get3A_489] {strides = array<i32>} : memref<16x384xf32, #tpu.memory_space<vmem>>, vector<1x16xf32>,
      %get3A_491 = vector.shape_cast %get3A_490 : vector<1x16xf32> to vector<16xf32>
      %mul3A_492 = arith.mulf %get3A_60, %get3A_491 : vector<16xf32>
      %get3A_493 = arith.index_cast %scan3A_192 : i32 to index
      %get3A_494 = arith.constant 224 : index
      %get3A_495 = tpu.vector_load %arg12[%get3A_493, %get3A_494] {strides = array<i32>} : memref<16x384xf32, #tpu.memory_space<vmem>>, vector<1x16xf32>,
      %get3A_496 = vector.shape_cast %get3A_495 : vector<1x16xf32> to vector<16xf32>
      %mul3A_497 = arith.mulf %get3A_63, %get3A_496 : vector<16xf32>
      %add3A_498 = arith.addf %mul3A_492, %mul3A_497 : vector<16xf32>
      %get3A_499 = arith.index_cast %scan3A_192 : i32 to index
      %get3A_500 = arith.constant 224 : index
      %get3A_501 = tpu.vector_load %arg13[%get3A_499, %get3A_500] {strides = array<i32>} : memref<16x384xf32, #tpu.memory_space<vmem>>, vector<1x16xf32>,
      %get3A_502 = vector.shape_cast %get3A_501 : vector<1x16xf32> to vector<16xf32>
      %add3A_503 = arith.addf %add3A_498, %get3A_502 : vector<16xf32>
      %swap3A_504 = arith.index_cast %scan3A_192 : i32 to index
      %swap3A_505 = arith.constant 224 : index
      %swap3A_506 = tpu.vector_load %arg14[%swap3A_504, %swap3A_505] {strides = array<i32>} : memref<16x384xf32, #tpu.memory_space<vmem>>, vector<1x16xf32>,
      %swap3A_507 = vector.shape_cast %swap3A_506 : vector<1x16xf32> to vector<16xf32>
      %swap3A_508 = vector.shape_cast %add3A_503 : vector<16xf32> to vector<1x16xf32>
      tpu.vector_store %arg14[%swap3A_504, %swap3A_505], %swap3A_508 {strides = array<i32>} : memref<16x384xf32, #tpu.memory_space<vmem>>, vector<1x16xf32>,
      %get3A_509 = arith.index_cast %scan3A_192 : i32 to index
      %get3A_510 = arith.constant 240 : index
      %get3A_511 = tpu.vector_load %arg11[%get3A_509, %get3A_510] {strides = array<i32>} : memref<16x384xf32, #tpu.memory_space<vmem>>, vector<1x16xf32>,
      %get3A_512 = vector.shape_cast %get3A_511 : vector<1x16xf32> to vector<16xf32>
      %mul3A_513 = arith.mulf %get3A_60, %get3A_512 : vector<16xf32>
      %get3A_514 = arith.index_cast %scan3A_192 : i32 to index
      %get3A_515 = arith.constant 240 : index
      %get3A_516 = tpu.vector_load %arg12[%get3A_514, %get3A_515] {strides = array<i32>} : memref<16x384xf32, #tpu.memory_space<vmem>>, vector<1x16xf32>,
      %get3A_517 = vector.shape_cast %get3A_516 : vector<1x16xf32> to vector<16xf32>
      %mul3A_518 = arith.mulf %get3A_63, %get3A_517 : vector<16xf32>
      %add3A_519 = arith.addf %mul3A_513, %mul3A_518 : vector<16xf32>
      %get3A_520 = arith.index_cast %scan3A_192 : i32 to index
      %get3A_521 = arith.constant 240 : index
      %get3A_522 = tpu.vector_load %arg13[%get3A_520, %get3A_521] {strides = array<i32>} : memref<16x384xf32, #tpu.memory_space<vmem>>, vector<1x16xf32>,
      %get3A_523 = vector.shape_cast %get3A_522 : vector<1x16xf32> to vector<16xf32>
      %add3A_524 = arith.addf %add3A_519, %get3A_523 : vector<16xf32>
      %swap3A_525 = arith.index_cast %scan3A_192 : i32 to index
      %swap3A_526 = arith.constant 240 : index
      %swap3A_527 = tpu.vector_load %arg14[%swap3A_525, %swap3A_526] {strides = array<i32>} : memref<16x384xf32, #tpu.memory_space<vmem>>, vector<1x16xf32>,
      %swap3A_528 = vector.shape_cast %swap3A_527 : vector<1x16xf32> to vector<16xf32>
      %swap3A_529 = vector.shape_cast %add3A_524 : vector<16xf32> to vector<1x16xf32>
      tpu.vector_store %arg14[%swap3A_525, %swap3A_526], %swap3A_529 {strides = array<i32>} : memref<16x384xf32, #tpu.memory_space<vmem>>, vector<1x16xf32>,
      %get3A_530 = arith.index_cast %scan3A_192 : i32 to index
      %get3A_531 = arith.constant 256 : index
      %get3A_532 = tpu.vector_load %arg11[%get3A_530, %get3A_531] {strides = array<i32>} : memref<16x384xf32, #tpu.memory_space<vmem>>, vector<1x16xf32>,
      %get3A_533 = vector.shape_cast %get3A_532 : vector<1x16xf32> to vector<16xf32>
      %mul3A_534 = arith.mulf %get3A_60, %get3A_533 : vector<16xf32>
      %get3A_535 = arith.index_cast %scan3A_192 : i32 to index
      %get3A_536 = arith.constant 256 : index
      %get3A_537 = tpu.vector_load %arg12[%get3A_535, %get3A_536] {strides = array<i32>} : memref<16x384xf32, #tpu.memory_space<vmem>>, vector<1x16xf32>,
      %get3A_538 = vector.shape_cast %get3A_537 : vector<1x16xf32> to vector<16xf32>
      %mul3A_539 = arith.mulf %get3A_63, %get3A_538 : vector<16xf32>
      %add3A_540 = arith.addf %mul3A_534, %mul3A_539 : vector<16xf32>
      %get3A_541 = arith.index_cast %scan3A_192 : i32 to index
      %get3A_542 = arith.constant 256 : index
      %get3A_543 = tpu.vector_load %arg13[%get3A_541, %get3A_542] {strides = array<i32>} : memref<16x384xf32, #tpu.memory_space<vmem>>, vector<1x16xf32>,
      %get3A_544 = vector.shape_cast %get3A_543 : vector<1x16xf32> to vector<16xf32>
      %add3A_545 = arith.addf %add3A_540, %get3A_544 : vector<16xf32>
      %swap3A_546 = arith.index_cast %scan3A_192 : i32 to index
      %swap3A_547 = arith.constant 256 : index
      %swap3A_548 = tpu.vector_load %arg14[%swap3A_546, %swap3A_547] {strides = array<i32>} : memref<16x384xf32, #tpu.memory_space<vmem>>, vector<1x16xf32>,
      %swap3A_549 = vector.shape_cast %swap3A_548 : vector<1x16xf32> to vector<16xf32>
      %swap3A_550 = vector.shape_cast %add3A_545 : vector<16xf32> to vector<1x16xf32>
      tpu.vector_store %arg14[%swap3A_546, %swap3A_547], %swap3A_550 {strides = array<i32>} : memref<16x384xf32, #tpu.memory_space<vmem>>, vector<1x16xf32>,
      %get3A_551 = arith.index_cast %scan3A_192 : i32 to index
      %get3A_552 = arith.constant 272 : index
      %get3A_553 = tpu.vector_load %arg11[%get3A_551, %get3A_552] {strides = array<i32>} : memref<16x384xf32, #tpu.memory_space<vmem>>, vector<1x16xf32>,
      %get3A_554 = vector.shape_cast %get3A_553 : vector<1x16xf32> to vector<16xf32>
      %mul3A_555 = arith.mulf %get3A_60, %get3A_554 : vector<16xf32>
      %get3A_556 = arith.index_cast %scan3A_192 : i32 to index
      %get3A_557 = arith.constant 272 : index
      %get3A_558 = tpu.vector_load %arg12[%get3A_556, %get3A_557] {strides = array<i32>} : memref<16x384xf32, #tpu.memory_space<vmem>>, vector<1x16xf32>,
      %get3A_559 = vector.shape_cast %get3A_558 : vector<1x16xf32> to vector<16xf32>
      %mul3A_560 = arith.mulf %get3A_63, %get3A_559 : vector<16xf32>
      %add3A_561 = arith.addf %mul3A_555, %mul3A_560 : vector<16xf32>
      %get3A_562 = arith.index_cast %scan3A_192 : i32 to index
      %get3A_563 = arith.constant 272 : index
      %get3A_564 = tpu.vector_load %arg13[%get3A_562, %get3A_563] {strides = array<i32>} : memref<16x384xf32, #tpu.memory_space<vmem>>, vector<1x16xf32>,
      %get3A_565 = vector.shape_cast %get3A_564 : vector<1x16xf32> to vector<16xf32>
      %add3A_566 = arith.addf %add3A_561, %get3A_565 : vector<16xf32>
      %swap3A_567 = arith.index_cast %scan3A_192 : i32 to index
      %swap3A_568 = arith.constant 272 : index
      %swap3A_569 = tpu.vector_load %arg14[%swap3A_567, %swap3A_568] {strides = array<i32>} : memref<16x384xf32, #tpu.memory_space<vmem>>, vector<1x16xf32>,
      %swap3A_570 = vector.shape_cast %swap3A_569 : vector<1x16xf32> to vector<16xf32>
      %swap3A_571 = vector.shape_cast %add3A_566 : vector<16xf32> to vector<1x16xf32>
      tpu.vector_store %arg14[%swap3A_567, %swap3A_568], %swap3A_571 {strides = array<i32>} : memref<16x384xf32, #tpu.memory_space<vmem>>, vector<1x16xf32>,
      %get3A_572 = arith.index_cast %scan3A_192 : i32 to index
      %get3A_573 = arith.constant 288 : index
      %get3A_574 = tpu.vector_load %arg11[%get3A_572, %get3A_573] {strides = array<i32>} : memref<16x384xf32, #tpu.memory_space<vmem>>, vector<1x16xf32>,
      %get3A_575 = vector.shape_cast %get3A_574 : vector<1x16xf32> to vector<16xf32>
      %mul3A_576 = arith.mulf %get3A_60, %get3A_575 : vector<16xf32>
      %get3A_577 = arith.index_cast %scan3A_192 : i32 to index
      %get3A_578 = arith.constant 288 : index
      %get3A_579 = tpu.vector_load %arg12[%get3A_577, %get3A_578] {strides = array<i32>} : memref<16x384xf32, #tpu.memory_space<vmem>>, vector<1x16xf32>,
      %get3A_580 = vector.shape_cast %get3A_579 : vector<1x16xf32> to vector<16xf32>
      %mul3A_581 = arith.mulf %get3A_63, %get3A_580 : vector<16xf32>
      %add3A_582 = arith.addf %mul3A_576, %mul3A_581 : vector<16xf32>
      %get3A_583 = arith.index_cast %scan3A_192 : i32 to index
      %get3A_584 = arith.constant 288 : index
      %get3A_585 = tpu.vector_load %arg13[%get3A_583, %get3A_584] {strides = array<i32>} : memref<16x384xf32, #tpu.memory_space<vmem>>, vector<1x16xf32>,
      %get3A_586 = vector.shape_cast %get3A_585 : vector<1x16xf32> to vector<16xf32>
      %add3A_587 = arith.addf %add3A_582, %get3A_586 : vector<16xf32>
      %swap3A_588 = arith.index_cast %scan3A_192 : i32 to index
      %swap3A_589 = arith.constant 288 : index
      %swap3A_590 = tpu.vector_load %arg14[%swap3A_588, %swap3A_589] {strides = array<i32>} : memref<16x384xf32, #tpu.memory_space<vmem>>, vector<1x16xf32>,
      %swap3A_591 = vector.shape_cast %swap3A_590 : vector<1x16xf32> to vector<16xf32>
      %swap3A_592 = vector.shape_cast %add3A_587 : vector<16xf32> to vector<1x16xf32>
      tpu.vector_store %arg14[%swap3A_588, %swap3A_589], %swap3A_592 {strides = array<i32>} : memref<16x384xf32, #tpu.memory_space<vmem>>, vector<1x16xf32>,
      %get3A_593 = arith.index_cast %scan3A_192 : i32 to index
      %get3A_594 = arith.constant 304 : index
      %get3A_595 = tpu.vector_load %arg11[%get3A_593, %get3A_594] {strides = array<i32>} : memref<16x384xf32, #tpu.memory_space<vmem>>, vector<1x16xf32>,
      %get3A_596 = vector.shape_cast %get3A_595 : vector<1x16xf32> to vector<16xf32>
      %mul3A_597 = arith.mulf %get3A_60, %get3A_596 : vector<16xf32>
      %get3A_598 = arith.index_cast %scan3A_192 : i32 to index
      %get3A_599 = arith.constant 304 : index
      %get3A_600 = tpu.vector_load %arg12[%get3A_598, %get3A_599] {strides = array<i32>} : memref<16x384xf32, #tpu.memory_space<vmem>>, vector<1x16xf32>,
      %get3A_601 = vector.shape_cast %get3A_600 : vector<1x16xf32> to vector<16xf32>
      %mul3A_602 = arith.mulf %get3A_63, %get3A_601 : vector<16xf32>
      %add3A_603 = arith.addf %mul3A_597, %mul3A_602 : vector<16xf32>
      %get3A_604 = arith.index_cast %scan3A_192 : i32 to index
      %get3A_605 = arith.constant 304 : index
      %get3A_606 = tpu.vector_load %arg13[%get3A_604, %get3A_605] {strides = array<i32>} : memref<16x384xf32, #tpu.memory_space<vmem>>, vector<1x16xf32>,
      %get3A_607 = vector.shape_cast %get3A_606 : vector<1x16xf32> to vector<16xf32>
      %add3A_608 = arith.addf %add3A_603, %get3A_607 : vector<16xf32>
      %swap3A_609 = arith.index_cast %scan3A_192 : i32 to index
      %swap3A_610 = arith.constant 304 : index
      %swap3A_611 = tpu.vector_load %arg14[%swap3A_609, %swap3A_610] {strides = array<i32>} : memref<16x384xf32, #tpu.memory_space<vmem>>, vector<1x16xf32>,
      %swap3A_612 = vector.shape_cast %swap3A_611 : vector<1x16xf32> to vector<16xf32>
      %swap3A_613 = vector.shape_cast %add3A_608 : vector<16xf32> to vector<1x16xf32>
      tpu.vector_store %arg14[%swap3A_609, %swap3A_610], %swap3A_613 {strides = array<i32>} : memref<16x384xf32, #tpu.memory_space<vmem>>, vector<1x16xf32>,
      %get3A_614 = arith.index_cast %scan3A_192 : i32 to index
      %get3A_615 = arith.constant 320 : index
      %get3A_616 = tpu.vector_load %arg11[%get3A_614, %get3A_615] {strides = array<i32>} : memref<16x384xf32, #tpu.memory_space<vmem>>, vector<1x16xf32>,
      %get3A_617 = vector.shape_cast %get3A_616 : vector<1x16xf32> to vector<16xf32>
      %mul3A_618 = arith.mulf %get3A_60, %get3A_617 : vector<16xf32>
      %get3A_619 = arith.index_cast %scan3A_192 : i32 to index
      %get3A_620 = arith.constant 320 : index
      %get3A_621 = tpu.vector_load %arg12[%get3A_619, %get3A_620] {strides = array<i32>} : memref<16x384xf32, #tpu.memory_space<vmem>>, vector<1x16xf32>,
      %get3A_622 = vector.shape_cast %get3A_621 : vector<1x16xf32> to vector<16xf32>
      %mul3A_623 = arith.mulf %get3A_63, %get3A_622 : vector<16xf32>
      %add3A_624 = arith.addf %mul3A_618, %mul3A_623 : vector<16xf32>
      %get3A_625 = arith.index_cast %scan3A_192 : i32 to index
      %get3A_626 = arith.constant 320 : index
      %get3A_627 = tpu.vector_load %arg13[%get3A_625, %get3A_626] {strides = array<i32>} : memref<16x384xf32, #tpu.memory_space<vmem>>, vector<1x16xf32>,
      %get3A_628 = vector.shape_cast %get3A_627 : vector<1x16xf32> to vector<16xf32>
      %add3A_629 = arith.addf %add3A_624, %get3A_628 : vector<16xf32>
      %swap3A_630 = arith.index_cast %scan3A_192 : i32 to index
      %swap3A_631 = arith.constant 320 : index
      %swap3A_632 = tpu.vector_load %arg14[%swap3A_630, %swap3A_631] {strides = array<i32>} : memref<16x384xf32, #tpu.memory_space<vmem>>, vector<1x16xf32>,
      %swap3A_633 = vector.shape_cast %swap3A_632 : vector<1x16xf32> to vector<16xf32>
      %swap3A_634 = vector.shape_cast %add3A_629 : vector<16xf32> to vector<1x16xf32>
      tpu.vector_store %arg14[%swap3A_630, %swap3A_631], %swap3A_634 {strides = array<i32>} : memref<16x384xf32, #tpu.memory_space<vmem>>, vector<1x16xf32>,
      %get3A_635 = arith.index_cast %scan3A_192 : i32 to index
      %get3A_636 = arith.constant 336 : index
      %get3A_637 = tpu.vector_load %arg11[%get3A_635, %get3A_636] {strides = array<i32>} : memref<16x384xf32, #tpu.memory_space<vmem>>, vector<1x16xf32>,
      %get3A_638 = vector.shape_cast %get3A_637 : vector<1x16xf32> to vector<16xf32>
      %mul3A_639 = arith.mulf %get3A_60, %get3A_638 : vector<16xf32>
      %get3A_640 = arith.index_cast %scan3A_192 : i32 to index
      %get3A_641 = arith.constant 336 : index
      %get3A_642 = tpu.vector_load %arg12[%get3A_640, %get3A_641] {strides = array<i32>} : memref<16x384xf32, #tpu.memory_space<vmem>>, vector<1x16xf32>,
      %get3A_643 = vector.shape_cast %get3A_642 : vector<1x16xf32> to vector<16xf32>
      %mul3A_644 = arith.mulf %get3A_63, %get3A_643 : vector<16xf32>
      %add3A_645 = arith.addf %mul3A_639, %mul3A_644 : vector<16xf32>
      %get3A_646 = arith.index_cast %scan3A_192 : i32 to index
      %get3A_647 = arith.constant 336 : index
      %get3A_648 = tpu.vector_load %arg13[%get3A_646, %get3A_647] {strides = array<i32>} : memref<16x384xf32, #tpu.memory_space<vmem>>, vector<1x16xf32>,
      %get3A_649 = vector.shape_cast %get3A_648 : vector<1x16xf32> to vector<16xf32>
      %add3A_650 = arith.addf %add3A_645, %get3A_649 : vector<16xf32>
      %swap3A_651 = arith.index_cast %scan3A_192 : i32 to index
      %swap3A_652 = arith.constant 336 : index
      %swap3A_653 = tpu.vector_load %arg14[%swap3A_651, %swap3A_652] {strides = array<i32>} : memref<16x384xf32, #tpu.memory_space<vmem>>, vector<1x16xf32>,
      %swap3A_654 = vector.shape_cast %swap3A_653 : vector<1x16xf32> to vector<16xf32>
      %swap3A_655 = vector.shape_cast %add3A_650 : vector<16xf32> to vector<1x16xf32>
      tpu.vector_store %arg14[%swap3A_651, %swap3A_652], %swap3A_655 {strides = array<i32>} : memref<16x384xf32, #tpu.memory_space<vmem>>, vector<1x16xf32>,
      %get3A_656 = arith.index_cast %scan3A_192 : i32 to index
      %get3A_657 = arith.constant 352 : index
      %get3A_658 = tpu.vector_load %arg11[%get3A_656, %get3A_657] {strides = array<i32>} : memref<16x384xf32, #tpu.memory_space<vmem>>, vector<1x16xf32>,
      %get3A_659 = vector.shape_cast %get3A_658 : vector<1x16xf32> to vector<16xf32>
      %mul3A_660 = arith.mulf %get3A_60, %get3A_659 : vector<16xf32>
      %get3A_661 = arith.index_cast %scan3A_192 : i32 to index
      %get3A_662 = arith.constant 352 : index
      %get3A_663 = tpu.vector_load %arg12[%get3A_661, %get3A_662] {strides = array<i32>} : memref<16x384xf32, #tpu.memory_space<vmem>>, vector<1x16xf32>,
      %get3A_664 = vector.shape_cast %get3A_663 : vector<1x16xf32> to vector<16xf32>
      %mul3A_665 = arith.mulf %get3A_63, %get3A_664 : vector<16xf32>
      %add3A_666 = arith.addf %mul3A_660, %mul3A_665 : vector<16xf32>
      %get3A_667 = arith.index_cast %scan3A_192 : i32 to index
      %get3A_668 = arith.constant 352 : index
      %get3A_669 = tpu.vector_load %arg13[%get3A_667, %get3A_668] {strides = array<i32>} : memref<16x384xf32, #tpu.memory_space<vmem>>, vector<1x16xf32>,
      %get3A_670 = vector.shape_cast %get3A_669 : vector<1x16xf32> to vector<16xf32>
      %add3A_671 = arith.addf %add3A_666, %get3A_670 : vector<16xf32>
      %swap3A_672 = arith.index_cast %scan3A_192 : i32 to index
      %swap3A_673 = arith.constant 352 : index
      %swap3A_674 = tpu.vector_load %arg14[%swap3A_672, %swap3A_673] {strides = array<i32>} : memref<16x384xf32, #tpu.memory_space<vmem>>, vector<1x16xf32>,
      %swap3A_675 = vector.shape_cast %swap3A_674 : vector<1x16xf32> to vector<16xf32>
      %swap3A_676 = vector.shape_cast %add3A_671 : vector<16xf32> to vector<1x16xf32>
      tpu.vector_store %arg14[%swap3A_672, %swap3A_673], %swap3A_676 {strides = array<i32>} : memref<16x384xf32, #tpu.memory_space<vmem>>, vector<1x16xf32>,
      %get3A_677 = arith.index_cast %scan3A_192 : i32 to index
      %get3A_678 = arith.constant 368 : index
      %get3A_679 = tpu.vector_load %arg11[%get3A_677, %get3A_678] {strides = array<i32>} : memref<16x384xf32, #tpu.memory_space<vmem>>, vector<1x16xf32>,
      %get3A_680 = vector.shape_cast %get3A_679 : vector<1x16xf32> to vector<16xf32>
      %mul3A_681 = arith.mulf %get3A_60, %get3A_680 : vector<16xf32>
      %get3A_682 = arith.index_cast %scan3A_192 : i32 to index
      %get3A_683 = arith.constant 368 : index
      %get3A_684 = tpu.vector_load %arg12[%get3A_682, %get3A_683] {strides = array<i32>} : memref<16x384xf32, #tpu.memory_space<vmem>>, vector<1x16xf32>,
      %get3A_685 = vector.shape_cast %get3A_684 : vector<1x16xf32> to vector<16xf32>
      %mul3A_686 = arith.mulf %get3A_63, %get3A_685 : vector<16xf32>
      %add3A_687 = arith.addf %mul3A_681, %mul3A_686 : vector<16xf32>
      %get3A_688 = arith.index_cast %scan3A_192 : i32 to index
      %get3A_689 = arith.constant 368 : index
      %get3A_690 = tpu.vector_load %arg13[%get3A_688, %get3A_689] {strides = array<i32>} : memref<16x384xf32, #tpu.memory_space<vmem>>, vector<1x16xf32>,
      %get3A_691 = vector.shape_cast %get3A_690 : vector<1x16xf32> to vector<16xf32>
      %add3A_692 = arith.addf %add3A_687, %get3A_691 : vector<16xf32>
      %swap3A_693 = arith.index_cast %scan3A_192 : i32 to index
      %swap3A_694 = arith.constant 368 : index
      %swap3A_695 = tpu.vector_load %arg14[%swap3A_693, %swap3A_694] {strides = array<i32>} : memref<16x384xf32, #tpu.memory_space<vmem>>, vector<1x16xf32>,
      %swap3A_696 = vector.shape_cast %swap3A_695 : vector<1x16xf32> to vector<16xf32>
      %swap3A_697 = vector.shape_cast %add3A_692 : vector<16xf32> to vector<1x16xf32>
      tpu.vector_store %arg14[%swap3A_693, %swap3A_694], %swap3A_697 {strides = array<i32>} : memref<16x384xf32, #tpu.memory_space<vmem>>, vector<1x16xf32>,
      %scan3A_698 = arith.constant 0 : i32
      scf.yield %scan3A_698 : i32
    }
    %scan3A_144 = arith.constant 16 : i32
    %mul3A_145 = arith.constant 384 : i32
    %mul3A_146 = arith.muli %select_n3A, %mul3A_145 : i32
    %add3A_147 = arith.addi %mul3A_146, %mul3A_107 : i32
    "tpu.region"() ({
      %run_scoped3A = tpu.sem_alloc : memref<!tpu.dma_semaphore, #tpu.memory_space<semaphore_mem>>
      %dma_start3A_192 = arith.constant 0 : i32
      %dma_start3A_193 = tpu.memref_slice %arg6[%add3A_147, %dma_start3A_192] : memref<1536x384xf32, #tpu.memory_space<hbm>> -> memref<16x384xf32, #tpu.memory_space<hbm>>
      %dma_start3A_194 = arith.constant 0 : i32
      %dma_start3A_195 = tpu.memref_slice %arg6[%add3A_147, %dma_start3A_194] : memref<1536x384xf32, #tpu.memory_space<hbm>> -> memref<16x384xf32, #tpu.memory_space<hbm>>
      tpu.enqueue_dma source(%arg14 : memref<16x384xf32, #tpu.memory_space<vmem>>) target(%dma_start3A_195 : memref<16x384xf32, #tpu.memory_space<hbm>>) target_semaphore(%run_scoped3A : memref<!tpu.dma_semaphore, #tpu.memory_space<semaphore_mem>>)
      %dma_wait3A_196 = arith.constant 0 : i32
      %dma_wait3A_197 = tpu.memref_slice %arg6[%add3A_147, %dma_wait3A_196] : memref<1536x384xf32, #tpu.memory_space<hbm>> -> memref<16x384xf32, #tpu.memory_space<hbm>>
      %dma_wait3A_198 = arith.constant 0 : i32
      %dma_wait3A_199 = tpu.memref_slice %arg6[%add3A_147, %dma_wait3A_198] : memref<1536x384xf32, #tpu.memory_space<hbm>> -> memref<16x384xf32, #tpu.memory_space<hbm>>
      tpu.wait_dma2 semaphore(%run_scoped3A : memref<!tpu.dma_semaphore, #tpu.memory_space<semaphore_mem>>) src(%arg14 : memref<16x384xf32, #tpu.memory_space<vmem>>) dst(%dma_wait3A_199 : memref<16x384xf32, #tpu.memory_space<hbm>>)
      tpu.yield
    }) : () -> ()
    %add3A_148 = arith.constant 2 : i32
    %add3A_149 = arith.addi %mul3A_32, %add3A_148 : i32
    %mul3A_150 = arith.constant 16 : i32
    %mul3A_151 = arith.muli %add3A_149, %mul3A_150 : i32
    %add3A_152 = vector.broadcast %mul3A_151 : i32 to vector<16xi32>
    %add3A_153 = arith.addi %add3A_152, %iota3A : vector<16xi32>
    %mul3A_154 = arith.constant 384 : i32
    %mul3A_155 = vector.broadcast %mul3A_154 : i32 to vector<16xi32>
    %mul3A_156 = arith.muli %get3A_54, %mul3A_155 : vector<16xi32>
    %add3A_157 = arith.addi %mul3A_156, %add3A_153 : vector<16xi32>
    %swap3A_158 = arith.constant 0 : index
    %swap3A_159 = tpu.vector_load %arg9[%swap3A_158] {strides = array<i32>} : memref<16xi32, #tpu.memory_space<vmem>>, vector<16xi32>,
    %swap3A_160 = vector.shape_cast %swap3A_159 : vector<16xi32> to vector<16xi32>
    %swap3A_161 = vector.shape_cast %add3A_157 : vector<16xi32> to vector<16xi32>
    tpu.vector_store %arg9[%swap3A_158], %swap3A_161 {strides = array<i32>} : memref<16xi32, #tpu.memory_space<vmem>>, vector<16xi32>,
    %mul3A_162 = arith.constant 384 : i32
    %mul3A_163 = vector.broadcast %mul3A_162 : i32 to vector<16xi32>
    %mul3A_164 = arith.muli %get3A_57, %mul3A_163 : vector<16xi32>
    %add3A_165 = arith.addi %mul3A_164, %add3A_153 : vector<16xi32>
    %swap3A_166 = arith.constant 0 : index
    %swap3A_167 = tpu.vector_load %arg10[%swap3A_166] {strides = array<i32>} : memref<16xi32, #tpu.memory_space<vmem>>, vector<16xi32>,
    %swap3A_168 = vector.shape_cast %swap3A_167 : vector<16xi32> to vector<16xi32>
    %swap3A_169 = vector.shape_cast %add3A_165 : vector<16xi32> to vector<16xi32>
    tpu.vector_store %arg10[%swap3A_166], %swap3A_169 {strides = array<i32>} : memref<16xi32, #tpu.memory_space<vmem>>, vector<16xi32>,
    %dma_start3A_170 = arith.constant 0 : i32
    %dma_start3A_171 = arith.constant 0 : i32
    %dma_start3A_172 = tpu.memref_slice %arg2[%dma_start3A_170, %dma_start3A_171] : memref<3072x384xf32, #tpu.memory_space<hbm>> -> memref<3072x384xf32, #tpu.memory_space<hbm>>
    tpu.enqueue_indirect_dma source(%dma_start3A_172 : memref<3072x384xf32, #tpu.memory_space<hbm>>) target(%arg11 : memref<16x384xf32, #tpu.memory_space<vmem>>) offsets(%arg9 : memref<16xi32, #tpu.memory_space<vmem>>) semaphore(%arg15 : memref<!tpu.dma_semaphore, #tpu.memory_space<semaphore_mem>>)
    %dma_start3A_173 = arith.constant 0 : i32
    %dma_start3A_174 = arith.constant 0 : i32
    %dma_start3A_175 = tpu.memref_slice %arg2[%dma_start3A_173, %dma_start3A_174] : memref<3072x384xf32, #tpu.memory_space<hbm>> -> memref<3072x384xf32, #tpu.memory_space<hbm>>
    tpu.enqueue_indirect_dma source(%dma_start3A_175 : memref<3072x384xf32, #tpu.memory_space<hbm>>) target(%arg12 : memref<16x384xf32, #tpu.memory_space<vmem>>) offsets(%arg10 : memref<16xi32, #tpu.memory_space<vmem>>) semaphore(%arg16 : memref<!tpu.dma_semaphore, #tpu.memory_space<semaphore_mem>>)
    "tpu.region"() ({
      %run_scoped3A = tpu.sem_alloc : memref<!tpu.dma_semaphore, #tpu.memory_space<semaphore_mem>>
      %dma_start3A_192 = arith.constant 0 : i32
      %dma_start3A_193 = tpu.memref_slice %arg3[%mul3A_151, %dma_start3A_192] : memref<384x384xf32, #tpu.memory_space<hbm>> -> memref<16x384xf32, #tpu.memory_space<hbm>>
      %dma_start3A_194 = arith.constant 0 : i32
      %dma_start3A_195 = tpu.memref_slice %arg3[%mul3A_151, %dma_start3A_194] : memref<384x384xf32, #tpu.memory_space<hbm>> -> memref<16x384xf32, #tpu.memory_space<hbm>>
      tpu.enqueue_dma source(%dma_start3A_195 : memref<16x384xf32, #tpu.memory_space<hbm>>) target(%arg13 : memref<16x384xf32, #tpu.memory_space<vmem>>) target_semaphore(%run_scoped3A : memref<!tpu.dma_semaphore, #tpu.memory_space<semaphore_mem>>)
      %dma_wait3A_196 = arith.constant 0 : i32
      %dma_wait3A_197 = tpu.memref_slice %arg3[%mul3A_151, %dma_wait3A_196] : memref<384x384xf32, #tpu.memory_space<hbm>> -> memref<16x384xf32, #tpu.memory_space<hbm>>
      %dma_wait3A_198 = arith.constant 0 : i32
      %dma_wait3A_199 = tpu.memref_slice %arg3[%mul3A_151, %dma_wait3A_198] : memref<384x384xf32, #tpu.memory_space<hbm>> -> memref<16x384xf32, #tpu.memory_space<hbm>>
      tpu.wait_dma2 semaphore(%run_scoped3A : memref<!tpu.dma_semaphore, #tpu.memory_space<semaphore_mem>>) src(%dma_wait3A_199 : memref<16x384xf32, #tpu.memory_space<hbm>>) dst(%arg13 : memref<16x384xf32, #tpu.memory_space<vmem>>)
      tpu.yield
    }) : () -> ()
    %dma_wait3A_176 = arith.constant 0 : i32
    %dma_wait3A_177 = arith.constant 0 : i32
    %dma_wait3A_178 = tpu.memref_slice %arg2[%dma_wait3A_176, %dma_wait3A_177] : memref<3072x384xf32, #tpu.memory_space<hbm>> -> memref<3072x384xf32, #tpu.memory_space<hbm>>
    tpu.wait_indirect_dma semaphore(%arg15 : memref<!tpu.dma_semaphore, #tpu.memory_space<semaphore_mem>>) src(%dma_wait3A_178 : memref<3072x384xf32, #tpu.memory_space<hbm>>) dst(%arg11 : memref<16x384xf32, #tpu.memory_space<vmem>>)
    %dma_wait3A_179 = arith.constant 0 : i32
    %dma_wait3A_180 = arith.constant 0 : i32
    %dma_wait3A_181 = tpu.memref_slice %arg2[%dma_wait3A_179, %dma_wait3A_180] : memref<3072x384xf32, #tpu.memory_space<hbm>> -> memref<3072x384xf32, #tpu.memory_space<hbm>>
    tpu.wait_indirect_dma semaphore(%arg16 : memref<!tpu.dma_semaphore, #tpu.memory_space<semaphore_mem>>) src(%dma_wait3A_181 : memref<3072x384xf32, #tpu.memory_space<hbm>>) dst(%arg12 : memref<16x384xf32, #tpu.memory_space<vmem>>)
    %scan3A_182 = arith.constant 0 : i32
    %scan3A_183 = arith.constant 0 : i32
    %scan3A_184 = arith.constant 16 : i32
    %scan3A_185 = arith.addi %scan3A_183, %scan3A_184 : i32
    %scan3A_186 = arith.constant 1 : i32
    %scan3A_187 = scf.for %scan3A_192 = %scan3A_183 to %scan3A_185 step %scan3A_186 iter_args(%scan3A_193 = %scan3A_182) -> (i32)  : i32 {
      %get3A_194 = arith.index_cast %scan3A_192 : i32 to index
      %get3A_195 = arith.constant 0 : index
      %get3A_196 = tpu.vector_load %arg11[%get3A_194, %get3A_195] {strides = array<i32>} : memref<16x384xf32, #tpu.memory_space<vmem>>, vector<1x16xf32>,
      %get3A_197 = vector.shape_cast %get3A_196 : vector<1x16xf32> to vector<16xf32>
      %mul3A_198 = arith.mulf %get3A_60, %get3A_197 : vector<16xf32>
      %get3A_199 = arith.index_cast %scan3A_192 : i32 to index
      %get3A_200 = arith.constant 0 : index
      %get3A_201 = tpu.vector_load %arg12[%get3A_199, %get3A_200] {strides = array<i32>} : memref<16x384xf32, #tpu.memory_space<vmem>>, vector<1x16xf32>,
      %get3A_202 = vector.shape_cast %get3A_201 : vector<1x16xf32> to vector<16xf32>
      %mul3A_203 = arith.mulf %get3A_63, %get3A_202 : vector<16xf32>
      %add3A_204 = arith.addf %mul3A_198, %mul3A_203 : vector<16xf32>
      %get3A_205 = arith.index_cast %scan3A_192 : i32 to index
      %get3A_206 = arith.constant 0 : index
      %get3A_207 = tpu.vector_load %arg13[%get3A_205, %get3A_206] {strides = array<i32>} : memref<16x384xf32, #tpu.memory_space<vmem>>, vector<1x16xf32>,
      %get3A_208 = vector.shape_cast %get3A_207 : vector<1x16xf32> to vector<16xf32>
      %add3A_209 = arith.addf %add3A_204, %get3A_208 : vector<16xf32>
      %swap3A_210 = arith.index_cast %scan3A_192 : i32 to index
      %swap3A_211 = arith.constant 0 : index
      %swap3A_212 = tpu.vector_load %arg14[%swap3A_210, %swap3A_211] {strides = array<i32>} : memref<16x384xf32, #tpu.memory_space<vmem>>, vector<1x16xf32>,
      %swap3A_213 = vector.shape_cast %swap3A_212 : vector<1x16xf32> to vector<16xf32>
      %swap3A_214 = vector.shape_cast %add3A_209 : vector<16xf32> to vector<1x16xf32>
      tpu.vector_store %arg14[%swap3A_210, %swap3A_211], %swap3A_214 {strides = array<i32>} : memref<16x384xf32, #tpu.memory_space<vmem>>, vector<1x16xf32>,
      %get3A_215 = arith.index_cast %scan3A_192 : i32 to index
      %get3A_216 = arith.constant 16 : index
      %get3A_217 = tpu.vector_load %arg11[%get3A_215, %get3A_216] {strides = array<i32>} : memref<16x384xf32, #tpu.memory_space<vmem>>, vector<1x16xf32>,
      %get3A_218 = vector.shape_cast %get3A_217 : vector<1x16xf32> to vector<16xf32>
      %mul3A_219 = arith.mulf %get3A_60, %get3A_218 : vector<16xf32>
      %get3A_220 = arith.index_cast %scan3A_192 : i32 to index
      %get3A_221 = arith.constant 16 : index
      %get3A_222 = tpu.vector_load %arg12[%get3A_220, %get3A_221] {strides = array<i32>} : memref<16x384xf32, #tpu.memory_space<vmem>>, vector<1x16xf32>,
      %get3A_223 = vector.shape_cast %get3A_222 : vector<1x16xf32> to vector<16xf32>
      %mul3A_224 = arith.mulf %get3A_63, %get3A_223 : vector<16xf32>
      %add3A_225 = arith.addf %mul3A_219, %mul3A_224 : vector<16xf32>
      %get3A_226 = arith.index_cast %scan3A_192 : i32 to index
      %get3A_227 = arith.constant 16 : index
      %get3A_228 = tpu.vector_load %arg13[%get3A_226, %get3A_227] {strides = array<i32>} : memref<16x384xf32, #tpu.memory_space<vmem>>, vector<1x16xf32>,
      %get3A_229 = vector.shape_cast %get3A_228 : vector<1x16xf32> to vector<16xf32>
      %add3A_230 = arith.addf %add3A_225, %get3A_229 : vector<16xf32>
      %swap3A_231 = arith.index_cast %scan3A_192 : i32 to index
      %swap3A_232 = arith.constant 16 : index
      %swap3A_233 = tpu.vector_load %arg14[%swap3A_231, %swap3A_232] {strides = array<i32>} : memref<16x384xf32, #tpu.memory_space<vmem>>, vector<1x16xf32>,
      %swap3A_234 = vector.shape_cast %swap3A_233 : vector<1x16xf32> to vector<16xf32>
      %swap3A_235 = vector.shape_cast %add3A_230 : vector<16xf32> to vector<1x16xf32>
      tpu.vector_store %arg14[%swap3A_231, %swap3A_232], %swap3A_235 {strides = array<i32>} : memref<16x384xf32, #tpu.memory_space<vmem>>, vector<1x16xf32>,
      %get3A_236 = arith.index_cast %scan3A_192 : i32 to index
      %get3A_237 = arith.constant 32 : index
      %get3A_238 = tpu.vector_load %arg11[%get3A_236, %get3A_237] {strides = array<i32>} : memref<16x384xf32, #tpu.memory_space<vmem>>, vector<1x16xf32>,
      %get3A_239 = vector.shape_cast %get3A_238 : vector<1x16xf32> to vector<16xf32>
      %mul3A_240 = arith.mulf %get3A_60, %get3A_239 : vector<16xf32>
      %get3A_241 = arith.index_cast %scan3A_192 : i32 to index
      %get3A_242 = arith.constant 32 : index
      %get3A_243 = tpu.vector_load %arg12[%get3A_241, %get3A_242] {strides = array<i32>} : memref<16x384xf32, #tpu.memory_space<vmem>>, vector<1x16xf32>,
      %get3A_244 = vector.shape_cast %get3A_243 : vector<1x16xf32> to vector<16xf32>
      %mul3A_245 = arith.mulf %get3A_63, %get3A_244 : vector<16xf32>
      %add3A_246 = arith.addf %mul3A_240, %mul3A_245 : vector<16xf32>
      %get3A_247 = arith.index_cast %scan3A_192 : i32 to index
      %get3A_248 = arith.constant 32 : index
      %get3A_249 = tpu.vector_load %arg13[%get3A_247, %get3A_248] {strides = array<i32>} : memref<16x384xf32, #tpu.memory_space<vmem>>, vector<1x16xf32>,
      %get3A_250 = vector.shape_cast %get3A_249 : vector<1x16xf32> to vector<16xf32>
      %add3A_251 = arith.addf %add3A_246, %get3A_250 : vector<16xf32>
      %swap3A_252 = arith.index_cast %scan3A_192 : i32 to index
      %swap3A_253 = arith.constant 32 : index
      %swap3A_254 = tpu.vector_load %arg14[%swap3A_252, %swap3A_253] {strides = array<i32>} : memref<16x384xf32, #tpu.memory_space<vmem>>, vector<1x16xf32>,
      %swap3A_255 = vector.shape_cast %swap3A_254 : vector<1x16xf32> to vector<16xf32>
      %swap3A_256 = vector.shape_cast %add3A_251 : vector<16xf32> to vector<1x16xf32>
      tpu.vector_store %arg14[%swap3A_252, %swap3A_253], %swap3A_256 {strides = array<i32>} : memref<16x384xf32, #tpu.memory_space<vmem>>, vector<1x16xf32>,
      %get3A_257 = arith.index_cast %scan3A_192 : i32 to index
      %get3A_258 = arith.constant 48 : index
      %get3A_259 = tpu.vector_load %arg11[%get3A_257, %get3A_258] {strides = array<i32>} : memref<16x384xf32, #tpu.memory_space<vmem>>, vector<1x16xf32>,
      %get3A_260 = vector.shape_cast %get3A_259 : vector<1x16xf32> to vector<16xf32>
      %mul3A_261 = arith.mulf %get3A_60, %get3A_260 : vector<16xf32>
      %get3A_262 = arith.index_cast %scan3A_192 : i32 to index
      %get3A_263 = arith.constant 48 : index
      %get3A_264 = tpu.vector_load %arg12[%get3A_262, %get3A_263] {strides = array<i32>} : memref<16x384xf32, #tpu.memory_space<vmem>>, vector<1x16xf32>,
      %get3A_265 = vector.shape_cast %get3A_264 : vector<1x16xf32> to vector<16xf32>
      %mul3A_266 = arith.mulf %get3A_63, %get3A_265 : vector<16xf32>
      %add3A_267 = arith.addf %mul3A_261, %mul3A_266 : vector<16xf32>
      %get3A_268 = arith.index_cast %scan3A_192 : i32 to index
      %get3A_269 = arith.constant 48 : index
      %get3A_270 = tpu.vector_load %arg13[%get3A_268, %get3A_269] {strides = array<i32>} : memref<16x384xf32, #tpu.memory_space<vmem>>, vector<1x16xf32>,
      %get3A_271 = vector.shape_cast %get3A_270 : vector<1x16xf32> to vector<16xf32>
      %add3A_272 = arith.addf %add3A_267, %get3A_271 : vector<16xf32>
      %swap3A_273 = arith.index_cast %scan3A_192 : i32 to index
      %swap3A_274 = arith.constant 48 : index
      %swap3A_275 = tpu.vector_load %arg14[%swap3A_273, %swap3A_274] {strides = array<i32>} : memref<16x384xf32, #tpu.memory_space<vmem>>, vector<1x16xf32>,
      %swap3A_276 = vector.shape_cast %swap3A_275 : vector<1x16xf32> to vector<16xf32>
      %swap3A_277 = vector.shape_cast %add3A_272 : vector<16xf32> to vector<1x16xf32>
      tpu.vector_store %arg14[%swap3A_273, %swap3A_274], %swap3A_277 {strides = array<i32>} : memref<16x384xf32, #tpu.memory_space<vmem>>, vector<1x16xf32>,
      %get3A_278 = arith.index_cast %scan3A_192 : i32 to index
      %get3A_279 = arith.constant 64 : index
      %get3A_280 = tpu.vector_load %arg11[%get3A_278, %get3A_279] {strides = array<i32>} : memref<16x384xf32, #tpu.memory_space<vmem>>, vector<1x16xf32>,
      %get3A_281 = vector.shape_cast %get3A_280 : vector<1x16xf32> to vector<16xf32>
      %mul3A_282 = arith.mulf %get3A_60, %get3A_281 : vector<16xf32>
      %get3A_283 = arith.index_cast %scan3A_192 : i32 to index
      %get3A_284 = arith.constant 64 : index
      %get3A_285 = tpu.vector_load %arg12[%get3A_283, %get3A_284] {strides = array<i32>} : memref<16x384xf32, #tpu.memory_space<vmem>>, vector<1x16xf32>,
      %get3A_286 = vector.shape_cast %get3A_285 : vector<1x16xf32> to vector<16xf32>
      %mul3A_287 = arith.mulf %get3A_63, %get3A_286 : vector<16xf32>
      %add3A_288 = arith.addf %mul3A_282, %mul3A_287 : vector<16xf32>
      %get3A_289 = arith.index_cast %scan3A_192 : i32 to index
      %get3A_290 = arith.constant 64 : index
      %get3A_291 = tpu.vector_load %arg13[%get3A_289, %get3A_290] {strides = array<i32>} : memref<16x384xf32, #tpu.memory_space<vmem>>, vector<1x16xf32>,
      %get3A_292 = vector.shape_cast %get3A_291 : vector<1x16xf32> to vector<16xf32>
      %add3A_293 = arith.addf %add3A_288, %get3A_292 : vector<16xf32>
      %swap3A_294 = arith.index_cast %scan3A_192 : i32 to index
      %swap3A_295 = arith.constant 64 : index
      %swap3A_296 = tpu.vector_load %arg14[%swap3A_294, %swap3A_295] {strides = array<i32>} : memref<16x384xf32, #tpu.memory_space<vmem>>, vector<1x16xf32>,
      %swap3A_297 = vector.shape_cast %swap3A_296 : vector<1x16xf32> to vector<16xf32>
      %swap3A_298 = vector.shape_cast %add3A_293 : vector<16xf32> to vector<1x16xf32>
      tpu.vector_store %arg14[%swap3A_294, %swap3A_295], %swap3A_298 {strides = array<i32>} : memref<16x384xf32, #tpu.memory_space<vmem>>, vector<1x16xf32>,
      %get3A_299 = arith.index_cast %scan3A_192 : i32 to index
      %get3A_300 = arith.constant 80 : index
      %get3A_301 = tpu.vector_load %arg11[%get3A_299, %get3A_300] {strides = array<i32>} : memref<16x384xf32, #tpu.memory_space<vmem>>, vector<1x16xf32>,
      %get3A_302 = vector.shape_cast %get3A_301 : vector<1x16xf32> to vector<16xf32>
      %mul3A_303 = arith.mulf %get3A_60, %get3A_302 : vector<16xf32>
      %get3A_304 = arith.index_cast %scan3A_192 : i32 to index
      %get3A_305 = arith.constant 80 : index
      %get3A_306 = tpu.vector_load %arg12[%get3A_304, %get3A_305] {strides = array<i32>} : memref<16x384xf32, #tpu.memory_space<vmem>>, vector<1x16xf32>,
      %get3A_307 = vector.shape_cast %get3A_306 : vector<1x16xf32> to vector<16xf32>
      %mul3A_308 = arith.mulf %get3A_63, %get3A_307 : vector<16xf32>
      %add3A_309 = arith.addf %mul3A_303, %mul3A_308 : vector<16xf32>
      %get3A_310 = arith.index_cast %scan3A_192 : i32 to index
      %get3A_311 = arith.constant 80 : index
      %get3A_312 = tpu.vector_load %arg13[%get3A_310, %get3A_311] {strides = array<i32>} : memref<16x384xf32, #tpu.memory_space<vmem>>, vector<1x16xf32>,
      %get3A_313 = vector.shape_cast %get3A_312 : vector<1x16xf32> to vector<16xf32>
      %add3A_314 = arith.addf %add3A_309, %get3A_313 : vector<16xf32>
      %swap3A_315 = arith.index_cast %scan3A_192 : i32 to index
      %swap3A_316 = arith.constant 80 : index
      %swap3A_317 = tpu.vector_load %arg14[%swap3A_315, %swap3A_316] {strides = array<i32>} : memref<16x384xf32, #tpu.memory_space<vmem>>, vector<1x16xf32>,
      %swap3A_318 = vector.shape_cast %swap3A_317 : vector<1x16xf32> to vector<16xf32>
      %swap3A_319 = vector.shape_cast %add3A_314 : vector<16xf32> to vector<1x16xf32>
      tpu.vector_store %arg14[%swap3A_315, %swap3A_316], %swap3A_319 {strides = array<i32>} : memref<16x384xf32, #tpu.memory_space<vmem>>, vector<1x16xf32>,
      %get3A_320 = arith.index_cast %scan3A_192 : i32 to index
      %get3A_321 = arith.constant 96 : index
      %get3A_322 = tpu.vector_load %arg11[%get3A_320, %get3A_321] {strides = array<i32>} : memref<16x384xf32, #tpu.memory_space<vmem>>, vector<1x16xf32>,
      %get3A_323 = vector.shape_cast %get3A_322 : vector<1x16xf32> to vector<16xf32>
      %mul3A_324 = arith.mulf %get3A_60, %get3A_323 : vector<16xf32>
      %get3A_325 = arith.index_cast %scan3A_192 : i32 to index
      %get3A_326 = arith.constant 96 : index
      %get3A_327 = tpu.vector_load %arg12[%get3A_325, %get3A_326] {strides = array<i32>} : memref<16x384xf32, #tpu.memory_space<vmem>>, vector<1x16xf32>,
      %get3A_328 = vector.shape_cast %get3A_327 : vector<1x16xf32> to vector<16xf32>
      %mul3A_329 = arith.mulf %get3A_63, %get3A_328 : vector<16xf32>
      %add3A_330 = arith.addf %mul3A_324, %mul3A_329 : vector<16xf32>
      %get3A_331 = arith.index_cast %scan3A_192 : i32 to index
      %get3A_332 = arith.constant 96 : index
      %get3A_333 = tpu.vector_load %arg13[%get3A_331, %get3A_332] {strides = array<i32>} : memref<16x384xf32, #tpu.memory_space<vmem>>, vector<1x16xf32>,
      %get3A_334 = vector.shape_cast %get3A_333 : vector<1x16xf32> to vector<16xf32>
      %add3A_335 = arith.addf %add3A_330, %get3A_334 : vector<16xf32>
      %swap3A_336 = arith.index_cast %scan3A_192 : i32 to index
      %swap3A_337 = arith.constant 96 : index
      %swap3A_338 = tpu.vector_load %arg14[%swap3A_336, %swap3A_337] {strides = array<i32>} : memref<16x384xf32, #tpu.memory_space<vmem>>, vector<1x16xf32>,
      %swap3A_339 = vector.shape_cast %swap3A_338 : vector<1x16xf32> to vector<16xf32>
      %swap3A_340 = vector.shape_cast %add3A_335 : vector<16xf32> to vector<1x16xf32>
      tpu.vector_store %arg14[%swap3A_336, %swap3A_337], %swap3A_340 {strides = array<i32>} : memref<16x384xf32, #tpu.memory_space<vmem>>, vector<1x16xf32>,
      %get3A_341 = arith.index_cast %scan3A_192 : i32 to index
      %get3A_342 = arith.constant 112 : index
      %get3A_343 = tpu.vector_load %arg11[%get3A_341, %get3A_342] {strides = array<i32>} : memref<16x384xf32, #tpu.memory_space<vmem>>, vector<1x16xf32>,
      %get3A_344 = vector.shape_cast %get3A_343 : vector<1x16xf32> to vector<16xf32>
      %mul3A_345 = arith.mulf %get3A_60, %get3A_344 : vector<16xf32>
      %get3A_346 = arith.index_cast %scan3A_192 : i32 to index
      %get3A_347 = arith.constant 112 : index
      %get3A_348 = tpu.vector_load %arg12[%get3A_346, %get3A_347] {strides = array<i32>} : memref<16x384xf32, #tpu.memory_space<vmem>>, vector<1x16xf32>,
      %get3A_349 = vector.shape_cast %get3A_348 : vector<1x16xf32> to vector<16xf32>
      %mul3A_350 = arith.mulf %get3A_63, %get3A_349 : vector<16xf32>
      %add3A_351 = arith.addf %mul3A_345, %mul3A_350 : vector<16xf32>
      %get3A_352 = arith.index_cast %scan3A_192 : i32 to index
      %get3A_353 = arith.constant 112 : index
      %get3A_354 = tpu.vector_load %arg13[%get3A_352, %get3A_353] {strides = array<i32>} : memref<16x384xf32, #tpu.memory_space<vmem>>, vector<1x16xf32>,
      %get3A_355 = vector.shape_cast %get3A_354 : vector<1x16xf32> to vector<16xf32>
      %add3A_356 = arith.addf %add3A_351, %get3A_355 : vector<16xf32>
      %swap3A_357 = arith.index_cast %scan3A_192 : i32 to index
      %swap3A_358 = arith.constant 112 : index
      %swap3A_359 = tpu.vector_load %arg14[%swap3A_357, %swap3A_358] {strides = array<i32>} : memref<16x384xf32, #tpu.memory_space<vmem>>, vector<1x16xf32>,
      %swap3A_360 = vector.shape_cast %swap3A_359 : vector<1x16xf32> to vector<16xf32>
      %swap3A_361 = vector.shape_cast %add3A_356 : vector<16xf32> to vector<1x16xf32>
      tpu.vector_store %arg14[%swap3A_357, %swap3A_358], %swap3A_361 {strides = array<i32>} : memref<16x384xf32, #tpu.memory_space<vmem>>, vector<1x16xf32>,
      %get3A_362 = arith.index_cast %scan3A_192 : i32 to index
      %get3A_363 = arith.constant 128 : index
      %get3A_364 = tpu.vector_load %arg11[%get3A_362, %get3A_363] {strides = array<i32>} : memref<16x384xf32, #tpu.memory_space<vmem>>, vector<1x16xf32>,
      %get3A_365 = vector.shape_cast %get3A_364 : vector<1x16xf32> to vector<16xf32>
      %mul3A_366 = arith.mulf %get3A_60, %get3A_365 : vector<16xf32>
      %get3A_367 = arith.index_cast %scan3A_192 : i32 to index
      %get3A_368 = arith.constant 128 : index
      %get3A_369 = tpu.vector_load %arg12[%get3A_367, %get3A_368] {strides = array<i32>} : memref<16x384xf32, #tpu.memory_space<vmem>>, vector<1x16xf32>,
      %get3A_370 = vector.shape_cast %get3A_369 : vector<1x16xf32> to vector<16xf32>
      %mul3A_371 = arith.mulf %get3A_63, %get3A_370 : vector<16xf32>
      %add3A_372 = arith.addf %mul3A_366, %mul3A_371 : vector<16xf32>
      %get3A_373 = arith.index_cast %scan3A_192 : i32 to index
      %get3A_374 = arith.constant 128 : index
      %get3A_375 = tpu.vector_load %arg13[%get3A_373, %get3A_374] {strides = array<i32>} : memref<16x384xf32, #tpu.memory_space<vmem>>, vector<1x16xf32>,
      %get3A_376 = vector.shape_cast %get3A_375 : vector<1x16xf32> to vector<16xf32>
      %add3A_377 = arith.addf %add3A_372, %get3A_376 : vector<16xf32>
      %swap3A_378 = arith.index_cast %scan3A_192 : i32 to index
      %swap3A_379 = arith.constant 128 : index
      %swap3A_380 = tpu.vector_load %arg14[%swap3A_378, %swap3A_379] {strides = array<i32>} : memref<16x384xf32, #tpu.memory_space<vmem>>, vector<1x16xf32>,
      %swap3A_381 = vector.shape_cast %swap3A_380 : vector<1x16xf32> to vector<16xf32>
      %swap3A_382 = vector.shape_cast %add3A_377 : vector<16xf32> to vector<1x16xf32>
      tpu.vector_store %arg14[%swap3A_378, %swap3A_379], %swap3A_382 {strides = array<i32>} : memref<16x384xf32, #tpu.memory_space<vmem>>, vector<1x16xf32>,
      %get3A_383 = arith.index_cast %scan3A_192 : i32 to index
      %get3A_384 = arith.constant 144 : index
      %get3A_385 = tpu.vector_load %arg11[%get3A_383, %get3A_384] {strides = array<i32>} : memref<16x384xf32, #tpu.memory_space<vmem>>, vector<1x16xf32>,
      %get3A_386 = vector.shape_cast %get3A_385 : vector<1x16xf32> to vector<16xf32>
      %mul3A_387 = arith.mulf %get3A_60, %get3A_386 : vector<16xf32>
      %get3A_388 = arith.index_cast %scan3A_192 : i32 to index
      %get3A_389 = arith.constant 144 : index
      %get3A_390 = tpu.vector_load %arg12[%get3A_388, %get3A_389] {strides = array<i32>} : memref<16x384xf32, #tpu.memory_space<vmem>>, vector<1x16xf32>,
      %get3A_391 = vector.shape_cast %get3A_390 : vector<1x16xf32> to vector<16xf32>
      %mul3A_392 = arith.mulf %get3A_63, %get3A_391 : vector<16xf32>
      %add3A_393 = arith.addf %mul3A_387, %mul3A_392 : vector<16xf32>
      %get3A_394 = arith.index_cast %scan3A_192 : i32 to index
      %get3A_395 = arith.constant 144 : index
      %get3A_396 = tpu.vector_load %arg13[%get3A_394, %get3A_395] {strides = array<i32>} : memref<16x384xf32, #tpu.memory_space<vmem>>, vector<1x16xf32>,
      %get3A_397 = vector.shape_cast %get3A_396 : vector<1x16xf32> to vector<16xf32>
      %add3A_398 = arith.addf %add3A_393, %get3A_397 : vector<16xf32>
      %swap3A_399 = arith.index_cast %scan3A_192 : i32 to index
      %swap3A_400 = arith.constant 144 : index
      %swap3A_401 = tpu.vector_load %arg14[%swap3A_399, %swap3A_400] {strides = array<i32>} : memref<16x384xf32, #tpu.memory_space<vmem>>, vector<1x16xf32>,
      %swap3A_402 = vector.shape_cast %swap3A_401 : vector<1x16xf32> to vector<16xf32>
      %swap3A_403 = vector.shape_cast %add3A_398 : vector<16xf32> to vector<1x16xf32>
      tpu.vector_store %arg14[%swap3A_399, %swap3A_400], %swap3A_403 {strides = array<i32>} : memref<16x384xf32, #tpu.memory_space<vmem>>, vector<1x16xf32>,
      %get3A_404 = arith.index_cast %scan3A_192 : i32 to index
      %get3A_405 = arith.constant 160 : index
      %get3A_406 = tpu.vector_load %arg11[%get3A_404, %get3A_405] {strides = array<i32>} : memref<16x384xf32, #tpu.memory_space<vmem>>, vector<1x16xf32>,
      %get3A_407 = vector.shape_cast %get3A_406 : vector<1x16xf32> to vector<16xf32>
      %mul3A_408 = arith.mulf %get3A_60, %get3A_407 : vector<16xf32>
      %get3A_409 = arith.index_cast %scan3A_192 : i32 to index
      %get3A_410 = arith.constant 160 : index
      %get3A_411 = tpu.vector_load %arg12[%get3A_409, %get3A_410] {strides = array<i32>} : memref<16x384xf32, #tpu.memory_space<vmem>>, vector<1x16xf32>,
      %get3A_412 = vector.shape_cast %get3A_411 : vector<1x16xf32> to vector<16xf32>
      %mul3A_413 = arith.mulf %get3A_63, %get3A_412 : vector<16xf32>
      %add3A_414 = arith.addf %mul3A_408, %mul3A_413 : vector<16xf32>
      %get3A_415 = arith.index_cast %scan3A_192 : i32 to index
      %get3A_416 = arith.constant 160 : index
      %get3A_417 = tpu.vector_load %arg13[%get3A_415, %get3A_416] {strides = array<i32>} : memref<16x384xf32, #tpu.memory_space<vmem>>, vector<1x16xf32>,
      %get3A_418 = vector.shape_cast %get3A_417 : vector<1x16xf32> to vector<16xf32>
      %add3A_419 = arith.addf %add3A_414, %get3A_418 : vector<16xf32>
      %swap3A_420 = arith.index_cast %scan3A_192 : i32 to index
      %swap3A_421 = arith.constant 160 : index
      %swap3A_422 = tpu.vector_load %arg14[%swap3A_420, %swap3A_421] {strides = array<i32>} : memref<16x384xf32, #tpu.memory_space<vmem>>, vector<1x16xf32>,
      %swap3A_423 = vector.shape_cast %swap3A_422 : vector<1x16xf32> to vector<16xf32>
      %swap3A_424 = vector.shape_cast %add3A_419 : vector<16xf32> to vector<1x16xf32>
      tpu.vector_store %arg14[%swap3A_420, %swap3A_421], %swap3A_424 {strides = array<i32>} : memref<16x384xf32, #tpu.memory_space<vmem>>, vector<1x16xf32>,
      %get3A_425 = arith.index_cast %scan3A_192 : i32 to index
      %get3A_426 = arith.constant 176 : index
      %get3A_427 = tpu.vector_load %arg11[%get3A_425, %get3A_426] {strides = array<i32>} : memref<16x384xf32, #tpu.memory_space<vmem>>, vector<1x16xf32>,
      %get3A_428 = vector.shape_cast %get3A_427 : vector<1x16xf32> to vector<16xf32>
      %mul3A_429 = arith.mulf %get3A_60, %get3A_428 : vector<16xf32>
      %get3A_430 = arith.index_cast %scan3A_192 : i32 to index
      %get3A_431 = arith.constant 176 : index
      %get3A_432 = tpu.vector_load %arg12[%get3A_430, %get3A_431] {strides = array<i32>} : memref<16x384xf32, #tpu.memory_space<vmem>>, vector<1x16xf32>,
      %get3A_433 = vector.shape_cast %get3A_432 : vector<1x16xf32> to vector<16xf32>
      %mul3A_434 = arith.mulf %get3A_63, %get3A_433 : vector<16xf32>
      %add3A_435 = arith.addf %mul3A_429, %mul3A_434 : vector<16xf32>
      %get3A_436 = arith.index_cast %scan3A_192 : i32 to index
      %get3A_437 = arith.constant 176 : index
      %get3A_438 = tpu.vector_load %arg13[%get3A_436, %get3A_437] {strides = array<i32>} : memref<16x384xf32, #tpu.memory_space<vmem>>, vector<1x16xf32>,
      %get3A_439 = vector.shape_cast %get3A_438 : vector<1x16xf32> to vector<16xf32>
      %add3A_440 = arith.addf %add3A_435, %get3A_439 : vector<16xf32>
      %swap3A_441 = arith.index_cast %scan3A_192 : i32 to index
      %swap3A_442 = arith.constant 176 : index
      %swap3A_443 = tpu.vector_load %arg14[%swap3A_441, %swap3A_442] {strides = array<i32>} : memref<16x384xf32, #tpu.memory_space<vmem>>, vector<1x16xf32>,
      %swap3A_444 = vector.shape_cast %swap3A_443 : vector<1x16xf32> to vector<16xf32>
      %swap3A_445 = vector.shape_cast %add3A_440 : vector<16xf32> to vector<1x16xf32>
      tpu.vector_store %arg14[%swap3A_441, %swap3A_442], %swap3A_445 {strides = array<i32>} : memref<16x384xf32, #tpu.memory_space<vmem>>, vector<1x16xf32>,
      %get3A_446 = arith.index_cast %scan3A_192 : i32 to index
      %get3A_447 = arith.constant 192 : index
      %get3A_448 = tpu.vector_load %arg11[%get3A_446, %get3A_447] {strides = array<i32>} : memref<16x384xf32, #tpu.memory_space<vmem>>, vector<1x16xf32>,
      %get3A_449 = vector.shape_cast %get3A_448 : vector<1x16xf32> to vector<16xf32>
      %mul3A_450 = arith.mulf %get3A_60, %get3A_449 : vector<16xf32>
      %get3A_451 = arith.index_cast %scan3A_192 : i32 to index
      %get3A_452 = arith.constant 192 : index
      %get3A_453 = tpu.vector_load %arg12[%get3A_451, %get3A_452] {strides = array<i32>} : memref<16x384xf32, #tpu.memory_space<vmem>>, vector<1x16xf32>,
      %get3A_454 = vector.shape_cast %get3A_453 : vector<1x16xf32> to vector<16xf32>
      %mul3A_455 = arith.mulf %get3A_63, %get3A_454 : vector<16xf32>
      %add3A_456 = arith.addf %mul3A_450, %mul3A_455 : vector<16xf32>
      %get3A_457 = arith.index_cast %scan3A_192 : i32 to index
      %get3A_458 = arith.constant 192 : index
      %get3A_459 = tpu.vector_load %arg13[%get3A_457, %get3A_458] {strides = array<i32>} : memref<16x384xf32, #tpu.memory_space<vmem>>, vector<1x16xf32>,
      %get3A_460 = vector.shape_cast %get3A_459 : vector<1x16xf32> to vector<16xf32>
      %add3A_461 = arith.addf %add3A_456, %get3A_460 : vector<16xf32>
      %swap3A_462 = arith.index_cast %scan3A_192 : i32 to index
      %swap3A_463 = arith.constant 192 : index
      %swap3A_464 = tpu.vector_load %arg14[%swap3A_462, %swap3A_463] {strides = array<i32>} : memref<16x384xf32, #tpu.memory_space<vmem>>, vector<1x16xf32>,
      %swap3A_465 = vector.shape_cast %swap3A_464 : vector<1x16xf32> to vector<16xf32>
      %swap3A_466 = vector.shape_cast %add3A_461 : vector<16xf32> to vector<1x16xf32>
      tpu.vector_store %arg14[%swap3A_462, %swap3A_463], %swap3A_466 {strides = array<i32>} : memref<16x384xf32, #tpu.memory_space<vmem>>, vector<1x16xf32>,
      %get3A_467 = arith.index_cast %scan3A_192 : i32 to index
      %get3A_468 = arith.constant 208 : index
      %get3A_469 = tpu.vector_load %arg11[%get3A_467, %get3A_468] {strides = array<i32>} : memref<16x384xf32, #tpu.memory_space<vmem>>, vector<1x16xf32>,
      %get3A_470 = vector.shape_cast %get3A_469 : vector<1x16xf32> to vector<16xf32>
      %mul3A_471 = arith.mulf %get3A_60, %get3A_470 : vector<16xf32>
      %get3A_472 = arith.index_cast %scan3A_192 : i32 to index
      %get3A_473 = arith.constant 208 : index
      %get3A_474 = tpu.vector_load %arg12[%get3A_472, %get3A_473] {strides = array<i32>} : memref<16x384xf32, #tpu.memory_space<vmem>>, vector<1x16xf32>,
      %get3A_475 = vector.shape_cast %get3A_474 : vector<1x16xf32> to vector<16xf32>
      %mul3A_476 = arith.mulf %get3A_63, %get3A_475 : vector<16xf32>
      %add3A_477 = arith.addf %mul3A_471, %mul3A_476 : vector<16xf32>
      %get3A_478 = arith.index_cast %scan3A_192 : i32 to index
      %get3A_479 = arith.constant 208 : index
      %get3A_480 = tpu.vector_load %arg13[%get3A_478, %get3A_479] {strides = array<i32>} : memref<16x384xf32, #tpu.memory_space<vmem>>, vector<1x16xf32>,
      %get3A_481 = vector.shape_cast %get3A_480 : vector<1x16xf32> to vector<16xf32>
      %add3A_482 = arith.addf %add3A_477, %get3A_481 : vector<16xf32>
      %swap3A_483 = arith.index_cast %scan3A_192 : i32 to index
      %swap3A_484 = arith.constant 208 : index
      %swap3A_485 = tpu.vector_load %arg14[%swap3A_483, %swap3A_484] {strides = array<i32>} : memref<16x384xf32, #tpu.memory_space<vmem>>, vector<1x16xf32>,
      %swap3A_486 = vector.shape_cast %swap3A_485 : vector<1x16xf32> to vector<16xf32>
      %swap3A_487 = vector.shape_cast %add3A_482 : vector<16xf32> to vector<1x16xf32>
      tpu.vector_store %arg14[%swap3A_483, %swap3A_484], %swap3A_487 {strides = array<i32>} : memref<16x384xf32, #tpu.memory_space<vmem>>, vector<1x16xf32>,
      %get3A_488 = arith.index_cast %scan3A_192 : i32 to index
      %get3A_489 = arith.constant 224 : index
      %get3A_490 = tpu.vector_load %arg11[%get3A_488, %get3A_489] {strides = array<i32>} : memref<16x384xf32, #tpu.memory_space<vmem>>, vector<1x16xf32>,
      %get3A_491 = vector.shape_cast %get3A_490 : vector<1x16xf32> to vector<16xf32>
      %mul3A_492 = arith.mulf %get3A_60, %get3A_491 : vector<16xf32>
      %get3A_493 = arith.index_cast %scan3A_192 : i32 to index
      %get3A_494 = arith.constant 224 : index
      %get3A_495 = tpu.vector_load %arg12[%get3A_493, %get3A_494] {strides = array<i32>} : memref<16x384xf32, #tpu.memory_space<vmem>>, vector<1x16xf32>,
      %get3A_496 = vector.shape_cast %get3A_495 : vector<1x16xf32> to vector<16xf32>
      %mul3A_497 = arith.mulf %get3A_63, %get3A_496 : vector<16xf32>
      %add3A_498 = arith.addf %mul3A_492, %mul3A_497 : vector<16xf32>
      %get3A_499 = arith.index_cast %scan3A_192 : i32 to index
      %get3A_500 = arith.constant 224 : index
      %get3A_501 = tpu.vector_load %arg13[%get3A_499, %get3A_500] {strides = array<i32>} : memref<16x384xf32, #tpu.memory_space<vmem>>, vector<1x16xf32>,
      %get3A_502 = vector.shape_cast %get3A_501 : vector<1x16xf32> to vector<16xf32>
      %add3A_503 = arith.addf %add3A_498, %get3A_502 : vector<16xf32>
      %swap3A_504 = arith.index_cast %scan3A_192 : i32 to index
      %swap3A_505 = arith.constant 224 : index
      %swap3A_506 = tpu.vector_load %arg14[%swap3A_504, %swap3A_505] {strides = array<i32>} : memref<16x384xf32, #tpu.memory_space<vmem>>, vector<1x16xf32>,
      %swap3A_507 = vector.shape_cast %swap3A_506 : vector<1x16xf32> to vector<16xf32>
      %swap3A_508 = vector.shape_cast %add3A_503 : vector<16xf32> to vector<1x16xf32>
      tpu.vector_store %arg14[%swap3A_504, %swap3A_505], %swap3A_508 {strides = array<i32>} : memref<16x384xf32, #tpu.memory_space<vmem>>, vector<1x16xf32>,
      %get3A_509 = arith.index_cast %scan3A_192 : i32 to index
      %get3A_510 = arith.constant 240 : index
      %get3A_511 = tpu.vector_load %arg11[%get3A_509, %get3A_510] {strides = array<i32>} : memref<16x384xf32, #tpu.memory_space<vmem>>, vector<1x16xf32>,
      %get3A_512 = vector.shape_cast %get3A_511 : vector<1x16xf32> to vector<16xf32>
      %mul3A_513 = arith.mulf %get3A_60, %get3A_512 : vector<16xf32>
      %get3A_514 = arith.index_cast %scan3A_192 : i32 to index
      %get3A_515 = arith.constant 240 : index
      %get3A_516 = tpu.vector_load %arg12[%get3A_514, %get3A_515] {strides = array<i32>} : memref<16x384xf32, #tpu.memory_space<vmem>>, vector<1x16xf32>,
      %get3A_517 = vector.shape_cast %get3A_516 : vector<1x16xf32> to vector<16xf32>
      %mul3A_518 = arith.mulf %get3A_63, %get3A_517 : vector<16xf32>
      %add3A_519 = arith.addf %mul3A_513, %mul3A_518 : vector<16xf32>
      %get3A_520 = arith.index_cast %scan3A_192 : i32 to index
      %get3A_521 = arith.constant 240 : index
      %get3A_522 = tpu.vector_load %arg13[%get3A_520, %get3A_521] {strides = array<i32>} : memref<16x384xf32, #tpu.memory_space<vmem>>, vector<1x16xf32>,
      %get3A_523 = vector.shape_cast %get3A_522 : vector<1x16xf32> to vector<16xf32>
      %add3A_524 = arith.addf %add3A_519, %get3A_523 : vector<16xf32>
      %swap3A_525 = arith.index_cast %scan3A_192 : i32 to index
      %swap3A_526 = arith.constant 240 : index
      %swap3A_527 = tpu.vector_load %arg14[%swap3A_525, %swap3A_526] {strides = array<i32>} : memref<16x384xf32, #tpu.memory_space<vmem>>, vector<1x16xf32>,
      %swap3A_528 = vector.shape_cast %swap3A_527 : vector<1x16xf32> to vector<16xf32>
      %swap3A_529 = vector.shape_cast %add3A_524 : vector<16xf32> to vector<1x16xf32>
      tpu.vector_store %arg14[%swap3A_525, %swap3A_526], %swap3A_529 {strides = array<i32>} : memref<16x384xf32, #tpu.memory_space<vmem>>, vector<1x16xf32>,
      %get3A_530 = arith.index_cast %scan3A_192 : i32 to index
      %get3A_531 = arith.constant 256 : index
      %get3A_532 = tpu.vector_load %arg11[%get3A_530, %get3A_531] {strides = array<i32>} : memref<16x384xf32, #tpu.memory_space<vmem>>, vector<1x16xf32>,
      %get3A_533 = vector.shape_cast %get3A_532 : vector<1x16xf32> to vector<16xf32>
      %mul3A_534 = arith.mulf %get3A_60, %get3A_533 : vector<16xf32>
      %get3A_535 = arith.index_cast %scan3A_192 : i32 to index
      %get3A_536 = arith.constant 256 : index
      %get3A_537 = tpu.vector_load %arg12[%get3A_535, %get3A_536] {strides = array<i32>} : memref<16x384xf32, #tpu.memory_space<vmem>>, vector<1x16xf32>,
      %get3A_538 = vector.shape_cast %get3A_537 : vector<1x16xf32> to vector<16xf32>
      %mul3A_539 = arith.mulf %get3A_63, %get3A_538 : vector<16xf32>
      %add3A_540 = arith.addf %mul3A_534, %mul3A_539 : vector<16xf32>
      %get3A_541 = arith.index_cast %scan3A_192 : i32 to index
      %get3A_542 = arith.constant 256 : index
      %get3A_543 = tpu.vector_load %arg13[%get3A_541, %get3A_542] {strides = array<i32>} : memref<16x384xf32, #tpu.memory_space<vmem>>, vector<1x16xf32>,
      %get3A_544 = vector.shape_cast %get3A_543 : vector<1x16xf32> to vector<16xf32>
      %add3A_545 = arith.addf %add3A_540, %get3A_544 : vector<16xf32>
      %swap3A_546 = arith.index_cast %scan3A_192 : i32 to index
      %swap3A_547 = arith.constant 256 : index
      %swap3A_548 = tpu.vector_load %arg14[%swap3A_546, %swap3A_547] {strides = array<i32>} : memref<16x384xf32, #tpu.memory_space<vmem>>, vector<1x16xf32>,
      %swap3A_549 = vector.shape_cast %swap3A_548 : vector<1x16xf32> to vector<16xf32>
      %swap3A_550 = vector.shape_cast %add3A_545 : vector<16xf32> to vector<1x16xf32>
      tpu.vector_store %arg14[%swap3A_546, %swap3A_547], %swap3A_550 {strides = array<i32>} : memref<16x384xf32, #tpu.memory_space<vmem>>, vector<1x16xf32>,
      %get3A_551 = arith.index_cast %scan3A_192 : i32 to index
      %get3A_552 = arith.constant 272 : index
      %get3A_553 = tpu.vector_load %arg11[%get3A_551, %get3A_552] {strides = array<i32>} : memref<16x384xf32, #tpu.memory_space<vmem>>, vector<1x16xf32>,
      %get3A_554 = vector.shape_cast %get3A_553 : vector<1x16xf32> to vector<16xf32>
      %mul3A_555 = arith.mulf %get3A_60, %get3A_554 : vector<16xf32>
      %get3A_556 = arith.index_cast %scan3A_192 : i32 to index
      %get3A_557 = arith.constant 272 : index
      %get3A_558 = tpu.vector_load %arg12[%get3A_556, %get3A_557] {strides = array<i32>} : memref<16x384xf32, #tpu.memory_space<vmem>>, vector<1x16xf32>,
      %get3A_559 = vector.shape_cast %get3A_558 : vector<1x16xf32> to vector<16xf32>
      %mul3A_560 = arith.mulf %get3A_63, %get3A_559 : vector<16xf32>
      %add3A_561 = arith.addf %mul3A_555, %mul3A_560 : vector<16xf32>
      %get3A_562 = arith.index_cast %scan3A_192 : i32 to index
      %get3A_563 = arith.constant 272 : index
      %get3A_564 = tpu.vector_load %arg13[%get3A_562, %get3A_563] {strides = array<i32>} : memref<16x384xf32, #tpu.memory_space<vmem>>, vector<1x16xf32>,
      %get3A_565 = vector.shape_cast %get3A_564 : vector<1x16xf32> to vector<16xf32>
      %add3A_566 = arith.addf %add3A_561, %get3A_565 : vector<16xf32>
      %swap3A_567 = arith.index_cast %scan3A_192 : i32 to index
      %swap3A_568 = arith.constant 272 : index
      %swap3A_569 = tpu.vector_load %arg14[%swap3A_567, %swap3A_568] {strides = array<i32>} : memref<16x384xf32, #tpu.memory_space<vmem>>, vector<1x16xf32>,
      %swap3A_570 = vector.shape_cast %swap3A_569 : vector<1x16xf32> to vector<16xf32>
      %swap3A_571 = vector.shape_cast %add3A_566 : vector<16xf32> to vector<1x16xf32>
      tpu.vector_store %arg14[%swap3A_567, %swap3A_568], %swap3A_571 {strides = array<i32>} : memref<16x384xf32, #tpu.memory_space<vmem>>, vector<1x16xf32>,
      %get3A_572 = arith.index_cast %scan3A_192 : i32 to index
      %get3A_573 = arith.constant 288 : index
      %get3A_574 = tpu.vector_load %arg11[%get3A_572, %get3A_573] {strides = array<i32>} : memref<16x384xf32, #tpu.memory_space<vmem>>, vector<1x16xf32>,
      %get3A_575 = vector.shape_cast %get3A_574 : vector<1x16xf32> to vector<16xf32>
      %mul3A_576 = arith.mulf %get3A_60, %get3A_575 : vector<16xf32>
      %get3A_577 = arith.index_cast %scan3A_192 : i32 to index
      %get3A_578 = arith.constant 288 : index
      %get3A_579 = tpu.vector_load %arg12[%get3A_577, %get3A_578] {strides = array<i32>} : memref<16x384xf32, #tpu.memory_space<vmem>>, vector<1x16xf32>,
      %get3A_580 = vector.shape_cast %get3A_579 : vector<1x16xf32> to vector<16xf32>
      %mul3A_581 = arith.mulf %get3A_63, %get3A_580 : vector<16xf32>
      %add3A_582 = arith.addf %mul3A_576, %mul3A_581 : vector<16xf32>
      %get3A_583 = arith.index_cast %scan3A_192 : i32 to index
      %get3A_584 = arith.constant 288 : index
      %get3A_585 = tpu.vector_load %arg13[%get3A_583, %get3A_584] {strides = array<i32>} : memref<16x384xf32, #tpu.memory_space<vmem>>, vector<1x16xf32>,
      %get3A_586 = vector.shape_cast %get3A_585 : vector<1x16xf32> to vector<16xf32>
      %add3A_587 = arith.addf %add3A_582, %get3A_586 : vector<16xf32>
      %swap3A_588 = arith.index_cast %scan3A_192 : i32 to index
      %swap3A_589 = arith.constant 288 : index
      %swap3A_590 = tpu.vector_load %arg14[%swap3A_588, %swap3A_589] {strides = array<i32>} : memref<16x384xf32, #tpu.memory_space<vmem>>, vector<1x16xf32>,
      %swap3A_591 = vector.shape_cast %swap3A_590 : vector<1x16xf32> to vector<16xf32>
      %swap3A_592 = vector.shape_cast %add3A_587 : vector<16xf32> to vector<1x16xf32>
      tpu.vector_store %arg14[%swap3A_588, %swap3A_589], %swap3A_592 {strides = array<i32>} : memref<16x384xf32, #tpu.memory_space<vmem>>, vector<1x16xf32>,
      %get3A_593 = arith.index_cast %scan3A_192 : i32 to index
      %get3A_594 = arith.constant 304 : index
      %get3A_595 = tpu.vector_load %arg11[%get3A_593, %get3A_594] {strides = array<i32>} : memref<16x384xf32, #tpu.memory_space<vmem>>, vector<1x16xf32>,
      %get3A_596 = vector.shape_cast %get3A_595 : vector<1x16xf32> to vector<16xf32>
      %mul3A_597 = arith.mulf %get3A_60, %get3A_596 : vector<16xf32>
      %get3A_598 = arith.index_cast %scan3A_192 : i32 to index
      %get3A_599 = arith.constant 304 : index
      %get3A_600 = tpu.vector_load %arg12[%get3A_598, %get3A_599] {strides = array<i32>} : memref<16x384xf32, #tpu.memory_space<vmem>>, vector<1x16xf32>,
      %get3A_601 = vector.shape_cast %get3A_600 : vector<1x16xf32> to vector<16xf32>
      %mul3A_602 = arith.mulf %get3A_63, %get3A_601 : vector<16xf32>
      %add3A_603 = arith.addf %mul3A_597, %mul3A_602 : vector<16xf32>
      %get3A_604 = arith.index_cast %scan3A_192 : i32 to index
      %get3A_605 = arith.constant 304 : index
      %get3A_606 = tpu.vector_load %arg13[%get3A_604, %get3A_605] {strides = array<i32>} : memref<16x384xf32, #tpu.memory_space<vmem>>, vector<1x16xf32>,
      %get3A_607 = vector.shape_cast %get3A_606 : vector<1x16xf32> to vector<16xf32>
      %add3A_608 = arith.addf %add3A_603, %get3A_607 : vector<16xf32>
      %swap3A_609 = arith.index_cast %scan3A_192 : i32 to index
      %swap3A_610 = arith.constant 304 : index
      %swap3A_611 = tpu.vector_load %arg14[%swap3A_609, %swap3A_610] {strides = array<i32>} : memref<16x384xf32, #tpu.memory_space<vmem>>, vector<1x16xf32>,
      %swap3A_612 = vector.shape_cast %swap3A_611 : vector<1x16xf32> to vector<16xf32>
      %swap3A_613 = vector.shape_cast %add3A_608 : vector<16xf32> to vector<1x16xf32>
      tpu.vector_store %arg14[%swap3A_609, %swap3A_610], %swap3A_613 {strides = array<i32>} : memref<16x384xf32, #tpu.memory_space<vmem>>, vector<1x16xf32>,
      %get3A_614 = arith.index_cast %scan3A_192 : i32 to index
      %get3A_615 = arith.constant 320 : index
      %get3A_616 = tpu.vector_load %arg11[%get3A_614, %get3A_615] {strides = array<i32>} : memref<16x384xf32, #tpu.memory_space<vmem>>, vector<1x16xf32>,
      %get3A_617 = vector.shape_cast %get3A_616 : vector<1x16xf32> to vector<16xf32>
      %mul3A_618 = arith.mulf %get3A_60, %get3A_617 : vector<16xf32>
      %get3A_619 = arith.index_cast %scan3A_192 : i32 to index
      %get3A_620 = arith.constant 320 : index
      %get3A_621 = tpu.vector_load %arg12[%get3A_619, %get3A_620] {strides = array<i32>} : memref<16x384xf32, #tpu.memory_space<vmem>>, vector<1x16xf32>,
      %get3A_622 = vector.shape_cast %get3A_621 : vector<1x16xf32> to vector<16xf32>
      %mul3A_623 = arith.mulf %get3A_63, %get3A_622 : vector<16xf32>
      %add3A_624 = arith.addf %mul3A_618, %mul3A_623 : vector<16xf32>
      %get3A_625 = arith.index_cast %scan3A_192 : i32 to index
      %get3A_626 = arith.constant 320 : index
      %get3A_627 = tpu.vector_load %arg13[%get3A_625, %get3A_626] {strides = array<i32>} : memref<16x384xf32, #tpu.memory_space<vmem>>, vector<1x16xf32>,
      %get3A_628 = vector.shape_cast %get3A_627 : vector<1x16xf32> to vector<16xf32>
      %add3A_629 = arith.addf %add3A_624, %get3A_628 : vector<16xf32>
      %swap3A_630 = arith.index_cast %scan3A_192 : i32 to index
      %swap3A_631 = arith.constant 320 : index
      %swap3A_632 = tpu.vector_load %arg14[%swap3A_630, %swap3A_631] {strides = array<i32>} : memref<16x384xf32, #tpu.memory_space<vmem>>, vector<1x16xf32>,
      %swap3A_633 = vector.shape_cast %swap3A_632 : vector<1x16xf32> to vector<16xf32>
      %swap3A_634 = vector.shape_cast %add3A_629 : vector<16xf32> to vector<1x16xf32>
      tpu.vector_store %arg14[%swap3A_630, %swap3A_631], %swap3A_634 {strides = array<i32>} : memref<16x384xf32, #tpu.memory_space<vmem>>, vector<1x16xf32>,
      %get3A_635 = arith.index_cast %scan3A_192 : i32 to index
      %get3A_636 = arith.constant 336 : index
      %get3A_637 = tpu.vector_load %arg11[%get3A_635, %get3A_636] {strides = array<i32>} : memref<16x384xf32, #tpu.memory_space<vmem>>, vector<1x16xf32>,
      %get3A_638 = vector.shape_cast %get3A_637 : vector<1x16xf32> to vector<16xf32>
      %mul3A_639 = arith.mulf %get3A_60, %get3A_638 : vector<16xf32>
      %get3A_640 = arith.index_cast %scan3A_192 : i32 to index
      %get3A_641 = arith.constant 336 : index
      %get3A_642 = tpu.vector_load %arg12[%get3A_640, %get3A_641] {strides = array<i32>} : memref<16x384xf32, #tpu.memory_space<vmem>>, vector<1x16xf32>,
      %get3A_643 = vector.shape_cast %get3A_642 : vector<1x16xf32> to vector<16xf32>
      %mul3A_644 = arith.mulf %get3A_63, %get3A_643 : vector<16xf32>
      %add3A_645 = arith.addf %mul3A_639, %mul3A_644 : vector<16xf32>
      %get3A_646 = arith.index_cast %scan3A_192 : i32 to index
      %get3A_647 = arith.constant 336 : index
      %get3A_648 = tpu.vector_load %arg13[%get3A_646, %get3A_647] {strides = array<i32>} : memref<16x384xf32, #tpu.memory_space<vmem>>, vector<1x16xf32>,
      %get3A_649 = vector.shape_cast %get3A_648 : vector<1x16xf32> to vector<16xf32>
      %add3A_650 = arith.addf %add3A_645, %get3A_649 : vector<16xf32>
      %swap3A_651 = arith.index_cast %scan3A_192 : i32 to index
      %swap3A_652 = arith.constant 336 : index
      %swap3A_653 = tpu.vector_load %arg14[%swap3A_651, %swap3A_652] {strides = array<i32>} : memref<16x384xf32, #tpu.memory_space<vmem>>, vector<1x16xf32>,
      %swap3A_654 = vector.shape_cast %swap3A_653 : vector<1x16xf32> to vector<16xf32>
      %swap3A_655 = vector.shape_cast %add3A_650 : vector<16xf32> to vector<1x16xf32>
      tpu.vector_store %arg14[%swap3A_651, %swap3A_652], %swap3A_655 {strides = array<i32>} : memref<16x384xf32, #tpu.memory_space<vmem>>, vector<1x16xf32>,
      %get3A_656 = arith.index_cast %scan3A_192 : i32 to index
      %get3A_657 = arith.constant 352 : index
      %get3A_658 = tpu.vector_load %arg11[%get3A_656, %get3A_657] {strides = array<i32>} : memref<16x384xf32, #tpu.memory_space<vmem>>, vector<1x16xf32>,
      %get3A_659 = vector.shape_cast %get3A_658 : vector<1x16xf32> to vector<16xf32>
      %mul3A_660 = arith.mulf %get3A_60, %get3A_659 : vector<16xf32>
      %get3A_661 = arith.index_cast %scan3A_192 : i32 to index
      %get3A_662 = arith.constant 352 : index
      %get3A_663 = tpu.vector_load %arg12[%get3A_661, %get3A_662] {strides = array<i32>} : memref<16x384xf32, #tpu.memory_space<vmem>>, vector<1x16xf32>,
      %get3A_664 = vector.shape_cast %get3A_663 : vector<1x16xf32> to vector<16xf32>
      %mul3A_665 = arith.mulf %get3A_63, %get3A_664 : vector<16xf32>
      %add3A_666 = arith.addf %mul3A_660, %mul3A_665 : vector<16xf32>
      %get3A_667 = arith.index_cast %scan3A_192 : i32 to index
      %get3A_668 = arith.constant 352 : index
      %get3A_669 = tpu.vector_load %arg13[%get3A_667, %get3A_668] {strides = array<i32>} : memref<16x384xf32, #tpu.memory_space<vmem>>, vector<1x16xf32>,
      %get3A_670 = vector.shape_cast %get3A_669 : vector<1x16xf32> to vector<16xf32>
      %add3A_671 = arith.addf %add3A_666, %get3A_670 : vector<16xf32>
      %swap3A_672 = arith.index_cast %scan3A_192 : i32 to index
      %swap3A_673 = arith.constant 352 : index
      %swap3A_674 = tpu.vector_load %arg14[%swap3A_672, %swap3A_673] {strides = array<i32>} : memref<16x384xf32, #tpu.memory_space<vmem>>, vector<1x16xf32>,
      %swap3A_675 = vector.shape_cast %swap3A_674 : vector<1x16xf32> to vector<16xf32>
      %swap3A_676 = vector.shape_cast %add3A_671 : vector<16xf32> to vector<1x16xf32>
      tpu.vector_store %arg14[%swap3A_672, %swap3A_673], %swap3A_676 {strides = array<i32>} : memref<16x384xf32, #tpu.memory_space<vmem>>, vector<1x16xf32>,
      %get3A_677 = arith.index_cast %scan3A_192 : i32 to index
      %get3A_678 = arith.constant 368 : index
      %get3A_679 = tpu.vector_load %arg11[%get3A_677, %get3A_678] {strides = array<i32>} : memref<16x384xf32, #tpu.memory_space<vmem>>, vector<1x16xf32>,
      %get3A_680 = vector.shape_cast %get3A_679 : vector<1x16xf32> to vector<16xf32>
      %mul3A_681 = arith.mulf %get3A_60, %get3A_680 : vector<16xf32>
      %get3A_682 = arith.index_cast %scan3A_192 : i32 to index
      %get3A_683 = arith.constant 368 : index
      %get3A_684 = tpu.vector_load %arg12[%get3A_682, %get3A_683] {strides = array<i32>} : memref<16x384xf32, #tpu.memory_space<vmem>>, vector<1x16xf32>,
      %get3A_685 = vector.shape_cast %get3A_684 : vector<1x16xf32> to vector<16xf32>
      %mul3A_686 = arith.mulf %get3A_63, %get3A_685 : vector<16xf32>
      %add3A_687 = arith.addf %mul3A_681, %mul3A_686 : vector<16xf32>
      %get3A_688 = arith.index_cast %scan3A_192 : i32 to index
      %get3A_689 = arith.constant 368 : index
      %get3A_690 = tpu.vector_load %arg13[%get3A_688, %get3A_689] {strides = array<i32>} : memref<16x384xf32, #tpu.memory_space<vmem>>, vector<1x16xf32>,
      %get3A_691 = vector.shape_cast %get3A_690 : vector<1x16xf32> to vector<16xf32>
      %add3A_692 = arith.addf %add3A_687, %get3A_691 : vector<16xf32>
      %swap3A_693 = arith.index_cast %scan3A_192 : i32 to index
      %swap3A_694 = arith.constant 368 : index
      %swap3A_695 = tpu.vector_load %arg14[%swap3A_693, %swap3A_694] {strides = array<i32>} : memref<16x384xf32, #tpu.memory_space<vmem>>, vector<1x16xf32>,
      %swap3A_696 = vector.shape_cast %swap3A_695 : vector<1x16xf32> to vector<16xf32>
      %swap3A_697 = vector.shape_cast %add3A_692 : vector<16xf32> to vector<1x16xf32>
      tpu.vector_store %arg14[%swap3A_693, %swap3A_694], %swap3A_697 {strides = array<i32>} : memref<16x384xf32, #tpu.memory_space<vmem>>, vector<1x16xf32>,
      %scan3A_698 = arith.constant 0 : i32
      scf.yield %scan3A_698 : i32
    }
    %scan3A_188 = arith.constant 16 : i32
    %mul3A_189 = arith.constant 384 : i32
    %mul3A_190 = arith.muli %select_n3A, %mul3A_189 : i32
    %add3A_191 = arith.addi %mul3A_190, %mul3A_151 : i32
    "tpu.region"() ({
      %run_scoped3A = tpu.sem_alloc : memref<!tpu.dma_semaphore, #tpu.memory_space<semaphore_mem>>
      %dma_start3A_192 = arith.constant 0 : i32
      %dma_start3A_193 = tpu.memref_slice %arg6[%add3A_191, %dma_start3A_192] : memref<1536x384xf32, #tpu.memory_space<hbm>> -> memref<16x384xf32, #tpu.memory_space<hbm>>
      %dma_start3A_194 = arith.constant 0 : i32
      %dma_start3A_195 = tpu.memref_slice %arg6[%add3A_191, %dma_start3A_194] : memref<1536x384xf32, #tpu.memory_space<hbm>> -> memref<16x384xf32, #tpu.memory_space<hbm>>
      tpu.enqueue_dma source(%arg14 : memref<16x384xf32, #tpu.memory_space<vmem>>) target(%dma_start3A_195 : memref<16x384xf32, #tpu.memory_space<hbm>>) target_semaphore(%run_scoped3A : memref<!tpu.dma_semaphore, #tpu.memory_space<semaphore_mem>>)
      %dma_wait3A_196 = arith.constant 0 : i32
      %dma_wait3A_197 = tpu.memref_slice %arg6[%add3A_191, %dma_wait3A_196] : memref<1536x384xf32, #tpu.memory_space<hbm>> -> memref<16x384xf32, #tpu.memory_space<hbm>>
      %dma_wait3A_198 = arith.constant 0 : i32
      %dma_wait3A_199 = tpu.memref_slice %arg6[%add3A_191, %dma_wait3A_198] : memref<1536x384xf32, #tpu.memory_space<hbm>> -> memref<16x384xf32, #tpu.memory_space<hbm>>
      tpu.wait_dma2 semaphore(%run_scoped3A : memref<!tpu.dma_semaphore, #tpu.memory_space<semaphore_mem>>) src(%arg14 : memref<16x384xf32, #tpu.memory_space<vmem>>) dst(%dma_wait3A_199 : memref<16x384xf32, #tpu.memory_space<hbm>>)
      tpu.yield
    }) : () -> ()
    return
  }
}

module attributes {stable_mosaic.version = 14 : i64} {
  func.func @_mm_kernel(%arg0: i32, %arg1: memref<2x384x3136xf32, #tpu.memory_space<vmem>>, %arg2: memref<2x384x384xf32, #tpu.memory_space<vmem>>, %arg3: memref<2x384x3136xf32, #tpu.memory_space<vmem>>) attributes {dimension_semantics = [#tpu.dimension_semantics<arbitrary>], iteration_bounds = array<i64: 2>, scalar_prefetch = 0 : i64, scratch_operands = 0 : i64, tpu.core_type = #tpu.core_type<tc>, window_params = [{transform_indices = @transform_0, window_bounds = array<i64: 2, 384, 3136>}, {transform_indices = @transform_1, window_bounds = array<i64: 2, 384, 384>}, {transform_indices = @transform_2, window_bounds = array<i64: 2, 384, 3136>}]} {
    %get3A = arith.constant 0 : index
    %get3A_0 = arith.constant 0 : index
    %get3A_1 = arith.constant 0 : index
    %get3A_2 = vector.load %arg1[%get3A, %get3A_0, %get3A_1] : memref<2x384x3136xf32, #tpu.memory_space<vmem>>, vector<1x384x3136xf32>
    %get3A_3 = vector.shape_cast %get3A_2 : vector<1x384x3136xf32> to vector<384x3136xf32>
    %get3A_4 = arith.constant 0 : index
    %get3A_5 = arith.constant 0 : index
    %get3A_6 = arith.constant 0 : index
    %get3A_7 = vector.load %arg2[%get3A_4, %get3A_5, %get3A_6] : memref<2x384x384xf32, #tpu.memory_space<vmem>>, vector<1x384x384xf32>
    %get3A_8 = vector.shape_cast %get3A_7 : vector<1x384x384xf32> to vector<384x384xf32>
    %dot_general3A = arith.constant dense<0.000000e+00> : vector<384x3136xf32>
    %dot_general3A_9 = tpu.matmul %get3A_8, %get3A_3, %dot_general3A {dimension_numbers = #tpu.dot_dimension_numbers<[1], [0], [0], [1], [0, 0, 1, 1], [], []>, transpose_lhs_hint = false} : vector<384x384xf32>, vector<384x3136xf32>, vector<384x3136xf32> -> vector<384x3136xf32>
    %add3A = arith.addf %dot_general3A_9, %get3A_3 : vector<384x3136xf32>
    %swap3A = arith.constant 0 : index
    %swap3A_10 = arith.constant 0 : index
    %swap3A_11 = arith.constant 0 : index
    %swap3A_12 = vector.load %arg3[%swap3A, %swap3A_10, %swap3A_11] : memref<2x384x3136xf32, #tpu.memory_space<vmem>>, vector<1x384x3136xf32>
    %swap3A_13 = vector.shape_cast %swap3A_12 : vector<1x384x3136xf32> to vector<384x3136xf32>
    %swap3A_14 = vector.shape_cast %add3A : vector<384x3136xf32> to vector<1x384x3136xf32>
    tpu.vector_store %arg3[%swap3A, %swap3A_10, %swap3A_11], %swap3A_14 {strides = array<i32>} : memref<2x384x3136xf32, #tpu.memory_space<vmem>>, vector<1x384x3136xf32>,
    %get3A_15 = arith.constant 1 : index
    %get3A_16 = arith.constant 0 : index
    %get3A_17 = arith.constant 0 : index
    %get3A_18 = vector.load %arg1[%get3A_15, %get3A_16, %get3A_17] : memref<2x384x3136xf32, #tpu.memory_space<vmem>>, vector<1x384x3136xf32>
    %get3A_19 = vector.shape_cast %get3A_18 : vector<1x384x3136xf32> to vector<384x3136xf32>
    %get3A_20 = arith.constant 1 : index
    %get3A_21 = arith.constant 0 : index
    %get3A_22 = arith.constant 0 : index
    %get3A_23 = vector.load %arg2[%get3A_20, %get3A_21, %get3A_22] : memref<2x384x384xf32, #tpu.memory_space<vmem>>, vector<1x384x384xf32>
    %get3A_24 = vector.shape_cast %get3A_23 : vector<1x384x384xf32> to vector<384x384xf32>
    %dot_general3A_25 = arith.constant dense<0.000000e+00> : vector<384x3136xf32>
    %dot_general3A_26 = tpu.matmul %get3A_24, %get3A_19, %dot_general3A_25 {dimension_numbers = #tpu.dot_dimension_numbers<[1], [0], [0], [1], [0, 0, 1, 1], [], []>, transpose_lhs_hint = false} : vector<384x384xf32>, vector<384x3136xf32>, vector<384x3136xf32> -> vector<384x3136xf32>
    %add3A_27 = arith.addf %dot_general3A_26, %get3A_19 : vector<384x3136xf32>
    %swap3A_28 = arith.constant 1 : index
    %swap3A_29 = arith.constant 0 : index
    %swap3A_30 = arith.constant 0 : index
    %swap3A_31 = vector.load %arg3[%swap3A_28, %swap3A_29, %swap3A_30] : memref<2x384x3136xf32, #tpu.memory_space<vmem>>, vector<1x384x3136xf32>
    %swap3A_32 = vector.shape_cast %swap3A_31 : vector<1x384x3136xf32> to vector<384x3136xf32>
    %swap3A_33 = vector.shape_cast %add3A_27 : vector<384x3136xf32> to vector<1x384x3136xf32>
    tpu.vector_store %arg3[%swap3A_28, %swap3A_29, %swap3A_30], %swap3A_33 {strides = array<i32>} : memref<2x384x3136xf32, #tpu.memory_space<vmem>>, vector<1x384x3136xf32>,
    return
  }
  func.func @transform_0(%arg0: i32) -> (i32, i32, i32) {
    %c0_i32 = arith.constant 0 : i32
    %c0_i32_0 = arith.constant 0 : i32
    %c0_i32_1 = arith.constant 0 : i32
    return %arg0, %c0_i32, %c0_i32_0 : i32, i32, i32
  }
  func.func @transform_1(%arg0: i32) -> (i32, i32, i32) {
    %c0_i32 = arith.constant 0 : i32
    %c0_i32_0 = arith.constant 0 : i32
    %c0_i32_1 = arith.constant 0 : i32
    return %arg0, %c0_i32, %c0_i32_0 : i32, i32, i32
  }
  func.func @transform_2(%arg0: i32) -> (i32, i32, i32) {
    %c0_i32 = arith.constant 0 : i32
    %c0_i32_0 = arith.constant 0 : i32
    %c0_i32_1 = arith.constant 0 : i32
    return %arg0, %c0_i32, %c0_i32_0 : i32, i32, i32
  }
}

module attributes {stable_mosaic.version = 14 : i64} {
  func.func @_route_kernel(%arg0: i32, %arg1: memref<4x384x3136xf32, #tpu.memory_space<vmem>>, %arg2: memref<384x8xf32, #tpu.memory_space<vmem>>, %arg3: memref<8x128xi32, #tpu.memory_space<vmem>>, %arg4: memref<8x128xf32, #tpu.memory_space<vmem>>) attributes {dimension_semantics = [#tpu.dimension_semantics<arbitrary>], iteration_bounds = array<i64: 1>, scalar_prefetch = 0 : i64, scratch_operands = 0 : i64, tpu.core_type = #tpu.core_type<tc>, window_params = [{pipeline_mode = #tpu.pipeline_mode<synchronous>, transform_indices = @transform_0, window_bounds = array<i64: 4, 384, 3136>}, {pipeline_mode = #tpu.pipeline_mode<synchronous>, transform_indices = @transform_1, window_bounds = array<i64: 384, 8>}, {pipeline_mode = #tpu.pipeline_mode<synchronous>, transform_indices = @transform_2, window_bounds = array<i64: 8, 128>}, {pipeline_mode = #tpu.pipeline_mode<synchronous>, transform_indices = @transform_3, window_bounds = array<i64: 8, 128>}]} {
    %get3A = arith.constant 0 : index
    %get3A_0 = arith.constant 0 : index
    %get3A_1 = arith.constant 0 : index
    %get3A_2 = vector.load %arg1[%get3A, %get3A_0, %get3A_1] : memref<4x384x3136xf32, #tpu.memory_space<vmem>>, vector<1x384x3136xf32>
    %get3A_3 = vector.shape_cast %get3A_2 : vector<1x384x3136xf32> to vector<384x3136xf32>
    %reduce_sum3A = arith.constant dense<0.000000e+00> : vector<384xf32>
    %reduce_sum3A_4 = vector.multi_reduction <add>, %get3A_3, %reduce_sum3A [1] : vector<384x3136xf32> to vector<384xf32>
    %broadcast_in_dim3A = vector.shape_cast %reduce_sum3A_4 : vector<384xf32> to vector<384x1xf32>
    %div3A = arith.constant 3.136000e+03 : f32
    %div3A_5 = vector.broadcast %div3A : f32 to vector<384x1xf32>
    %div3A_6 = arith.divf %broadcast_in_dim3A, %div3A_5 : vector<384x1xf32>
    %get3A_7 = arith.constant 0 : index
    %get3A_8 = arith.constant 0 : index
    %get3A_9 = vector.load %arg2[%get3A_7, %get3A_8] : memref<384x8xf32, #tpu.memory_space<vmem>>, vector<384x8xf32>
    %mul3A = vector.broadcast %div3A_6 : vector<384x1xf32> to vector<384x8xf32>
    %mul3A_10 = arith.mulf %mul3A, %get3A_9 : vector<384x8xf32>
    %reduce_sum3A_11 = arith.constant dense<0.000000e+00> : vector<8xf32>
    %reduce_sum3A_12 = vector.multi_reduction <add>, %mul3A_10, %reduce_sum3A_11 [0] : vector<384x8xf32> to vector<8xf32>
    %broadcast_in_dim3A_13 = vector.shape_cast %reduce_sum3A_12 : vector<8xf32> to vector<1x8xf32>
    %iota3A = tpu.iota {dimensions = array<i32: 1>} : vector<1x8xi32>
    %reduce_max3A = vector.shape_cast %broadcast_in_dim3A_13 : vector<1x8xf32> to vector<1x1x8xf32>
    %reduce_max3A_14 = arith.constant dense<0xFF800000> : vector<1xf32>
    %reduce_max3A_15 = vector.multi_reduction <maximumf>, %reduce_max3A, %reduce_max3A_14 [1, 2] : vector<1x1x8xf32> to vector<1xf32>
    %reduce_max3A_16 = vector.shape_cast %reduce_max3A_15 : vector<1xf32> to vector<1x1x1xf32>
    %reduce_max3A_17 = vector.extract %reduce_max3A_16[0, 0, 0] : f32 from vector<1x1x1xf32>
    %eq3A = vector.broadcast %reduce_max3A_17 : f32 to vector<1x8xf32>
    %eq3A_18 = arith.cmpf oeq, %broadcast_in_dim3A_13, %eq3A : vector<1x8xf32>
    %jit3A = arith.constant 8 : i32
    %broadcast_in_dim3A_19 = vector.broadcast %jit3A : i32 to vector<1x8xi32>
    %select_n3A = arith.select %eq3A_18, %iota3A, %broadcast_in_dim3A_19 : vector<1x8xi1>, vector<1x8xi32>
    %reduce_min3A = vector.shape_cast %select_n3A : vector<1x8xi32> to vector<1x1x8xi32>
    %reduce_min3A_20 = arith.constant dense<2147483647> : vector<1xi32>
    %reduce_min3A_21 = vector.multi_reduction <minsi>, %reduce_min3A, %reduce_min3A_20 [1, 2] : vector<1x1x8xi32> to vector<1xi32>
    %reduce_min3A_22 = vector.shape_cast %reduce_min3A_21 : vector<1xi32> to vector<1x1x1xi32>
    %reduce_min3A_23 = vector.extract %reduce_min3A_22[0, 0, 0] : i32 from vector<1x1x1xi32>
    %eq3A_24 = vector.broadcast %reduce_min3A_23 : i32 to vector<1x8xi32>
    %eq3A_25 = arith.cmpi eq, %iota3A, %eq3A_24 : vector<1x8xi32>
    %jit3A_26 = arith.constant 0xFF800000 : f32
    %broadcast_in_dim3A_27 = vector.broadcast %jit3A_26 : f32 to vector<1x8xf32>
    %select_n3A_28 = arith.select %eq3A_25, %broadcast_in_dim3A_27, %broadcast_in_dim3A_13 : vector<1x8xi1>, vector<1x8xf32>
    %reduce_max3A_29 = vector.shape_cast %select_n3A_28 : vector<1x8xf32> to vector<1x1x8xf32>
    %reduce_max3A_30 = arith.constant dense<0xFF800000> : vector<1xf32>
    %reduce_max3A_31 = vector.multi_reduction <maximumf>, %reduce_max3A_29, %reduce_max3A_30 [1, 2] : vector<1x1x8xf32> to vector<1xf32>
    %reduce_max3A_32 = vector.shape_cast %reduce_max3A_31 : vector<1xf32> to vector<1x1x1xf32>
    %reduce_max3A_33 = vector.extract %reduce_max3A_32[0, 0, 0] : f32 from vector<1x1x1xf32>
    %eq3A_34 = vector.broadcast %reduce_max3A_33 : f32 to vector<1x8xf32>
    %eq3A_35 = arith.cmpf oeq, %select_n3A_28, %eq3A_34 : vector<1x8xf32>
    %jit3A_36 = arith.constant 8 : i32
    %broadcast_in_dim3A_37 = vector.broadcast %jit3A_36 : i32 to vector<1x8xi32>
    %select_n3A_38 = arith.select %eq3A_35, %iota3A, %broadcast_in_dim3A_37 : vector<1x8xi1>, vector<1x8xi32>
    %reduce_min3A_39 = vector.shape_cast %select_n3A_38 : vector<1x8xi32> to vector<1x1x8xi32>
    %reduce_min3A_40 = arith.constant dense<2147483647> : vector<1xi32>
    %reduce_min3A_41 = vector.multi_reduction <minsi>, %reduce_min3A_39, %reduce_min3A_40 [1, 2] : vector<1x1x8xi32> to vector<1xi32>
    %reduce_min3A_42 = vector.shape_cast %reduce_min3A_41 : vector<1xi32> to vector<1x1x1xi32>
    %reduce_min3A_43 = vector.extract %reduce_min3A_42[0, 0, 0] : i32 from vector<1x1x1xi32>
    %sub3A = arith.subf %reduce_max3A_33, %reduce_max3A_17 : f32
    %exp3A = math.exp %sub3A : f32
    %add3A = arith.constant 1.000000e+00 : f32
    %add3A_44 = arith.addf %add3A, %exp3A : f32
    %div3A_45 = arith.constant 1.000000e+00 : f32
    %div3A_46 = arith.divf %div3A_45, %add3A_44 : f32
    %add3A_47 = arith.constant 1.000000e+00 : f32
    %add3A_48 = arith.addf %add3A_47, %exp3A : f32
    %div3A_49 = arith.divf %exp3A, %add3A_48 : f32
    %broadcast_in_dim3A_50 = vector.broadcast %reduce_min3A_23 : i32 to vector<1x128xi32>
    %swap3A = arith.constant 0 : index
    %swap3A_51 = arith.constant 0 : index
    %swap3A_52 = vector.load %arg3[%swap3A, %swap3A_51] : memref<8x128xi32, #tpu.memory_space<vmem>>, vector<1x128xi32>
    tpu.vector_store %arg3[%swap3A, %swap3A_51], %broadcast_in_dim3A_50 {strides = array<i32>} : memref<8x128xi32, #tpu.memory_space<vmem>>, vector<1x128xi32>,
    %broadcast_in_dim3A_53 = vector.broadcast %reduce_min3A_43 : i32 to vector<1x128xi32>
    %swap3A_54 = arith.constant 1 : index
    %swap3A_55 = arith.constant 0 : index
    %swap3A_56 = vector.load %arg3[%swap3A_54, %swap3A_55] : memref<8x128xi32, #tpu.memory_space<vmem>>, vector<1x128xi32>
    tpu.vector_store %arg3[%swap3A_54, %swap3A_55], %broadcast_in_dim3A_53 {strides = array<i32>} : memref<8x128xi32, #tpu.memory_space<vmem>>, vector<1x128xi32>,
    %broadcast_in_dim3A_57 = vector.broadcast %div3A_46 : f32 to vector<1x128xf32>
    %swap3A_58 = arith.constant 0 : index
    %swap3A_59 = arith.constant 0 : index
    %swap3A_60 = vector.load %arg4[%swap3A_58, %swap3A_59] : memref<8x128xf32, #tpu.memory_space<vmem>>, vector<1x128xf32>
    tpu.vector_store %arg4[%swap3A_58, %swap3A_59], %broadcast_in_dim3A_57 {strides = array<i32>} : memref<8x128xf32, #tpu.memory_space<vmem>>, vector<1x128xf32>,
    %broadcast_in_dim3A_61 = vector.broadcast %div3A_49 : f32 to vector<1x128xf32>
    %swap3A_62 = arith.constant 1 : index
    %swap3A_63 = arith.constant 0 : index
    %swap3A_64 = vector.load %arg4[%swap3A_62, %swap3A_63] : memref<8x128xf32, #tpu.memory_space<vmem>>, vector<1x128xf32>
    tpu.vector_store %arg4[%swap3A_62, %swap3A_63], %broadcast_in_dim3A_61 {strides = array<i32>} : memref<8x128xf32, #tpu.memory_space<vmem>>, vector<1x128xf32>,
    %get3A_65 = arith.constant 1 : index
    %get3A_66 = arith.constant 0 : index
    %get3A_67 = arith.constant 0 : index
    %get3A_68 = vector.load %arg1[%get3A_65, %get3A_66, %get3A_67] : memref<4x384x3136xf32, #tpu.memory_space<vmem>>, vector<1x384x3136xf32>
    %get3A_69 = vector.shape_cast %get3A_68 : vector<1x384x3136xf32> to vector<384x3136xf32>
    %reduce_sum3A_70 = arith.constant dense<0.000000e+00> : vector<384xf32>
    %reduce_sum3A_71 = vector.multi_reduction <add>, %get3A_69, %reduce_sum3A_70 [1] : vector<384x3136xf32> to vector<384xf32>
    %broadcast_in_dim3A_72 = vector.shape_cast %reduce_sum3A_71 : vector<384xf32> to vector<384x1xf32>
    %div3A_73 = arith.constant 3.136000e+03 : f32
    %div3A_74 = vector.broadcast %div3A_73 : f32 to vector<384x1xf32>
    %div3A_75 = arith.divf %broadcast_in_dim3A_72, %div3A_74 : vector<384x1xf32>
    %get3A_76 = arith.constant 0 : index
    %get3A_77 = arith.constant 0 : index
    %get3A_78 = vector.load %arg2[%get3A_76, %get3A_77] : memref<384x8xf32, #tpu.memory_space<vmem>>, vector<384x8xf32>
    %mul3A_79 = vector.broadcast %div3A_75 : vector<384x1xf32> to vector<384x8xf32>
    %mul3A_80 = arith.mulf %mul3A_79, %get3A_78 : vector<384x8xf32>
    %reduce_sum3A_81 = arith.constant dense<0.000000e+00> : vector<8xf32>
    %reduce_sum3A_82 = vector.multi_reduction <add>, %mul3A_80, %reduce_sum3A_81 [0] : vector<384x8xf32> to vector<8xf32>
    %broadcast_in_dim3A_83 = vector.shape_cast %reduce_sum3A_82 : vector<8xf32> to vector<1x8xf32>
    %iota3A_84 = tpu.iota {dimensions = array<i32: 1>} : vector<1x8xi32>
    %reduce_max3A_85 = vector.shape_cast %broadcast_in_dim3A_83 : vector<1x8xf32> to vector<1x1x8xf32>
    %reduce_max3A_86 = arith.constant dense<0xFF800000> : vector<1xf32>
    %reduce_max3A_87 = vector.multi_reduction <maximumf>, %reduce_max3A_85, %reduce_max3A_86 [1, 2] : vector<1x1x8xf32> to vector<1xf32>
    %reduce_max3A_88 = vector.shape_cast %reduce_max3A_87 : vector<1xf32> to vector<1x1x1xf32>
    %reduce_max3A_89 = vector.extract %reduce_max3A_88[0, 0, 0] : f32 from vector<1x1x1xf32>
    %eq3A_90 = vector.broadcast %reduce_max3A_89 : f32 to vector<1x8xf32>
    %eq3A_91 = arith.cmpf oeq, %broadcast_in_dim3A_83, %eq3A_90 : vector<1x8xf32>
    %jit3A_92 = arith.constant 8 : i32
    %broadcast_in_dim3A_93 = vector.broadcast %jit3A_92 : i32 to vector<1x8xi32>
    %select_n3A_94 = arith.select %eq3A_91, %iota3A_84, %broadcast_in_dim3A_93 : vector<1x8xi1>, vector<1x8xi32>
    %reduce_min3A_95 = vector.shape_cast %select_n3A_94 : vector<1x8xi32> to vector<1x1x8xi32>
    %reduce_min3A_96 = arith.constant dense<2147483647> : vector<1xi32>
    %reduce_min3A_97 = vector.multi_reduction <minsi>, %reduce_min3A_95, %reduce_min3A_96 [1, 2] : vector<1x1x8xi32> to vector<1xi32>
    %reduce_min3A_98 = vector.shape_cast %reduce_min3A_97 : vector<1xi32> to vector<1x1x1xi32>
    %reduce_min3A_99 = vector.extract %reduce_min3A_98[0, 0, 0] : i32 from vector<1x1x1xi32>
    %eq3A_100 = vector.broadcast %reduce_min3A_99 : i32 to vector<1x8xi32>
    %eq3A_101 = arith.cmpi eq, %iota3A_84, %eq3A_100 : vector<1x8xi32>
    %jit3A_102 = arith.constant 0xFF800000 : f32
    %broadcast_in_dim3A_103 = vector.broadcast %jit3A_102 : f32 to vector<1x8xf32>
    %select_n3A_104 = arith.select %eq3A_101, %broadcast_in_dim3A_103, %broadcast_in_dim3A_83 : vector<1x8xi1>, vector<1x8xf32>
    %reduce_max3A_105 = vector.shape_cast %select_n3A_104 : vector<1x8xf32> to vector<1x1x8xf32>
    %reduce_max3A_106 = arith.constant dense<0xFF800000> : vector<1xf32>
    %reduce_max3A_107 = vector.multi_reduction <maximumf>, %reduce_max3A_105, %reduce_max3A_106 [1, 2] : vector<1x1x8xf32> to vector<1xf32>
    %reduce_max3A_108 = vector.shape_cast %reduce_max3A_107 : vector<1xf32> to vector<1x1x1xf32>
    %reduce_max3A_109 = vector.extract %reduce_max3A_108[0, 0, 0] : f32 from vector<1x1x1xf32>
    %eq3A_110 = vector.broadcast %reduce_max3A_109 : f32 to vector<1x8xf32>
    %eq3A_111 = arith.cmpf oeq, %select_n3A_104, %eq3A_110 : vector<1x8xf32>
    %jit3A_112 = arith.constant 8 : i32
    %broadcast_in_dim3A_113 = vector.broadcast %jit3A_112 : i32 to vector<1x8xi32>
    %select_n3A_114 = arith.select %eq3A_111, %iota3A_84, %broadcast_in_dim3A_113 : vector<1x8xi1>, vector<1x8xi32>
    %reduce_min3A_115 = vector.shape_cast %select_n3A_114 : vector<1x8xi32> to vector<1x1x8xi32>
    %reduce_min3A_116 = arith.constant dense<2147483647> : vector<1xi32>
    %reduce_min3A_117 = vector.multi_reduction <minsi>, %reduce_min3A_115, %reduce_min3A_116 [1, 2] : vector<1x1x8xi32> to vector<1xi32>
    %reduce_min3A_118 = vector.shape_cast %reduce_min3A_117 : vector<1xi32> to vector<1x1x1xi32>
    %reduce_min3A_119 = vector.extract %reduce_min3A_118[0, 0, 0] : i32 from vector<1x1x1xi32>
    %sub3A_120 = arith.subf %reduce_max3A_109, %reduce_max3A_89 : f32
    %exp3A_121 = math.exp %sub3A_120 : f32
    %add3A_122 = arith.constant 1.000000e+00 : f32
    %add3A_123 = arith.addf %add3A_122, %exp3A_121 : f32
    %div3A_124 = arith.constant 1.000000e+00 : f32
    %div3A_125 = arith.divf %div3A_124, %add3A_123 : f32
    %add3A_126 = arith.constant 1.000000e+00 : f32
    %add3A_127 = arith.addf %add3A_126, %exp3A_121 : f32
    %div3A_128 = arith.divf %exp3A_121, %add3A_127 : f32
    %broadcast_in_dim3A_129 = vector.broadcast %reduce_min3A_99 : i32 to vector<1x128xi32>
    %swap3A_130 = arith.constant 2 : index
    %swap3A_131 = arith.constant 0 : index
    %swap3A_132 = vector.load %arg3[%swap3A_130, %swap3A_131] : memref<8x128xi32, #tpu.memory_space<vmem>>, vector<1x128xi32>
    tpu.vector_store %arg3[%swap3A_130, %swap3A_131], %broadcast_in_dim3A_129 {strides = array<i32>} : memref<8x128xi32, #tpu.memory_space<vmem>>, vector<1x128xi32>,
    %broadcast_in_dim3A_133 = vector.broadcast %reduce_min3A_119 : i32 to vector<1x128xi32>
    %swap3A_134 = arith.constant 3 : index
    %swap3A_135 = arith.constant 0 : index
    %swap3A_136 = vector.load %arg3[%swap3A_134, %swap3A_135] : memref<8x128xi32, #tpu.memory_space<vmem>>, vector<1x128xi32>
    tpu.vector_store %arg3[%swap3A_134, %swap3A_135], %broadcast_in_dim3A_133 {strides = array<i32>} : memref<8x128xi32, #tpu.memory_space<vmem>>, vector<1x128xi32>,
    %broadcast_in_dim3A_137 = vector.broadcast %div3A_125 : f32 to vector<1x128xf32>
    %swap3A_138 = arith.constant 2 : index
    %swap3A_139 = arith.constant 0 : index
    %swap3A_140 = vector.load %arg4[%swap3A_138, %swap3A_139] : memref<8x128xf32, #tpu.memory_space<vmem>>, vector<1x128xf32>
    tpu.vector_store %arg4[%swap3A_138, %swap3A_139], %broadcast_in_dim3A_137 {strides = array<i32>} : memref<8x128xf32, #tpu.memory_space<vmem>>, vector<1x128xf32>,
    %broadcast_in_dim3A_141 = vector.broadcast %div3A_128 : f32 to vector<1x128xf32>
    %swap3A_142 = arith.constant 3 : index
    %swap3A_143 = arith.constant 0 : index
    %swap3A_144 = vector.load %arg4[%swap3A_142, %swap3A_143] : memref<8x128xf32, #tpu.memory_space<vmem>>, vector<1x128xf32>
    tpu.vector_store %arg4[%swap3A_142, %swap3A_143], %broadcast_in_dim3A_141 {strides = array<i32>} : memref<8x128xf32, #tpu.memory_space<vmem>>, vector<1x128xf32>,
    %get3A_145 = arith.constant 2 : index
    %get3A_146 = arith.constant 0 : index
    %get3A_147 = arith.constant 0 : index
    %get3A_148 = vector.load %arg1[%get3A_145, %get3A_146, %get3A_147] : memref<4x384x3136xf32, #tpu.memory_space<vmem>>, vector<1x384x3136xf32>
    %get3A_149 = vector.shape_cast %get3A_148 : vector<1x384x3136xf32> to vector<384x3136xf32>
    %reduce_sum3A_150 = arith.constant dense<0.000000e+00> : vector<384xf32>
    %reduce_sum3A_151 = vector.multi_reduction <add>, %get3A_149, %reduce_sum3A_150 [1] : vector<384x3136xf32> to vector<384xf32>
    %broadcast_in_dim3A_152 = vector.shape_cast %reduce_sum3A_151 : vector<384xf32> to vector<384x1xf32>
    %div3A_153 = arith.constant 3.136000e+03 : f32
    %div3A_154 = vector.broadcast %div3A_153 : f32 to vector<384x1xf32>
    %div3A_155 = arith.divf %broadcast_in_dim3A_152, %div3A_154 : vector<384x1xf32>
    %get3A_156 = arith.constant 0 : index
    %get3A_157 = arith.constant 0 : index
    %get3A_158 = vector.load %arg2[%get3A_156, %get3A_157] : memref<384x8xf32, #tpu.memory_space<vmem>>, vector<384x8xf32>
    %mul3A_159 = vector.broadcast %div3A_155 : vector<384x1xf32> to vector<384x8xf32>
    %mul3A_160 = arith.mulf %mul3A_159, %get3A_158 : vector<384x8xf32>
    %reduce_sum3A_161 = arith.constant dense<0.000000e+00> : vector<8xf32>
    %reduce_sum3A_162 = vector.multi_reduction <add>, %mul3A_160, %reduce_sum3A_161 [0] : vector<384x8xf32> to vector<8xf32>
    %broadcast_in_dim3A_163 = vector.shape_cast %reduce_sum3A_162 : vector<8xf32> to vector<1x8xf32>
    %iota3A_164 = tpu.iota {dimensions = array<i32: 1>} : vector<1x8xi32>
    %reduce_max3A_165 = vector.shape_cast %broadcast_in_dim3A_163 : vector<1x8xf32> to vector<1x1x8xf32>
    %reduce_max3A_166 = arith.constant dense<0xFF800000> : vector<1xf32>
    %reduce_max3A_167 = vector.multi_reduction <maximumf>, %reduce_max3A_165, %reduce_max3A_166 [1, 2] : vector<1x1x8xf32> to vector<1xf32>
    %reduce_max3A_168 = vector.shape_cast %reduce_max3A_167 : vector<1xf32> to vector<1x1x1xf32>
    %reduce_max3A_169 = vector.extract %reduce_max3A_168[0, 0, 0] : f32 from vector<1x1x1xf32>
    %eq3A_170 = vector.broadcast %reduce_max3A_169 : f32 to vector<1x8xf32>
    %eq3A_171 = arith.cmpf oeq, %broadcast_in_dim3A_163, %eq3A_170 : vector<1x8xf32>
    %jit3A_172 = arith.constant 8 : i32
    %broadcast_in_dim3A_173 = vector.broadcast %jit3A_172 : i32 to vector<1x8xi32>
    %select_n3A_174 = arith.select %eq3A_171, %iota3A_164, %broadcast_in_dim3A_173 : vector<1x8xi1>, vector<1x8xi32>
    %reduce_min3A_175 = vector.shape_cast %select_n3A_174 : vector<1x8xi32> to vector<1x1x8xi32>
    %reduce_min3A_176 = arith.constant dense<2147483647> : vector<1xi32>
    %reduce_min3A_177 = vector.multi_reduction <minsi>, %reduce_min3A_175, %reduce_min3A_176 [1, 2] : vector<1x1x8xi32> to vector<1xi32>
    %reduce_min3A_178 = vector.shape_cast %reduce_min3A_177 : vector<1xi32> to vector<1x1x1xi32>
    %reduce_min3A_179 = vector.extract %reduce_min3A_178[0, 0, 0] : i32 from vector<1x1x1xi32>
    %eq3A_180 = vector.broadcast %reduce_min3A_179 : i32 to vector<1x8xi32>
    %eq3A_181 = arith.cmpi eq, %iota3A_164, %eq3A_180 : vector<1x8xi32>
    %jit3A_182 = arith.constant 0xFF800000 : f32
    %broadcast_in_dim3A_183 = vector.broadcast %jit3A_182 : f32 to vector<1x8xf32>
    %select_n3A_184 = arith.select %eq3A_181, %broadcast_in_dim3A_183, %broadcast_in_dim3A_163 : vector<1x8xi1>, vector<1x8xf32>
    %reduce_max3A_185 = vector.shape_cast %select_n3A_184 : vector<1x8xf32> to vector<1x1x8xf32>
    %reduce_max3A_186 = arith.constant dense<0xFF800000> : vector<1xf32>
    %reduce_max3A_187 = vector.multi_reduction <maximumf>, %reduce_max3A_185, %reduce_max3A_186 [1, 2] : vector<1x1x8xf32> to vector<1xf32>
    %reduce_max3A_188 = vector.shape_cast %reduce_max3A_187 : vector<1xf32> to vector<1x1x1xf32>
    %reduce_max3A_189 = vector.extract %reduce_max3A_188[0, 0, 0] : f32 from vector<1x1x1xf32>
    %eq3A_190 = vector.broadcast %reduce_max3A_189 : f32 to vector<1x8xf32>
    %eq3A_191 = arith.cmpf oeq, %select_n3A_184, %eq3A_190 : vector<1x8xf32>
    %jit3A_192 = arith.constant 8 : i32
    %broadcast_in_dim3A_193 = vector.broadcast %jit3A_192 : i32 to vector<1x8xi32>
    %select_n3A_194 = arith.select %eq3A_191, %iota3A_164, %broadcast_in_dim3A_193 : vector<1x8xi1>, vector<1x8xi32>
    %reduce_min3A_195 = vector.shape_cast %select_n3A_194 : vector<1x8xi32> to vector<1x1x8xi32>
    %reduce_min3A_196 = arith.constant dense<2147483647> : vector<1xi32>
    %reduce_min3A_197 = vector.multi_reduction <minsi>, %reduce_min3A_195, %reduce_min3A_196 [1, 2] : vector<1x1x8xi32> to vector<1xi32>
    %reduce_min3A_198 = vector.shape_cast %reduce_min3A_197 : vector<1xi32> to vector<1x1x1xi32>
    %reduce_min3A_199 = vector.extract %reduce_min3A_198[0, 0, 0] : i32 from vector<1x1x1xi32>
    %sub3A_200 = arith.subf %reduce_max3A_189, %reduce_max3A_169 : f32
    %exp3A_201 = math.exp %sub3A_200 : f32
    %add3A_202 = arith.constant 1.000000e+00 : f32
    %add3A_203 = arith.addf %add3A_202, %exp3A_201 : f32
    %div3A_204 = arith.constant 1.000000e+00 : f32
    %div3A_205 = arith.divf %div3A_204, %add3A_203 : f32
    %add3A_206 = arith.constant 1.000000e+00 : f32
    %add3A_207 = arith.addf %add3A_206, %exp3A_201 : f32
    %div3A_208 = arith.divf %exp3A_201, %add3A_207 : f32
    %broadcast_in_dim3A_209 = vector.broadcast %reduce_min3A_179 : i32 to vector<1x128xi32>
    %swap3A_210 = arith.constant 4 : index
    %swap3A_211 = arith.constant 0 : index
    %swap3A_212 = vector.load %arg3[%swap3A_210, %swap3A_211] : memref<8x128xi32, #tpu.memory_space<vmem>>, vector<1x128xi32>
    tpu.vector_store %arg3[%swap3A_210, %swap3A_211], %broadcast_in_dim3A_209 {strides = array<i32>} : memref<8x128xi32, #tpu.memory_space<vmem>>, vector<1x128xi32>,
    %broadcast_in_dim3A_213 = vector.broadcast %reduce_min3A_199 : i32 to vector<1x128xi32>
    %swap3A_214 = arith.constant 5 : index
    %swap3A_215 = arith.constant 0 : index
    %swap3A_216 = vector.load %arg3[%swap3A_214, %swap3A_215] : memref<8x128xi32, #tpu.memory_space<vmem>>, vector<1x128xi32>
    tpu.vector_store %arg3[%swap3A_214, %swap3A_215], %broadcast_in_dim3A_213 {strides = array<i32>} : memref<8x128xi32, #tpu.memory_space<vmem>>, vector<1x128xi32>,
    %broadcast_in_dim3A_217 = vector.broadcast %div3A_205 : f32 to vector<1x128xf32>
    %swap3A_218 = arith.constant 4 : index
    %swap3A_219 = arith.constant 0 : index
    %swap3A_220 = vector.load %arg4[%swap3A_218, %swap3A_219] : memref<8x128xf32, #tpu.memory_space<vmem>>, vector<1x128xf32>
    tpu.vector_store %arg4[%swap3A_218, %swap3A_219], %broadcast_in_dim3A_217 {strides = array<i32>} : memref<8x128xf32, #tpu.memory_space<vmem>>, vector<1x128xf32>,
    %broadcast_in_dim3A_221 = vector.broadcast %div3A_208 : f32 to vector<1x128xf32>
    %swap3A_222 = arith.constant 5 : index
    %swap3A_223 = arith.constant 0 : index
    %swap3A_224 = vector.load %arg4[%swap3A_222, %swap3A_223] : memref<8x128xf32, #tpu.memory_space<vmem>>, vector<1x128xf32>
    tpu.vector_store %arg4[%swap3A_222, %swap3A_223], %broadcast_in_dim3A_221 {strides = array<i32>} : memref<8x128xf32, #tpu.memory_space<vmem>>, vector<1x128xf32>,
    %get3A_225 = arith.constant 3 : index
    %get3A_226 = arith.constant 0 : index
    %get3A_227 = arith.constant 0 : index
    %get3A_228 = vector.load %arg1[%get3A_225, %get3A_226, %get3A_227] : memref<4x384x3136xf32, #tpu.memory_space<vmem>>, vector<1x384x3136xf32>
    %get3A_229 = vector.shape_cast %get3A_228 : vector<1x384x3136xf32> to vector<384x3136xf32>
    %reduce_sum3A_230 = arith.constant dense<0.000000e+00> : vector<384xf32>
    %reduce_sum3A_231 = vector.multi_reduction <add>, %get3A_229, %reduce_sum3A_230 [1] : vector<384x3136xf32> to vector<384xf32>
    %broadcast_in_dim3A_232 = vector.shape_cast %reduce_sum3A_231 : vector<384xf32> to vector<384x1xf32>
    %div3A_233 = arith.constant 3.136000e+03 : f32
    %div3A_234 = vector.broadcast %div3A_233 : f32 to vector<384x1xf32>
    %div3A_235 = arith.divf %broadcast_in_dim3A_232, %div3A_234 : vector<384x1xf32>
    %get3A_236 = arith.constant 0 : index
    %get3A_237 = arith.constant 0 : index
    %get3A_238 = vector.load %arg2[%get3A_236, %get3A_237] : memref<384x8xf32, #tpu.memory_space<vmem>>, vector<384x8xf32>
    %mul3A_239 = vector.broadcast %div3A_235 : vector<384x1xf32> to vector<384x8xf32>
    %mul3A_240 = arith.mulf %mul3A_239, %get3A_238 : vector<384x8xf32>
    %reduce_sum3A_241 = arith.constant dense<0.000000e+00> : vector<8xf32>
    %reduce_sum3A_242 = vector.multi_reduction <add>, %mul3A_240, %reduce_sum3A_241 [0] : vector<384x8xf32> to vector<8xf32>
    %broadcast_in_dim3A_243 = vector.shape_cast %reduce_sum3A_242 : vector<8xf32> to vector<1x8xf32>
    %iota3A_244 = tpu.iota {dimensions = array<i32: 1>} : vector<1x8xi32>
    %reduce_max3A_245 = vector.shape_cast %broadcast_in_dim3A_243 : vector<1x8xf32> to vector<1x1x8xf32>
    %reduce_max3A_246 = arith.constant dense<0xFF800000> : vector<1xf32>
    %reduce_max3A_247 = vector.multi_reduction <maximumf>, %reduce_max3A_245, %reduce_max3A_246 [1, 2] : vector<1x1x8xf32> to vector<1xf32>
    %reduce_max3A_248 = vector.shape_cast %reduce_max3A_247 : vector<1xf32> to vector<1x1x1xf32>
    %reduce_max3A_249 = vector.extract %reduce_max3A_248[0, 0, 0] : f32 from vector<1x1x1xf32>
    %eq3A_250 = vector.broadcast %reduce_max3A_249 : f32 to vector<1x8xf32>
    %eq3A_251 = arith.cmpf oeq, %broadcast_in_dim3A_243, %eq3A_250 : vector<1x8xf32>
    %jit3A_252 = arith.constant 8 : i32
    %broadcast_in_dim3A_253 = vector.broadcast %jit3A_252 : i32 to vector<1x8xi32>
    %select_n3A_254 = arith.select %eq3A_251, %iota3A_244, %broadcast_in_dim3A_253 : vector<1x8xi1>, vector<1x8xi32>
    %reduce_min3A_255 = vector.shape_cast %select_n3A_254 : vector<1x8xi32> to vector<1x1x8xi32>
    %reduce_min3A_256 = arith.constant dense<2147483647> : vector<1xi32>
    %reduce_min3A_257 = vector.multi_reduction <minsi>, %reduce_min3A_255, %reduce_min3A_256 [1, 2] : vector<1x1x8xi32> to vector<1xi32>
    %reduce_min3A_258 = vector.shape_cast %reduce_min3A_257 : vector<1xi32> to vector<1x1x1xi32>
    %reduce_min3A_259 = vector.extract %reduce_min3A_258[0, 0, 0] : i32 from vector<1x1x1xi32>
    %eq3A_260 = vector.broadcast %reduce_min3A_259 : i32 to vector<1x8xi32>
    %eq3A_261 = arith.cmpi eq, %iota3A_244, %eq3A_260 : vector<1x8xi32>
    %jit3A_262 = arith.constant 0xFF800000 : f32
    %broadcast_in_dim3A_263 = vector.broadcast %jit3A_262 : f32 to vector<1x8xf32>
    %select_n3A_264 = arith.select %eq3A_261, %broadcast_in_dim3A_263, %broadcast_in_dim3A_243 : vector<1x8xi1>, vector<1x8xf32>
    %reduce_max3A_265 = vector.shape_cast %select_n3A_264 : vector<1x8xf32> to vector<1x1x8xf32>
    %reduce_max3A_266 = arith.constant dense<0xFF800000> : vector<1xf32>
    %reduce_max3A_267 = vector.multi_reduction <maximumf>, %reduce_max3A_265, %reduce_max3A_266 [1, 2] : vector<1x1x8xf32> to vector<1xf32>
    %reduce_max3A_268 = vector.shape_cast %reduce_max3A_267 : vector<1xf32> to vector<1x1x1xf32>
    %reduce_max3A_269 = vector.extract %reduce_max3A_268[0, 0, 0] : f32 from vector<1x1x1xf32>
    %eq3A_270 = vector.broadcast %reduce_max3A_269 : f32 to vector<1x8xf32>
    %eq3A_271 = arith.cmpf oeq, %select_n3A_264, %eq3A_270 : vector<1x8xf32>
    %jit3A_272 = arith.constant 8 : i32
    %broadcast_in_dim3A_273 = vector.broadcast %jit3A_272 : i32 to vector<1x8xi32>
    %select_n3A_274 = arith.select %eq3A_271, %iota3A_244, %broadcast_in_dim3A_273 : vector<1x8xi1>, vector<1x8xi32>
    %reduce_min3A_275 = vector.shape_cast %select_n3A_274 : vector<1x8xi32> to vector<1x1x8xi32>
    %reduce_min3A_276 = arith.constant dense<2147483647> : vector<1xi32>
    %reduce_min3A_277 = vector.multi_reduction <minsi>, %reduce_min3A_275, %reduce_min3A_276 [1, 2] : vector<1x1x8xi32> to vector<1xi32>
    %reduce_min3A_278 = vector.shape_cast %reduce_min3A_277 : vector<1xi32> to vector<1x1x1xi32>
    %reduce_min3A_279 = vector.extract %reduce_min3A_278[0, 0, 0] : i32 from vector<1x1x1xi32>
    %sub3A_280 = arith.subf %reduce_max3A_269, %reduce_max3A_249 : f32
    %exp3A_281 = math.exp %sub3A_280 : f32
    %add3A_282 = arith.constant 1.000000e+00 : f32
    %add3A_283 = arith.addf %add3A_282, %exp3A_281 : f32
    %div3A_284 = arith.constant 1.000000e+00 : f32
    %div3A_285 = arith.divf %div3A_284, %add3A_283 : f32
    %add3A_286 = arith.constant 1.000000e+00 : f32
    %add3A_287 = arith.addf %add3A_286, %exp3A_281 : f32
    %div3A_288 = arith.divf %exp3A_281, %add3A_287 : f32
    %broadcast_in_dim3A_289 = vector.broadcast %reduce_min3A_259 : i32 to vector<1x128xi32>
    %swap3A_290 = arith.constant 6 : index
    %swap3A_291 = arith.constant 0 : index
    %swap3A_292 = vector.load %arg3[%swap3A_290, %swap3A_291] : memref<8x128xi32, #tpu.memory_space<vmem>>, vector<1x128xi32>
    tpu.vector_store %arg3[%swap3A_290, %swap3A_291], %broadcast_in_dim3A_289 {strides = array<i32>} : memref<8x128xi32, #tpu.memory_space<vmem>>, vector<1x128xi32>,
    %broadcast_in_dim3A_293 = vector.broadcast %reduce_min3A_279 : i32 to vector<1x128xi32>
    %swap3A_294 = arith.constant 7 : index
    %swap3A_295 = arith.constant 0 : index
    %swap3A_296 = vector.load %arg3[%swap3A_294, %swap3A_295] : memref<8x128xi32, #tpu.memory_space<vmem>>, vector<1x128xi32>
    tpu.vector_store %arg3[%swap3A_294, %swap3A_295], %broadcast_in_dim3A_293 {strides = array<i32>} : memref<8x128xi32, #tpu.memory_space<vmem>>, vector<1x128xi32>,
    %broadcast_in_dim3A_297 = vector.broadcast %div3A_285 : f32 to vector<1x128xf32>
    %swap3A_298 = arith.constant 6 : index
    %swap3A_299 = arith.constant 0 : index
    %swap3A_300 = vector.load %arg4[%swap3A_298, %swap3A_299] : memref<8x128xf32, #tpu.memory_space<vmem>>, vector<1x128xf32>
    tpu.vector_store %arg4[%swap3A_298, %swap3A_299], %broadcast_in_dim3A_297 {strides = array<i32>} : memref<8x128xf32, #tpu.memory_space<vmem>>, vector<1x128xf32>,
    %broadcast_in_dim3A_301 = vector.broadcast %div3A_288 : f32 to vector<1x128xf32>
    %swap3A_302 = arith.constant 7 : index
    %swap3A_303 = arith.constant 0 : index
    %swap3A_304 = vector.load %arg4[%swap3A_302, %swap3A_303] : memref<8x128xf32, #tpu.memory_space<vmem>>, vector<1x128xf32>
    tpu.vector_store %arg4[%swap3A_302, %swap3A_303], %broadcast_in_dim3A_301 {strides = array<i32>} : memref<8x128xf32, #tpu.memory_space<vmem>>, vector<1x128xf32>,
    return
  }
  func.func @transform_0(%arg0: i32) -> (i32, i32, i32) {
    %c0_i32 = arith.constant 0 : i32
    %c0_i32_0 = arith.constant 0 : i32
    %c0_i32_1 = arith.constant 0 : i32
    %c0_i32_2 = arith.constant 0 : i32
    return %c0_i32, %c0_i32_0, %c0_i32_1 : i32, i32, i32
  }
  func.func @transform_1(%arg0: i32) -> (i32, i32) {
    %c0_i32 = arith.constant 0 : i32
    %c0_i32_0 = arith.constant 0 : i32
    %c0_i32_1 = arith.constant 0 : i32
    return %c0_i32, %c0_i32_0 : i32, i32
  }
  func.func @transform_2(%arg0: i32) -> (i32, i32) {
    %c0_i32 = arith.constant 0 : i32
    %c0_i32_0 = arith.constant 0 : i32
    %c0_i32_1 = arith.constant 0 : i32
    return %c0_i32, %c0_i32_0 : i32, i32
  }
  func.func @transform_3(%arg0: i32) -> (i32, i32) {
    %c0_i32 = arith.constant 0 : i32
    %c0_i32_0 = arith.constant 0 : i32
    %c0_i32_1 = arith.constant 0 : i32
    return %c0_i32, %c0_i32_0 : i32, i32
  }
}

</mosaic_0001>

<sc_bundles>
// kernel: kernel.5.cloned.1.call-start
scs
__scs_entry_jumppad:
0x0: {  	(pc) =	sbr.rel $0x88, $3  }
0x1: {  	(tag) =	ssettag $0x0;
	lr =	simm.s32 $0x1  }
0x2: {  	[smem:$0x3F9D] =	sst lr;
	_ =	strace $0xD0000000  }
0x3: {  	_ = 	snop  }
0x4: {  	_ = 	snop  }
0x5: {  	_ = 	snop  }
0x6: {  	_ = 	snop  }
0x7: {  	_ = 	snop  }
__scs_overlays_trampoline_lowered:
0x8: {  	[smem:$0x3FAC] =	sst s0  }
0x9: {  	[smem:$0x3FAD] =	sst s1  }
0xa: {  	[smem:$0x3FAE] =	sst s2  }
0xb: {  	[smem:$0x3FAF] =	sst s3  }
0xc: {  	[smem:$0x3FB0] =	sst s4  }
0xd: {  	[smem:$0x3FB1] =	sst s5  }
0xe: {  	[smem:$0x3FB2] =	sst s6  }
0xf: {  	[smem:$0x3FB3] =	sst s7  }
0x10: {  	[smem:$0x3FB4] =	sst s8  }
0x11: {  	[smem:$0x3FB5] =	sst s9;
	s0 =	simm.s32 @!p0 $0x0  }
0x12: {  	s1 =	sld [smem:$0x3F9B];
	s0 =	simm.s32 @p0 $0x1  }
0x13: {  	[smem:$0x3FB6] =	sst s0;
	s0 =	simm.s32 @!p1 $0x0  }
0x14: {  	s2 =	sld [smem:$0x3F9A];
	s0 =	simm.s32 @p1 $0x1  }
0x15: {  	[smem:$0x3FB7] =	sst s0;
	s0 =	simm.s32 @!p2 $0x0  }
0x16: {  	s3 =	sld [smem:$0x3FDB];
	s0 =	simm.s32 @p2 $0x1  }
0x17: {  	s4 =	simm.s32 $0x1BF5;
	[smem:$0x3FB9] =	sst s0  }
0x18: {  	s0 =	sld [smem:$0x3F9C];
	_ =	swait.ge [sflag:s4], $0x0  }
0x19: {  	s7 =	sld [smem:$0x3F9D]  }
0x1a: {  	s8 =	sadd.s32 $0xFFFFE003, lr  }
0x1b: {  	s9 =	sadd.s32 $0xFFFFFEF7, lr;
	s5 =	simm.s32 $0xFFFFFFFF;
	p2 =	slt.u32 s8, $0xFFFFF086  }
0x1c: {  	p1 =	slt.u32 s9, $0xF7A;
	s5 =	simm.s32 @!p2 $0x0  }
0x1d: {  	s5 =	simm.s32 @p1 $0x1;
	p0 =	seq.s32 s7, s2  }
0x1e: {  	s7 =	smul.u32 @!p0 $0xF7A, s2;
	p2 =	seq.s32 @!p0 s5, $0x0  }
0x1f: {  	s9 =	smul.u32 $0xF7A, s1;
	s8 =	simm.s32 @!p0 $0x1BF5;
	p2 =	por !p2, p0  }
0x20: {  	[sflag:s8] =	ssyncset.s32 @!p0 $0xFFFFF086;
	s6 =	sadd.s32 @!p0 s3, s7;
	s7 =	simm.s32 @!p0 $0x108  }
0x21: {  	s3 =	sadd.s32 s3, s9;
	s6 =	sadd.s32 @!p0 $0x88, s6;
	s7 =	simm.s32 @p2 $0x1082  }
0x22: {  	[simem:s7], [sflag:s8] =	dma.local @!p0 [hbm:s6], $0xF7A  }
0x23: {  	s9 =	sor.u32 $0xD0000000, s2;
	s6 =	simm.s32 $0x108;
	_ =	swait.ge @!p0 [sflag:s8], $0x0  }
0x24: {  	s3 =	sadd.s32 $0x88, s3;
	s6 =	simm.s32 @!p1 $0x1082;
	[sflag:s4] =	ssyncset.s32 $0xFFFFF086  }
0x25: {  	[simem:s6], [sflag:s4] =	dma.local [hbm:s3], $0xF7A  }
0x26: {  	[smem:$0x3F9D] =	sst s1;
	(tag) =	ssettag s2;
	_ =	strace s9  }
0x27: {  	s1 =	sld [smem:$0x3FAD]  }
0x28: {  	s2 =	sld [smem:$0x3FAE]  }
0x29: {  	s4 =	sld [smem:$0x3FB0]  }
0x2a: {  	p0 =	seq.s32 s5, $0x0;
	s5 =	sld [smem:$0x3FB1]  }
0x2b: {  	s6 =	sld [smem:$0x3FB2]  }
0x2c: {  	s7 =	sld [smem:$0x3FB3]  }
0x2d: {  	s3 =	simm.s32 $0x108;
	s8 =	sld [smem:$0x3FB4]  }
0x2e: {  	s3 =	simm.s32 @!p0 $0x1082;
	s9 =	sld [smem:$0x3FB5]  }
0x2f: {  	lr =	sadd.s32 s0, s3;
	s0 =	sld [smem:$0x3FAC]  }
0x30: {  	s3 =	sld [smem:$0x3FAF]  }
0x31: {  	[smem:$0x3FB8] =	sst s10  }
0x32: {  	s10 =	sld [smem:$0x3FB6];
	_ =	sdelay $0x3  }
0x33: {  	p0 =	seq.s32 s10, $0x1;
	s10 =	sld [smem:$0x3FB8];
	_ =	sdelay $0x3  }
0x34: {  	[smem:$0x3FB8] =	sst s10  }
0x35: {  	s10 =	sld [smem:$0x3FB7];
	_ =	sdelay $0x3  }
0x36: {  	p1 =	seq.s32 s10, $0x1;
	s10 =	sld [smem:$0x3FB8];
	_ =	sdelay $0x3  }
0x37: {  	[smem:$0x3FB8] =	sst s10  }
0x38: {  	s10 =	sld [smem:$0x3FB9]  }
0x39: {  	_ = 	snop;
	(pc) =	sbr.ind lr, $3  }
0x3a: {  	_ = 	snop  }
0x3b: {  	_ = 	snop  }
0x3c: {  	p2 =	seq.s32 s10, $0x1;
	s10 =	sld [smem:$0x3FB8]  }
0x3d: {  	_ =	shalt  }
0x3e: {  	_ =	shalt  }
0x3f: {  	_ =	shalt  }
0x40: {  	_ =	shalt  }
0x41: {  	_ =	shalt  }
0x42: {  	_ =	shalt  }
0x43: {  	_ =	shalt  }
0x44: {  	_ =	shalt  }
0x45: {  	_ =	shalt  }
0x46: {  	_ =	shalt  }
0x47: {  	_ =	shalt  }
0x48: {  	_ =	shalt  }
0x49: {  	_ =	shalt  }
0x4a: {  	_ =	shalt  }
0x4b: {  	_ =	shalt  }
0x4c: {  	_ =	shalt  }
0x4d: {  	_ =	shalt  }
0x4e: {  	_ =	shalt  }
0x4f: {  	_ =	shalt  }
0x50: {  	_ =	shalt  }
0x51: {  	_ =	shalt  }
0x52: {  	_ =	shalt  }
0x53: {  	_ =	shalt  }
0x54: {  	_ =	shalt  }
0x55: {  	_ =	shalt  }
0x56: {  	_ =	shalt  }
0x57: {  	_ =	shalt  }
0x58: {  	_ =	shalt  }
0x59: {  	_ =	shalt  }
0x5a: {  	_ =	shalt  }
0x5b: {  	_ =	shalt  }
0x5c: {  	_ =	shalt  }
0x5d: {  	_ =	shalt  }
0x5e: {  	_ =	shalt  }
0x5f: {  	_ =	shalt  }
0x60: {  	_ =	shalt  }
0x61: {  	_ =	shalt  }
0x62: {  	_ =	shalt  }
0x63: {  	_ =	shalt  }
0x64: {  	_ =	shalt  }
0x65: {  	_ =	shalt  }
0x66: {  	_ =	shalt  }
0x67: {  	_ =	shalt  }
0x68: {  	_ =	shalt  }
0x69: {  	_ =	shalt  }
0x6a: {  	_ =	shalt  }
0x6b: {  	_ =	shalt  }
0x6c: {  	_ =	shalt  }
0x6d: {  	_ =	shalt  }
0x6e: {  	_ =	shalt  }
0x6f: {  	_ =	shalt  }
0x70: {  	_ =	shalt  }
0x71: {  	_ =	shalt  }
0x72: {  	_ =	shalt  }
0x73: {  	_ =	shalt  }
0x74: {  	_ =	shalt  }
0x75: {  	_ =	shalt  }
0x76: {  	_ =	shalt  }
0x77: {  	_ =	shalt  }
0x78: {  	_ =	shalt  }
0x79: {  	_ =	shalt  }
0x7a: {  	_ =	shalt  }
0x7b: {  	_ =	shalt  }
0x7c: {  	_ =	shalt  }
0x7d: {  	_ =	shalt  }
0x7e: {  	_ =	shalt  }
0x7f: {  	_ =	shalt  }
0x80: {  	_ =	shalt  }
0x81: {  	_ =	shalt  }
0x82: {  	_ =	shalt  }
0x83: {  	_ =	shalt  }
0x84: {  	_ =	shalt  }
0x85: {  	_ =	shalt  }
0x86: {  	_ =	shalt  }
0x87: {  	_ =	shalt  }
.Lfunc_end0:
.L_simem_size_0:
called_computation_lowered:
.L_overlay_start_0:
0x88: {  	s2 =	sld [smem:$0x3FD9]  }
0x89: {  	s3 =	sld [smem:$0x3FFE];
	_ =	sdelay $0x1  }
0x8a: {  	s1 =	srdreg.scid  }
0x8b: {  	s0 =	sand.u32 $0x1, s1  }
0x8c: {  	s17 =	sshll.u32 s0, $0xA;
	s2 =	sadd.s32 s3, s2  }
0x8d: {  	s2 =	sadd.s32 s2, s17  }
0x8e: {  	[smem:$0x3FC4] =	sst s2  }
0x8f: {  	_ = 	snop  }
0x90: {  	s2 =	sld [smem:$0x3FC7]  }
0x91: {  	s18 =	sld [smem:$0x3FC6]  }
0x92: {  	s4 =	sld [smem:$0x3FD0];
	(tm) =	ssettm $0x1  }
0x93: {  	s5 =	sld [smem:$0x3FFB];
	_ =	sdelay $0x3  }
0x94: {  	_ =	strace s5  }
0x95: {  	s5 =	sld [smem:$0x3FFC];
	_ =	sdelay $0x3  }
0x96: {  	_ =	strace s5  }
0x97: {  	s5 =	sld [smem:$0x3FFD];
	_ =	sdelay $0x3  }
0x98: {  	_ =	strace s5  }
0x99: {  	_ =	strace $0x8FFFFFFF  }
0x9a: {  	s19 =	sld [smem:$0x3FDB];
	_ =	sdelay $0x1  }
0x9b: {  	s6 =	simm.s32 $_scs_section_size  }
0x9c: {  	s7 =	simm.s32 $_size__tile_overlayer_lowered;
	s8 =	simm.s32 $_tile_overlayer_lowered  }
0x9d: {  	s22 =	simm.s32 $0x1BFF;
	s21 =	sshll.u32 s8, $0x1;
	s5 =	sadd.s32 s6, s19  }
0x9e: {  	s9 =	simm.s32 $0x0;
	s20 =	sshll.u32 s7, $0x1;
	s7 =	sadd.s32 s21, s5  }
0x9f: {  	[timem:s9], [sflag:s22] =	dma.local [hbm:s7], s20  }
0xa0: {  	_ =	swait.ge [sflag:s22], s20  }
0xa1: {  	s6 =	ssub.s32 $0x0, s20;
	[sflag:s22] =	ssyncset.done $0x0  }
0xa2: {  	[sflag:s22] =	ssyncadd.s32 s6;
	_ =	sdelay $0x1  }
0xa3: {  	s23 =	simm.s32 $0x1B8B  }
0xa4: {  	_ =	swait.ge [sflag:s23], $0x1  }
0xa5: {  	[sflag:s23] =	ssyncset.done $0x0  }
0xa6: {  	s25 =	simm.s32 $0x1B8E;
	s24 =	sld [smem:$0x3FFE];
	[sflag:s23] =	ssyncadd.s32 $0xFFFFFFFF  }
0xa7: {  	s26 =	simm.s32 $execute0_lowered;
	[smem:$0x3FD2] =	sst s25  }
0xa8: {  	s7 =	sshll.u32 s26, $0x1;
	_ =	strace $0x80000046;
	[dreg:$0x1] =	wrdreg $0xFFFFFFFF  }
0xa9: {  	s28 =	simm.s32 $_size_execute0_lowered;
	s5 =	sadd.s32 s5, s7;
	[dreg:$0x0] =	wrdreg $0x0  }
0xaa: {  	s7 =	sshll.u32 s28, $0x1;
	[dreg:$0x2] =	wrdreg s5  }
0xab: {  	[dreg:$0x3] =	wrdreg s7  }
0xac: {  	[dreg:$0x4] =	wrdreg $0xC0  }
0xad: {  	_ =	task [dreg:s9], $0x5FFFF  }
0xae: {  	[dreg:$0x1] =	wrdreg $0xFFFFFFFF  }
0xaf: {  	[dreg:$0x0] =	wrdreg $0x60  }
0xb0: {  	[dreg:$0x2] =	wrdreg s2  }
0xb1: {  	[dreg:$0x3] =	wrdreg s18  }
0xb2: {  	[dreg:$0x4] =	wrdreg s24  }
0xb3: {  	[dreg:$0x5] =	wrdreg s4  }
0xb4: {  	[dreg:$0x6] =	wrdreg $0x9  }
0xb5: {  	_ =	task.clear_ibuf [dreg:s9], $0x7FFFF;
	_ =	strace $0x90000046  }
0xb6: {  	s29 =	simm.s32 $0x9;
	_ =	strace $0x80000048  }
0xb7: {  	_ =	swait.ge [sflag:s29], $0x1  }
0xb8: {  	[sflag:s29] =	ssyncadd.s32 $0xFFFFFFFF  }
0xb9: {  	_ =	strace $0x90000048  }
0xba: {  	_ =	sfence  }
0xbb: {  	s30 =	sld [smem:$0x0];
	_ =	sdelay $0x2  }
0xbc: {  	s31 =	sshll.u32 s1, $0xD;
	s1 =	sshrl.u32 s1, $0x2  }
0xbd: {  	s3 =	sand.u32 $0x4000, s31;
	s1 =	sadd.s32 s1, s30  }
0xbe: {  	s0 =	sor.u32 s3, s0;
	s1 =	sshll.u32 s1, $0x11  }
0xbf: {  	s0 =	sor.u32 s1, s0  }
0xc0: {  	s0 =	sadd.s32 $0x8F2B, s0  }
0xc1: {  	[sflag:s0] =	ssyncadd.remote.s32 $0x1  }
0xc2: {  	_ =	sfence.sel $0xFFFF  }
0xc3: {  	[dreg:$0x0] =	wrdreg $0xFFFFFFFF;
	(pc) =	sbr.abs _section_cstart, $3  }
0xc4: {  	[dreg:$0x1] =	wrdreg $0xFFFFFFFF  }
0xc5: {  	_ =	task.clear_ibuf [dreg:s9], $0x2FFFF;
	_ =	strace $0x9FFFFFFF  }
0xc6: {  	(tm) =	ssettm $0x7FFFFFFF  }
0xc7: {  	_ =	shalt  }
tec
execute0_lowered:
.L_overlay_start_1:
0x0: {  	(tag) =	ssettag $0x1  }
0x1: {  	s1 =	rddreg [dreg:$0x0]  }
0x2: {  	s0 =	rddreg [dreg:$0x1]  }
0x3: {  	s2 =	rddreg [dreg:$0x2]  }
0x4: {  	s4 =	rddreg [dreg:$0x3]  }
0x5: {  	s8 =	stileid.u32;
	s3 =	simm.s32 $0x0;
	s5 =	srdreg.scid  }
0x6: {  	s28 =	simm.s32 $0x2E00;
	s29 =	simm.s32 $0x3200;
	s30 =	simm.s32 $0x1  }
0x7: {  	s31 =	simm.s32 $0x2;
	s6 =	sshll.u32 s8, $0x1;
	[smem:$0x7FF] =	sst s3  }
0x8: {  	s5 =	sand.u32 $0x1, s5;
	s7 =	sadd.s32 $0x96600, s2;
	s8 =	sshrl.u32 s8, $0x2  }
0x9: {  	s2 =	sadd.s32 $0x96800, s2;
	s6 =	sand.u32 $0x6, s6;
	_ =	strace $0x80000047  }
0xa: {  	s10 =	sshll.u32 s8, $0x5;
	s8 =	smul.u32 $0x180, s8;
	s6 =	sor.u32 s5, s6  }
0xb: {  	s5 =	ssub.s32 $0x2, s5;
	s26 =	sor.u32 $0x10, s10;
	s16 =	sadd.s32 s7, s10  }
0xc: {  	s17 =	smul.u32 $0x30, s6;
	s9 =	sshrl.u32 s5, $0x1;
	[dreg:$0x5] =	wrdreg s16  }
0xd: {  	s18 =	sadd.s32 s7, s26;
	s11 =	smul.u32 $0x900, s6;
	s6 =	sadd.s32 s2, s10  }
0xe: {  	s7 =	sadd.s32 s2, s26;
	s2 =	simm.s32 $0x0;
	s15 =	ssub.s32 s5, s9  }
0xf: {  	[dreg:$0x6] =	wrdreg s18;
	s19 =	sadd.s32 s8, s17;
	s18 =	sadd.s32 $0x10, s17  }
0x10: {  	s9 =	sadd.s32 s0, s11;
	s15 =	smax.u32 s15, $0x1;
	s20 =	sshrl.u32 s19, $0x3  }
0x11: {  	s21 =	sshrl.u32 s18, $0x3;
	s22 =	sadd.s32 s8, s18;
	s12 =	smul.u32 $0x180, s20  }
0x12: {  	s19 =	sadd.s32 $0x20, s17;
	s13 =	smul.u32 $0x180, s21;
	s23 =	sshrl.u32 s22, $0x3  }
0x13: {  	s24 =	sshrl.u32 s19, $0x3;
	s8 =	sadd.s32 s8, s19;
	s20 =	simm.s32 $0x200  }
0x14: {  	s21 =	simm.s32 $0xA00;
	s22 =	simm.s32 $0xE00;
	s14 =	smul.u32 $0x180, s23  }
0x15: {  	s16 =	smul.u32 $0x180, s24;
	s25 =	sshrl.u32 s8, $0x3;
	s8 =	sadd.s32 $0x100, s1  }
0x16: {  	v5 =	vlaneseq.u32;
	s23 =	simm.s32 $0x1600;
	s24 =	simm.s32 $0x1A00;
	s26 =	smul.u32 $0x180, s25  }
0x17: {  	vm0 =	vmmov $0xffff;
	vm1 =	vmmov $0xff;
	v4 =	vshrl.u32 v5, $0x3;
	s10 =	sadd.s32 s4, s12;
	s11 =	sadd.s32 s0, s13;
	s25 =	simm.s32 $0x2200  }
0x18: {  	v3 =	vand.u32 $0x7, v5;
	v4 =	vmul.u32 $0x8, v4;
	v0 =	vor.u32 s17, v5;
	s12 =	sadd.s32 s4, s14;
	s13 =	sadd.s32 s0, s16;
	s16 =	simm.s32 $0x3  }
0x19: {  	v1 =	vor.u32 s18, v5;
	v2 =	vor.u32 s19, v5;
	v5 =	vor.u32 $0x8, v5;
	s0 =	simm.s32 $0x4A00;
	s14 =	sadd.s32 s4, s26;
	s26 =	simm.s32 $0x2600  }
.LBB2_1:
0x1a: {  	s4 =	rddreg [dreg:$0x5]  }
0x1b: {  	[tilespmem:s3], [sflag:$0x3] =	stream.linear.gather [hbm4b:s4+s3], $0x10, $0x38;
	[tilespmem:$0x6200] =	vst v63  }
0x1c: {  	_ =	swait.ge [sflag:s16], $0x10  }
0x1d: {  	[sflag:s16] =	ssyncset.done $0x0  }
0x1e: {  	s5 =	simm.s32 $0x10;
	s19 =	rddreg [dreg:$0x6];
	[sflag:s16] =	ssyncadd.s32 $0xFFFFFFF0  }
0x1f: {  	[tilespmem:s5], [sflag:$0x3] =	stream.linear.gather [hbm4b:s19+s3], $0x10, $0x38;
	[tilespmem:$0x6200] =	vst v63  }
0x20: {  	_ =	swait.ge [sflag:s16], $0x10  }
0x21: {  	[sflag:s16] =	ssyncset.done $0x0  }
0x22: {  	s5 =	simm.s32 $0x80;
	[sflag:s16] =	ssyncadd.s32 $0xFFFFFFF0  }
0x23: {  	[tilespmem:s5], [sflag:$0x3] =	stream.linear.gather [hbm4b:s6+s3], $0x10, $0x38;
	[tilespmem:$0x6200] =	vst v63  }
0x24: {  	_ =	swait.ge [sflag:s16], $0x10  }
0x25: {  	[sflag:s16] =	ssyncset.done $0x0  }
0x26: {  	s17 =	simm.s32 $0x90;
	[sflag:s16] =	ssyncadd.s32 $0xFFFFFFF0  }
0x27: {  	[tilespmem:s17], [sflag:$0x3] =	stream.linear.gather [hbm4b:s7+s3], $0x10, $0x38;
	[tilespmem:$0x6200] =	vst v63  }
0x28: {  	_ =	swait.ge [sflag:s16], $0x10  }
0x29: {  	[sflag:s16] =	ssyncset.done $0x0  }
0x2a: {  	[sflag:s16] =	ssyncadd.s32 $0xFFFFFFF0  }
0x2b: {  	v6 =	vld [tilespmem:$0x0];
	_ =	sdelay $0x4  }
0x2c: {  	v8 =	vmul.u32 $0x180, v6;
	_ =	sdelay $0x1  }
0x2d: {  	v6 =	vadd.s32 v0, v8  }
0x2e: {  	[tilespmem:$0x100] =	vst v6  }
0x2f: {  	v6 =	vld [tilespmem:$0x100];
	_ =	sdelay $0x4  }
0x30: {  	v7 =	vshrl.u32 v6, $0x3  }
0x31: {  	v7 =	vmul.u32 $0x18, v7  }
0x32: {  	v9 =	vld [tilespmem:$0x10];
	v6 =	vand.u32 $0x7, v6  }
0x33: {  	v6 =	vor.u32 v6, v7  }
0x34: {  	v7 =	vperm.xlane v6, v3;
	_ =	sdelay $0x1  }
0x35: {  	v10 =	vadd.s32 v4, v7  }
0x36: {  	v9 =	vmul.u32 $0x180, v9  }
0x37: {  	v11 =	vperm.xlane v6, v5  }
0x38: {  	v12 =	vadd.s32 v0, v9  }
0x39: {  	[tilespmem:$0x180] =	vst v12;
	v6 =	vld [tilespmem:$0x80];
	v11 =	vadd.s32 v4, v11  }
0x3a: {  	v7 =	vld [tilespmem:$0x90];
	[tilespmem:s20], [sflag:$0x1] =	stream.indirect_vreg.gather [hbm4b:s1+s3], $0x80, v10, vm0, $0xb8  }
0x3b: {  	_ = 	snop  }
0x3c: {  	[tilespmem:s21], [sflag:$0x1] =	stream.indirect_vreg.gather [hbm4b:s8+s3], $0x80, v10, vm1, $0xb8;
	[tilespmem:$0x6200] =	vst v63  }
0x3d: {  	_ = 	snop  }
0x3e: {  	[tilespmem:s22], [sflag:$0x1] =	stream.indirect_vreg.gather [hbm4b:s1+s3], $0x80, v11, vm0, $0xb8;
	[tilespmem:$0x6200] =	vst v63  }
0x3f: {  	_ = 	snop  }
0x40: {  	[tilespmem:s23], [sflag:$0x1] =	stream.indirect_vreg.gather [hbm4b:s8+s3], $0x80, v11, vm1, $0xb8;
	[tilespmem:$0x6200] =	vst v63  }
0x41: {  	v10 =	vld [tilespmem:$0x180];
	_ =	sdelay $0x4  }
0x42: {  	v11 =	vshrl.u32 v10, $0x3  }
0x43: {  	v11 =	vmul.u32 $0x18, v11  }
0x44: {  	v10 =	vand.u32 $0x7, v10  }
0x45: {  	v10 =	vor.u32 v10, v11  }
0x46: {  	v11 =	vperm.xlane v10, v3;
	_ =	sdelay $0x1  }
0x47: {  	v11 =	vadd.s32 v4, v11;
	_ =	sdelay $0x1  }
0x48: {  	v10 =	vperm.xlane v10, v5;
	_ =	sdelay $0x1  }
0x49: {  	v10 =	vadd.s32 v4, v10  }
0x4a: {  	[tilespmem:s24], [sflag:$0x2] =	stream.indirect_vreg.gather [hbm4b:s1+s3], $0x80, v11, vm0, $0xb8;
	[tilespmem:$0x6200] =	vst v63  }
0x4b: {  	_ = 	snop  }
0x4c: {  	[tilespmem:s25], [sflag:$0x2] =	stream.indirect_vreg.gather [hbm4b:s8+s3], $0x80, v11, vm1, $0xb8;
	[tilespmem:$0x6200] =	vst v63  }
0x4d: {  	_ = 	snop  }
0x4e: {  	[tilespmem:s26], [sflag:$0x2] =	stream.indirect_vreg.gather [hbm4b:s1+s3], $0x80, v10, vm0, $0xb8;
	[tilespmem:$0x6200] =	vst v63  }
0x4f: {  	_ = 	snop  }
0x50: {  	[tilespmem:s28], [sflag:$0x2] =	stream.indirect_vreg.gather [hbm4b:s8+s3], $0x80, v10, vm1, $0xb8;
	[tilespmem:$0x6200] =	vst v63  }
0x51: {  	_ = 	snop  }
0x52: {  	[tilespmem:s29], [sflag:$0x3] =	stream.linear.gather [hbm4b:s9+s3], $0x1800, $0x38;
	[tilespmem:$0x6200] =	vst v63  }
0x53: {  	_ =	swait.ge [sflag:s16], $0x1800  }
0x54: {  	[sflag:s16] =	ssyncset.done $0x0  }
0x55: {  	[sflag:s16] =	ssyncadd.s32 $0xFFFFE800  }
0x56: {  	_ =	swait.ge [sflag:s30], $0x1800  }
0x57: {  	[sflag:s30] =	ssyncset.done $0x0  }
0x58: {  	s18 =	simm.s32 $0x0;
	[sflag:s30] =	ssyncadd.s32 $0xFFFFE800  }
0x59: {  	s4 =	smul.u32 $0xC00, s18;
	_ =	swait.ge [sflag:s31], $0x1800  }
0x5a: {  	s17 =	sand.u32 $0x380, s3;
	[sflag:s31] =	ssyncset.done $0x0  }
0x5b: {  	s17 =	sor.u32 s17, s4;
	[sflag:s31] =	ssyncadd.s32 $0xFFFFE800  }
0x5c: {  	v10 =	vld [tilespmem:s17+$0xA70]  }
0x5d: {  	v11 =	vld [tilespmem:s17+$0x2270]  }
0x5e: {  	v12 =	vld [tilespmem:s17+$0x200]  }
0x5f: {  	v13 =	vld [tilespmem:s17+$0x1A00]  }
0x60: {  	v14 =	vld [tilespmem:s17+$0x210]  }
0x61: {  	v15 =	vld [tilespmem:s17+$0x3A70]  }
0x62: {  	v16 =	vld [tilespmem:s17+$0x1A10]  }
0x63: {  	v17 =	vld [tilespmem:s17+$0x220]  }
0x64: {  	v18 =	vld [tilespmem:s17+$0x1A20]  }
0x65: {  	v19 =	vld [tilespmem:s17+$0x1A30]  }
0x66: {  	v20 =	vld [tilespmem:s17+$0x1A40]  }
0x67: {  	v21 =	vld [tilespmem:s17+$0x1A50]  }
0x68: {  	v22 =	vld [tilespmem:s17+$0x260]  }
0x69: {  	v23 =	vld [tilespmem:s17+$0x1A60]  }
0x6a: {  	v24 =	vld [tilespmem:s17+$0x270]  }
0x6b: {  	v25 =	vld [tilespmem:s17+$0x1A70]  }
0x6c: {  	v26 =	vld [tilespmem:s17+$0x600]  }
0x6d: {  	v27 =	vld [tilespmem:s17+$0x1E00]  }
0x6e: {  	v28 =	vld [tilespmem:s17+$0x610]  }
0x6f: {  	v29 =	vld [tilespmem:s17+$0x1E10]  }
0x70: {  	v30 =	vld [tilespmem:s17+$0x620]  }
0x71: {  	v31 =	vld [tilespmem:s17+$0x1E20]  }
0x72: {  	v32 =	vld [tilespmem:s17+$0x630]  }
0x73: {  	v33 =	vld [tilespmem:s17+$0x1E30]  }
0x74: {  	v34 =	vld [tilespmem:s17+$0x640]  }
0x75: {  	v35 =	vld [tilespmem:s17+$0x1E40]  }
0x76: {  	v36 =	vld [tilespmem:s17+$0x650]  }
0x77: {  	v37 =	vld [tilespmem:s17+$0x1E50]  }
0x78: {  	v38 =	vld [tilespmem:s17+$0x660]  }
0x79: {  	v39 =	vld [tilespmem:s17+$0x1E60]  }
0x7a: {  	v40 =	vld [tilespmem:s17+$0x670]  }
0x7b: {  	v41 =	vld [tilespmem:s17+$0x1E70]  }
0x7c: {  	v42 =	vld [tilespmem:s17+$0xA00]  }
0x7d: {  	v43 =	vld [tilespmem:s17+$0x2200]  }
0x7e: {  	v44 =	vld [tilespmem:s17+$0xA10]  }
0x7f: {  	v50 =	vld [tilespmem:s17+$0xA40]  }
0x80: {  	v51 =	vld [tilespmem:s17+$0x2240]  }
0x81: {  	v56 =	vld [tilespmem:s17+$0x3200];
	v10 =	vmul.f32 v10, v6;
	v11 =	vmul.f32 v11, v7  }
0x82: {  	v57 =	vld [tilespmem:s17+$0x3210]  }
0x83: {  	v58 =	vld [tilespmem:s17+$0x3220];
	v10 =	vadd.f32 v11, v10  }
0x84: {  	v12 =	vmul.f32 v12, v6;
	v13 =	vmul.f32 v13, v7;
	v11 =	vld [tilespmem:s17+$0x230]  }
0x85: {  	v17 =	vmul.f32 v17, v6;
	v18 =	vmul.f32 v18, v7;
	v10 =	vadd.f32 v10, v15;
	v15 =	vld [tilespmem:s17+$0x240]  }
0x86: {  	v54 =	vld [tilespmem:s17+$0xA60];
	v14 =	vmul.f32 v14, v6;
	v12 =	vadd.f32 v13, v12;
	v13 =	vmul.f32 v16, v7  }
0x87: {  	v19 =	vmul.f32 v19, v7;
	v17 =	vadd.f32 v18, v17;
	[tilespmem:s17+$0x5270] =	vst v10;
	v10 =	vld [tilespmem:s17+$0x250]  }
0x88: {  	v60 =	vmul.f32 v50, v6;
	v16 =	vld [tilespmem:s17+$0x3230];
	v13 =	vadd.f32 v13, v14;
	v12 =	vadd.f32 v12, v56  }
0x89: {  	v59 =	vld [tilespmem:s17+$0x3240];
	v61 =	vmul.f32 v51, v7;
	v17 =	vadd.f32 v17, v58;
	v11 =	vmul.f32 v11, v6  }
0x8a: {  	v45 =	vld [tilespmem:s17+$0x2210];
	v13 =	vadd.f32 v13, v57;
	[tilespmem:s17+$0x4A00] =	vst v12;
	v12 =	vmul.f32 v15, v6;
	v15 =	vmul.f32 v20, v7  }
0x8b: {  	v62 =	vmul.f32 v54, v6;
	v14 =	vld [tilespmem:s17+$0x3250];
	[tilespmem:s17+$0x4A20] =	vst v17;
	v17 =	vmul.f32 v23, v7;
	v11 =	vadd.f32 v19, v11  }
0x8c: {  	v46 =	vld [tilespmem:s17+$0xA20];
	[tilespmem:s17+$0x4A10] =	vst v13;
	v13 =	vmul.f32 v21, v7;
	v10 =	vmul.f32 v10, v6;
	v12 =	vadd.f32 v15, v12  }
0x8d: {  	v47 =	vld [tilespmem:s17+$0x2220];
	v19 =	vmul.f32 v25, v7;
	v11 =	vadd.f32 v11, v16;
	v16 =	vmul.f32 v22, v6  }
0x8e: {  	v18 =	vld [tilespmem:s17+$0x3260];
	v10 =	vadd.f32 v13, v10;
	v13 =	vmul.f32 v24, v6;
	v12 =	vadd.f32 v12, v59  }
0x8f: {  	v20 =	vld [tilespmem:s17+$0x3270];
	v16 =	vadd.f32 v17, v16;
	[tilespmem:s17+$0x4A30] =	vst v11;
	v11 =	vmul.f32 v26, v6;
	v17 =	vmul.f32 v27, v7  }
0x90: {  	v15 =	vld [tilespmem:s17+$0x3600];
	v10 =	vadd.f32 v10, v14;
	[tilespmem:s17+$0x4A40] =	vst v12;
	v12 =	vmul.f32 v28, v6;
	v14 =	vmul.f32 v29, v7  }
0x91: {  	v48 =	vld [tilespmem:s17+$0xA30];
	v22 =	vmul.f32 v31, v7;
	v11 =	vadd.f32 v17, v11;
	v17 =	vmul.f32 v30, v6  }
0x92: {  	v57 =	vmul.f32 v41, v7;
	v21 =	vld [tilespmem:s17+$0x3610];
	v13 =	vadd.f32 v19, v13;
	v12 =	vadd.f32 v14, v12  }
0x93: {  	v49 =	vld [tilespmem:s17+$0x2230];
	v14 =	vadd.f32 v16, v18;
	[tilespmem:s17+$0x4A50] =	vst v10;
	v10 =	vmul.f32 v32, v6;
	v16 =	vadd.f32 v22, v17  }
0x94: {  	v52 =	vld [tilespmem:s17+$0xA50];
	v17 =	vmul.f32 v33, v7;
	v13 =	vadd.f32 v13, v20;
	v20 =	vmul.f32 v35, v7  }
0x95: {  	v23 =	vld [tilespmem:s17+$0x3630];
	v22 =	vmul.f32 v37, v7;
	v11 =	vadd.f32 v11, v15;
	v15 =	vmul.f32 v40, v6;
	[tilespmem:s17+$0x4A60] =	vst v14  }
0x96: {  	v19 =	vld [tilespmem:s17+$0x3620];
	v14 =	vmul.f32 v34, v6;
	v10 =	vadd.f32 v17, v10;
	v17 =	vmul.f32 v36, v6;
	[tilespmem:s17+$0x4A70] =	vst v13  }
0x97: {  	v53 =	vld [tilespmem:s17+$0x2250];
	v13 =	vmul.f32 v38, v6;
	v12 =	vadd.f32 v12, v21;
	[tilespmem:s17+$0x4E00] =	vst v11;
	v11 =	vmul.f32 v42, v6  }
0x98: {  	v18 =	vld [tilespmem:s17+$0x3640];
	v25 =	vadd.f32 v57, v15;
	v15 =	vmul.f32 v45, v7;
	v21 =	vmul.f32 v48, v6  }
0x99: {  	v56 =	vld [tilespmem:s17+$0x3650];
	v20 =	vadd.f32 v20, v14;
	v17 =	vadd.f32 v22, v17;
	v14 =	vmul.f32 v39, v7  }
0x9a: {  	v55 =	vld [tilespmem:s17+$0x2260];
	[tilespmem:s17+$0x4E10] =	vst v12;
	v12 =	vmul.f32 v44, v6;
	v10 =	vadd.f32 v10, v23;
	v23 =	vmul.f32 v49, v7  }
0x9b: {  	v22 =	vld [tilespmem:s17+$0x3660];
	v58 =	vadd.f32 v14, v13;
	v13 =	vmul.f32 v43, v7;
	v14 =	vadd.f32 v16, v19  }
0x9c: {  	v59 =	vld [tilespmem:s17+$0x3670];
	v16 =	vmul.f32 v46, v6;
	v19 =	vmul.f32 v47, v7;
	v12 =	vadd.f32 v15, v12  }
0x9d: {  	v18 =	vadd.f32 v20, v18;
	[tilespmem:s17+$0x4E30] =	vst v10;
	v10 =	vmul.f32 v52, v6;
	v11 =	vadd.f32 v13, v11;
	v13 =	vld [tilespmem:s17+$0x3A00]  }
0x9e: {  	v24 =	vadd.f32 v17, v56;
	[tilespmem:s17+$0x4E20] =	vst v14;
	v14 =	vld [tilespmem:s17+$0x3A10];
	v16 =	vadd.f32 v19, v16;
	v19 =	vmul.f32 v53, v7  }
0x9f: {  	v63 =	vmul.f32 v55, v7;
	v15 =	vld [tilespmem:s17+$0x3A20];
	v20 =	vadd.f32 v23, v21;
	v21 =	vadd.f32 v61, v60  }
0xa0: {  	s19 =	simm.s32 $0x0;
	v17 =	vld [tilespmem:s17+$0x3A30];
	[tilespmem:s17+$0x4E40] =	vst v18;
	v23 =	vadd.f32 v19, v10;
	v19 =	vadd.f32 v58, v22  }
0xa1: {  	s18 =	simm.s32 $0x80;
	s4 =	smul.u32 $0xC00, s19;
	s19 =	simm.s32 $0x2;
	[tilespmem:s17+$0x4E50] =	vst v24;
	v18 =	vld [tilespmem:s17+$0x3A40];
	v10 =	vadd.f32 v63, v62;
	v22 =	vadd.f32 v25, v59  }
.LBB2_2:
0xa2: {  	p0 =	sne.s32 s19, $0xF;
	s5 =	sand.u32 $0x380, s18;
	[tilespmem:s17+$0x4E60] =	vst v19;
	v11 =	vadd.f32 v11, v13;
	v13 =	vld [tilespmem:s17+$0x3A50]  }
0xa3: {  	s4 =	sor.u32 s5, s4;
	[tilespmem:s17+$0x4E70] =	vst v22;
	v12 =	vadd.f32 v12, v14;
	v14 =	vld [tilespmem:s17+$0x3A60]  }
0xa4: {  	v19 =	vld [tilespmem:s4+$0xA70];
	[tilespmem:s17+$0x5200] =	vst v11;
	v11 =	vadd.f32 v16, v15  }
0xa5: {  	v15 =	vld [tilespmem:s4+$0x2270];
	[tilespmem:s17+$0x5210] =	vst v12;
	v12 =	vadd.f32 v20, v17  }
0xa6: {  	v16 =	vld [tilespmem:s4+$0x200];
	[tilespmem:s17+$0x5220] =	vst v11;
	v11 =	vadd.f32 v21, v18  }
0xa7: {  	v17 =	vld [tilespmem:s4+$0x1A00];
	[tilespmem:s17+$0x5230] =	vst v12;
	v12 =	vadd.f32 v23, v13  }
0xa8: {  	v13 =	vld [tilespmem:s4+$0x210];
	[tilespmem:s17+$0x5240] =	vst v11;
	v10 =	vadd.f32 v10, v14  }
0xa9: {  	v11 =	vld [tilespmem:s4+$0x3A70];
	[tilespmem:s17+$0x5250] =	vst v12  }
0xaa: {  	v14 =	vmul.f32 v19, v6;
	v12 =	vld [tilespmem:s4+$0x1A10];
	v15 =	vmul.f32 v15, v7;
	[tilespmem:s17+$0x5260] =	vst v10;
	s17 =	smov.u32 s4  }
0xab: {  	v10 =	vmul.f32 v16, v6;
	v16 =	vld [tilespmem:s17+$0x220]  }
0xac: {  	v17 =	vmul.f32 v17, v7;
	v18 =	vld [tilespmem:s17+$0x1A20];
	v14 =	vadd.f32 v15, v14  }
0xad: {  	v13 =	vmul.f32 v13, v6;
	v15 =	vld [tilespmem:s17+$0x230]  }
0xae: {  	v10 =	vadd.f32 v17, v10;
	v17 =	vld [tilespmem:s17+$0x1A30];
	v11 =	vadd.f32 v14, v11  }
0xaf: {  	v12 =	vmul.f32 v12, v7;
	v19 =	vld [tilespmem:s17+$0x240]  }
0xb0: {  	v14 =	vmul.f32 v16, v6;
	v16 =	vld [tilespmem:s17+$0x1A40];
	[tilespmem:s17+$0x5270] =	vst v11  }
0xb1: {  	v13 =	vadd.f32 v12, v13;
	v11 =	vmul.f32 v18, v7;
	v12 =	vld [tilespmem:s17+$0x250]  }
0xb2: {  	v15 =	vmul.f32 v15, v6;
	v18 =	vld [tilespmem:s17+$0x1A50]  }
0xb3: {  	v14 =	vadd.f32 v11, v14;
	v11 =	vmul.f32 v17, v7;
	v20 =	vld [tilespmem:s17+$0x260]  }
0xb4: {  	v17 =	vmul.f32 v19, v6;
	v19 =	vld [tilespmem:s17+$0x1A60]  }
0xb5: {  	v15 =	vadd.f32 v11, v15;
	v11 =	vmul.f32 v16, v7;
	v16 =	vld [tilespmem:s17+$0x270]  }
0xb6: {  	v12 =	vmul.f32 v12, v6;
	v21 =	vld [tilespmem:s17+$0x1A70]  }
0xb7: {  	v17 =	vadd.f32 v11, v17;
	v11 =	vmul.f32 v18, v7;
	v22 =	vld [tilespmem:s17+$0x600]  }
0xb8: {  	v20 =	vmul.f32 v20, v6;
	v23 =	vld [tilespmem:s17+$0x1E00]  }
0xb9: {  	v18 =	vadd.f32 v11, v12;
	v11 =	vmul.f32 v19, v7;
	v12 =	vld [tilespmem:s17+$0x610]  }
0xba: {  	v16 =	vmul.f32 v16, v6;
	v24 =	vld [tilespmem:s17+$0x1E10]  }
0xbb: {  	v19 =	vadd.f32 v11, v20;
	v11 =	vmul.f32 v21, v7;
	v20 =	vld [tilespmem:s17+$0x620]  }
0xbc: {  	v21 =	vmul.f32 v22, v6;
	v25 =	vld [tilespmem:s17+$0x1E20]  }
0xbd: {  	v22 =	vadd.f32 v11, v16;
	v11 =	vmul.f32 v23, v7;
	v16 =	vld [tilespmem:s17+$0x630]  }
0xbe: {  	v12 =	vmul.f32 v12, v6;
	v23 =	vld [tilespmem:s17+$0x1E30]  }
0xbf: {  	v26 =	vadd.f32 v11, v21;
	v11 =	vmul.f32 v24, v7;
	v21 =	vld [tilespmem:s17+$0x640]  }
0xc0: {  	v20 =	vmul.f32 v20, v6;
	v24 =	vld [tilespmem:s17+$0x1E40]  }
0xc1: {  	v27 =	vadd.f32 v11, v12;
	v11 =	vmul.f32 v25, v7;
	v12 =	vld [tilespmem:s17+$0x650]  }
0xc2: {  	v16 =	vmul.f32 v16, v6;
	v25 =	vld [tilespmem:s17+$0x1E50]  }
0xc3: {  	v28 =	vadd.f32 v11, v20;
	v11 =	vmul.f32 v23, v7;
	v20 =	vld [tilespmem:s17+$0x660]  }
0xc4: {  	v21 =	vmul.f32 v21, v6;
	v23 =	vld [tilespmem:s17+$0x1E60]  }
0xc5: {  	v29 =	vadd.f32 v11, v16;
	v11 =	vmul.f32 v24, v7;
	v16 =	vld [tilespmem:s17+$0x670]  }
0xc6: {  	v12 =	vmul.f32 v12, v6;
	v24 =	vld [tilespmem:s17+$0x1E70]  }
0xc7: {  	v30 =	vadd.f32 v11, v21;
	v11 =	vmul.f32 v25, v7;
	v21 =	vld [tilespmem:s17+$0xA00]  }
0xc8: {  	v20 =	vmul.f32 v20, v6;
	v25 =	vld [tilespmem:s17+$0x2200]  }
0xc9: {  	v31 =	vadd.f32 v11, v12;
	v11 =	vmul.f32 v23, v7;
	v12 =	vld [tilespmem:s17+$0xA10]  }
0xca: {  	v16 =	vmul.f32 v16, v6;
	v23 =	vld [tilespmem:s17+$0x2210]  }
0xcb: {  	v32 =	vadd.f32 v11, v20;
	v11 =	vmul.f32 v24, v7;
	v20 =	vld [tilespmem:s17+$0xA20]  }
0xcc: {  	v21 =	vmul.f32 v21, v6;
	v24 =	vld [tilespmem:s17+$0x2220]  }
0xcd: {  	v33 =	vadd.f32 v11, v16;
	v11 =	vmul.f32 v25, v7;
	v16 =	vld [tilespmem:s17+$0xA30]  }
0xce: {  	v12 =	vmul.f32 v12, v6;
	v25 =	vld [tilespmem:s17+$0x2230]  }
0xcf: {  	v11 =	vadd.f32 v11, v21;
	v21 =	vmul.f32 v23, v7;
	v23 =	vld [tilespmem:s17+$0xA40]  }
0xd0: {  	v20 =	vmul.f32 v20, v6;
	v34 =	vld [tilespmem:s17+$0x2240]  }
0xd1: {  	v12 =	vadd.f32 v21, v12;
	v21 =	vmul.f32 v24, v7;
	v24 =	vld [tilespmem:s17+$0xA50]  }
0xd2: {  	v35 =	vmul.f32 v16, v6;
	v36 =	vld [tilespmem:s17+$0x2250]  }
0xd3: {  	v16 =	vadd.f32 v21, v20;
	v20 =	vmul.f32 v25, v7;
	v25 =	vld [tilespmem:s17+$0xA60]  }
0xd4: {  	v21 =	vmul.f32 v23, v6;
	v37 =	vld [tilespmem:s17+$0x2260]  }
0xd5: {  	v38 =	vld [tilespmem:s17+$0x3200];
	v20 =	vadd.f32 v20, v35;
	v23 =	vmul.f32 v34, v7  }
0xd6: {  	v34 =	vld [tilespmem:s17+$0x3210];
	v24 =	vmul.f32 v24, v6  }
0xd7: {  	v35 =	vld [tilespmem:s17+$0x3220];
	v21 =	vadd.f32 v23, v21;
	v23 =	vmul.f32 v36, v7  }
0xd8: {  	v36 =	vld [tilespmem:s17+$0x3230];
	v25 =	vmul.f32 v25, v6  }
0xd9: {  	v39 =	vld [tilespmem:s17+$0x3240];
	v23 =	vadd.f32 v23, v24;
	v24 =	vmul.f32 v37, v7  }
0xda: {  	v37 =	vadd.f32 v10, v38;
	v38 =	vld [tilespmem:s17+$0x3250]  }
0xdb: {  	v13 =	vadd.f32 v13, v34;
	v34 =	vld [tilespmem:s17+$0x3260];
	v10 =	vadd.f32 v24, v25  }
0xdc: {  	[tilespmem:s17+$0x4A00] =	vst v37;
	v14 =	vadd.f32 v14, v35;
	v24 =	vld [tilespmem:s17+$0x3270]  }
0xdd: {  	[tilespmem:s17+$0x4A10] =	vst v13;
	v13 =	vadd.f32 v15, v36;
	v15 =	vld [tilespmem:s17+$0x3600]  }
0xde: {  	[tilespmem:s17+$0x4A20] =	vst v14;
	v14 =	vadd.f32 v17, v39;
	v17 =	vld [tilespmem:s17+$0x3610]  }
0xdf: {  	[tilespmem:s17+$0x4A30] =	vst v13;
	v13 =	vadd.f32 v18, v38;
	v18 =	vld [tilespmem:s17+$0x3620]  }
0xe0: {  	[tilespmem:s17+$0x4A40] =	vst v14;
	v14 =	vadd.f32 v19, v34;
	v19 =	vld [tilespmem:s17+$0x3630]  }
0xe1: {  	[tilespmem:s17+$0x4A50] =	vst v13;
	v13 =	vadd.f32 v22, v24;
	v22 =	vld [tilespmem:s17+$0x3640]  }
0xe2: {  	[tilespmem:s17+$0x4A60] =	vst v14;
	v14 =	vadd.f32 v26, v15;
	v15 =	vld [tilespmem:s17+$0x3650]  }
0xe3: {  	[tilespmem:s17+$0x4A70] =	vst v13;
	v13 =	vadd.f32 v27, v17;
	v17 =	vld [tilespmem:s17+$0x3660]  }
0xe4: {  	[tilespmem:s17+$0x4E00] =	vst v14;
	v14 =	vadd.f32 v28, v18;
	v18 =	vld [tilespmem:s17+$0x3670]  }
.Ltmp0:
0xe5: {  	[tilespmem:s17+$0x4E10] =	vst v13;
	v19 =	vadd.f32 v29, v19;
	v13 =	vld [tilespmem:s17+$0x3A00];
	(pc) =	sbr.rel @p0 .LBB2_2-.Ltmp0, $4  }
0xe6: {  	[tilespmem:s17+$0x4E20] =	vst v14;
	v22 =	vadd.f32 v30, v22;
	v14 =	vld [tilespmem:s17+$0x3A10]  }
0xe7: {  	[tilespmem:s17+$0x4E30] =	vst v19;
	v24 =	vadd.f32 v31, v15;
	v15 =	vld [tilespmem:s17+$0x3A20]  }
0xe8: {  	s4 =	sshrl.u32 s19, $0x3;
	[tilespmem:s17+$0x4E40] =	vst v22;
	v19 =	vadd.f32 v32, v17;
	v17 =	vld [tilespmem:s17+$0x3A30]  }
0xe9: {  	s18 =	sadd.s32 $0x80, s18;
	s19 =	sadd.s32 $0x1, s19;
	s4 =	smul.u32 $0xC00, s4;
	[tilespmem:s17+$0x4E50] =	vst v24;
	v22 =	vadd.f32 v33, v18;
	v18 =	vld [tilespmem:s17+$0x3A40]  }
0xea: {  	[tilespmem:s17+$0x4E60] =	vst v19;
	v19 =	vld [tilespmem:s17+$0x3A50];
	s5 =	sand.u32 $0x380, s18;
	v11 =	vadd.f32 v11, v13  }
0xeb: {  	v13 =	vld [tilespmem:s17+$0x3A60];
	[tilespmem:s17+$0x4E70] =	vst v22;
	s18 =	sor.u32 s5, s4;
	v12 =	vadd.f32 v12, v14  }
0xec: {  	v22 =	vld [tilespmem:s18+$0xA70];
	[tilespmem:s17+$0x5200] =	vst v11;
	v14 =	vadd.f32 v16, v15  }
0xed: {  	v11 =	vld [tilespmem:s18+$0x2270];
	[tilespmem:s17+$0x5210] =	vst v12;
	v15 =	vadd.f32 v20, v17  }
0xee: {  	v12 =	vld [tilespmem:s18+$0x200];
	[tilespmem:s17+$0x5220] =	vst v14;
	v16 =	vadd.f32 v21, v18  }
0xef: {  	v14 =	vld [tilespmem:s18+$0x1A00];
	[tilespmem:s17+$0x5230] =	vst v15;
	v17 =	vadd.f32 v23, v19  }
0xf0: {  	v10 =	vadd.f32 v10, v13;
	v15 =	vld [tilespmem:s18+$0x210];
	[tilespmem:s17+$0x5240] =	vst v16  }
0xf1: {  	v16 =	vld [tilespmem:s18+$0x3A70];
	[tilespmem:s17+$0x5250] =	vst v17  }
0xf2: {  	v13 =	vld [tilespmem:s18+$0x1A10];
	[tilespmem:s17+$0x5260] =	vst v10  }
0xf3: {  	v10 =	vld [tilespmem:s18+$0x220]  }
0xf4: {  	v17 =	vld [tilespmem:s18+$0x1A20]  }
0xf5: {  	v18 =	vld [tilespmem:s18+$0x230]  }
0xf6: {  	v19 =	vld [tilespmem:s18+$0x1A30]  }
0xf7: {  	v20 =	vld [tilespmem:s18+$0x240]  }
0xf8: {  	v21 =	vld [tilespmem:s18+$0x1A40]  }
0xf9: {  	v23 =	vld [tilespmem:s18+$0x250]  }
0xfa: {  	v24 =	vld [tilespmem:s18+$0x1A50]  }
0xfb: {  	v25 =	vld [tilespmem:s18+$0x260]  }
0xfc: {  	v26 =	vld [tilespmem:s18+$0x1A60]  }
0xfd: {  	v27 =	vld [tilespmem:s18+$0x270]  }
0xfe: {  	v28 =	vld [tilespmem:s18+$0x1A70]  }
0xff: {  	v29 =	vld [tilespmem:s18+$0x600]  }
0x100: {  	v30 =	vld [tilespmem:s18+$0x1E00]  }
0x101: {  	v31 =	vld [tilespmem:s18+$0x610]  }
0x102: {  	v32 =	vld [tilespmem:s18+$0x1E10]  }
0x103: {  	v33 =	vld [tilespmem:s18+$0x620]  }
0x104: {  	v34 =	vld [tilespmem:s18+$0x1E20]  }
0x105: {  	v35 =	vld [tilespmem:s18+$0x630]  }
0x106: {  	v36 =	vld [tilespmem:s18+$0x1E30]  }
0x107: {  	v37 =	vld [tilespmem:s18+$0x640]  }
0x108: {  	v38 =	vld [tilespmem:s18+$0x1E40]  }
0x109: {  	v39 =	vld [tilespmem:s18+$0x650]  }
0x10a: {  	v40 =	vld [tilespmem:s18+$0x1E50]  }
0x10b: {  	v41 =	vld [tilespmem:s18+$0x660]  }
0x10c: {  	v42 =	vld [tilespmem:s18+$0x1E60]  }
0x10d: {  	v43 =	vld [tilespmem:s18+$0x670]  }
0x10e: {  	v44 =	vld [tilespmem:s18+$0x1E70]  }
0x10f: {  	v45 =	vld [tilespmem:s18+$0xA00]  }
0x110: {  	v46 =	vld [tilespmem:s18+$0x2200]  }
0x111: {  	v47 =	vld [tilespmem:s18+$0xA10]  }
0x112: {  	v48 =	vld [tilespmem:s18+$0x2210]  }
0x113: {  	v49 =	vld [tilespmem:s18+$0xA20]  }
0x114: {  	v50 =	vld [tilespmem:s18+$0x2220]  }
0x115: {  	v22 =	vmul.f32 v22, v6;
	v11 =	vmul.f32 v11, v7;
	v51 =	vld [tilespmem:s18+$0xA30]  }
0x116: {  	v52 =	vld [tilespmem:s18+$0x2230];
	v12 =	vmul.f32 v12, v6;
	v14 =	vmul.f32 v14, v7  }
0x117: {  	v53 =	vld [tilespmem:s18+$0xA40];
	v11 =	vadd.f32 v11, v22;
	v15 =	vmul.f32 v15, v6  }
0x118: {  	v60 =	vld [tilespmem:s18+$0x3200];
	v12 =	vadd.f32 v14, v12;
	v13 =	vmul.f32 v13, v7;
	v10 =	vmul.f32 v10, v6  }
0x119: {  	v62 =	vld [tilespmem:s18+$0x3210];
	v11 =	vadd.f32 v11, v16;
	v14 =	vmul.f32 v17, v7;
	v16 =	vmul.f32 v18, v6  }
0x11a: {  	v56 =	vld [tilespmem:s18+$0x3240];
	v18 =	vmul.f32 v19, v7;
	v59 =	vmul.f32 v26, v7  }
0x11b: {  	v22 =	vld [tilespmem:s18+$0x2240];
	v61 =	vmul.f32 v28, v7;
	v63 =	vmul.f32 v30, v7  }
0x11c: {  	v17 =	vld [tilespmem:s18+$0xA50];
	v54 =	vmul.f32 v31, v6;
	v55 =	vmul.f32 v32, v7  }
0x11d: {  	v19 =	vld [tilespmem:s18+$0x2250];
	v57 =	vmul.f32 v33, v6;
	v58 =	vmul.f32 v34, v7;
	v12 =	vadd.f32 v12, v60  }
0x11e: {  	v30 =	vld [tilespmem:s18+$0x3220];
	v60 =	vmul.f32 v35, v6;
	v39 =	vmul.f32 v39, v6;
	v13 =	vadd.f32 v13, v15  }
0x11f: {  	v15 =	vmul.f32 v20, v6;
	v20 =	vmul.f32 v21, v7;
	v21 =	vld [tilespmem:s18+$0xA60];
	v10 =	vadd.f32 v14, v10  }
0x120: {  	v14 =	vmul.f32 v23, v6;
	v16 =	vadd.f32 v18, v16;
	v18 =	vmul.f32 v25, v6;
	v25 =	vld [tilespmem:s18+$0x3230]  }
0x121: {  	v23 =	vmul.f32 v24, v7;
	v24 =	vld [tilespmem:s18+$0x2260];
	v15 =	vadd.f32 v20, v15;
	v20 =	vmul.f32 v27, v6  }
0x122: {  	v40 =	vmul.f32 v40, v7;
	v41 =	vmul.f32 v41, v6;
	v18 =	vadd.f32 v59, v18;
	v59 =	vld [tilespmem:s18+$0x3250]  }
0x123: {  	[tilespmem:s18+$0x5270] =	vst v11;
	v42 =	vmul.f32 v42, v7;
	v13 =	vadd.f32 v13, v62;
	v20 =	vadd.f32 v61, v20;
	v61 =	vld [tilespmem:s18+$0x3260]  }
0x124: {  	v43 =	vmul.f32 v43, v6;
	v44 =	vmul.f32 v44, v7;
	[tilespmem:s18+$0x4A00] =	vst v12;
	v12 =	vld [tilespmem:s18+$0x3270];
	v10 =	vadd.f32 v10, v30  }
0x125: {  	v46 =	vmul.f32 v46, v7;
	v14 =	vadd.f32 v23, v14;
	[tilespmem:s18+$0x4A10] =	vst v13;
	v13 =	vadd.f32 v16, v25;
	v16 =	vld [tilespmem:s18+$0x3600]  }
0x126: {  	v11 =	vadd.f32 v55, v54;
	v23 =	vmul.f32 v29, v6;
	[tilespmem:s18+$0x4A20] =	vst v10;
	v10 =	vadd.f32 v15, v56;
	v15 =	vld [tilespmem:s18+$0x3610]  }
0x127: {  	v22 =	vmul.f32 v22, v7;
	v62 =	vadd.f32 v58, v57;
	[tilespmem:s18+$0x4A30] =	vst v13;
	v13 =	vadd.f32 v14, v59;
	v14 =	vld [tilespmem:s18+$0x3620]  }
0x128: {  	v54 =	vmul.f32 v47, v6;
	v23 =	vadd.f32 v63, v23;
	[tilespmem:s18+$0x4A40] =	vst v10;
	v10 =	vadd.f32 v18, v61;
	v18 =	vld [tilespmem:s18+$0x3630]  }
0x129: {  	v27 =	vadd.f32 v40, v39;
	v63 =	vmul.f32 v36, v7;
	v12 =	vadd.f32 v20, v12;
	[tilespmem:s18+$0x4A50] =	vst v13;
	v13 =	vld [tilespmem:s18+$0x3640]  }
0x12a: {  	v36 =	vmul.f32 v37, v6;
	v37 =	vmul.f32 v38, v7;
	[tilespmem:s18+$0x4A60] =	vst v10;
	v10 =	vadd.f32 v23, v16;
	v16 =	vld [tilespmem:s18+$0x3650]  }
0x12b: {  	v55 =	vmul.f32 v48, v7;
	v38 =	vadd.f32 v63, v60;
	[tilespmem:s18+$0x4A70] =	vst v12;
	v12 =	vld [tilespmem:s18+$0x3660];
	v11 =	vadd.f32 v11, v15  }
0x12c: {  	v57 =	vmul.f32 v50, v7;
	v30 =	vadd.f32 v37, v36;
	[tilespmem:s18+$0x4E00] =	vst v10;
	v10 =	vadd.f32 v62, v14;
	v14 =	vld [tilespmem:s18+$0x3670]  }
0x12d: {  	v58 =	vmul.f32 v51, v6;
	v26 =	vadd.f32 v55, v54;
	[tilespmem:s18+$0x4E10] =	vst v11;
	v11 =	vadd.f32 v38, v18;
	v18 =	vld [tilespmem:s18+$0x3A00]  }
0x12e: {  	v20 =	vadd.f32 v42, v41;
	v23 =	vmul.f32 v45, v6;
	[tilespmem:s18+$0x4E20] =	vst v10;
	v10 =	vadd.f32 v30, v13;
	v13 =	vld [tilespmem:s18+$0x3A10]  }
0x12f: {  	v17 =	vmul.f32 v17, v6;
	v15 =	vadd.f32 v44, v43;
	[tilespmem:s18+$0x4E30] =	vst v11;
	v11 =	vadd.f32 v27, v16;
	v16 =	vld [tilespmem:s18+$0x3A20]  }
0x130: {  	v56 =	vmul.f32 v49, v6;
	v23 =	vadd.f32 v46, v23;
	[tilespmem:s18+$0x4E40] =	vst v10;
	v10 =	vadd.f32 v20, v12;
	v12 =	vld [tilespmem:s18+$0x3A30]  }
0x131: {  	v19 =	vmul.f32 v19, v7;
	v59 =	vmul.f32 v52, v7;
	[tilespmem:s18+$0x4E50] =	vst v11;
	v11 =	vadd.f32 v15, v14;
	v14 =	vld [tilespmem:s18+$0x3A40]  }
0x132: {  	v25 =	vadd.f32 v57, v56;
	v20 =	vmul.f32 v53, v6;
	[tilespmem:s18+$0x4E60] =	vst v10;
	v10 =	vadd.f32 v23, v18;
	v18 =	vld [tilespmem:s18+$0x3A50]  }
0x133: {  	v21 =	vmul.f32 v21, v6;
	v15 =	vadd.f32 v59, v58;
	[tilespmem:s18+$0x4E70] =	vst v11;
	v11 =	vadd.f32 v26, v13;
	v13 =	vld [tilespmem:s18+$0x3A60]  }
0x134: {  	v20 =	vadd.f32 v22, v20;
	v22 =	vmul.f32 v24, v7;
	[tilespmem:s18+$0x5200] =	vst v10;
	v10 =	vadd.f32 v25, v16  }
0x135: {  	v16 =	vadd.f32 v19, v17;
	[tilespmem:s18+$0x5210] =	vst v11;
	v11 =	vadd.f32 v15, v12  }
0x136: {  	v12 =	vadd.f32 v22, v21;
	[tilespmem:s18+$0x5220] =	vst v10;
	v10 =	vadd.f32 v20, v14  }
0x137: {  	[tilespmem:s18+$0x5230] =	vst v11;
	v11 =	vadd.f32 v16, v18  }
0x138: {  	[tilespmem:s18+$0x5240] =	vst v10;
	v10 =	vadd.f32 v12, v13  }
0x139: {  	[tilespmem:s18+$0x5250] =	vst v11  }
0x13a: {  	s17 =	simm.s32 $0x0;
	[tilespmem:s18+$0x5260] =	vst v10  }
0x13b: {  	[hbm4b:s10+s17] =	stream.linear.scatter [tilespmem:s0], [sflag:$0x3], $0x1800, $0x38;
	[tilespmem:$0x6200] =	vst v63  }
0x13c: {  	_ =	swait.ge [sflag:s16], $0x1800  }
0x13d: {  	[sflag:s16] =	ssyncset.done $0x0  }
0x13e: {  	v10 =	vadd.s32 v1, v8;
	[sflag:s16] =	ssyncadd.s32 $0xFFFFE800  }
0x13f: {  	[tilespmem:$0x100] =	vst v10  }
0x140: {  	v10 =	vld [tilespmem:$0x100];
	_ =	sdelay $0x4  }
0x141: {  	v11 =	vshrl.u32 v10, $0x3  }
0x142: {  	v11 =	vmul.u32 $0x18, v11  }
0x143: {  	v10 =	vand.u32 $0x7, v10  }
0x144: {  	v10 =	vor.u32 v10, v11  }
0x145: {  	v11 =	vperm.xlane v10, v3;
	_ =	sdelay $0x1  }
0x146: {  	v11 =	vadd.s32 v4, v11;
	_ =	sdelay $0x1  }
0x147: {  	v10 =	vperm.xlane v10, v5  }
0x148: {  	v12 =	vadd.s32 v1, v9  }
0x149: {  	[tilespmem:$0x180] =	vst v12;
	v10 =	vadd.s32 v4, v10  }
0x14a: {  	[tilespmem:s20], [sflag:$0x1] =	stream.indirect_vreg.gather [hbm4b:s1+s17], $0x80, v11, vm0, $0xb8;
	[tilespmem:$0x6200] =	vst v63  }
0x14b: {  	_ = 	snop  }
0x14c: {  	[tilespmem:s21], [sflag:$0x1] =	stream.indirect_vreg.gather [hbm4b:s8+s17], $0x80, v11, vm1, $0xb8;
	[tilespmem:$0x6200] =	vst v63  }
0x14d: {  	_ = 	snop  }
0x14e: {  	[tilespmem:s22], [sflag:$0x1] =	stream.indirect_vreg.gather [hbm4b:s1+s17], $0x80, v10, vm0, $0xb8;
	[tilespmem:$0x6200] =	vst v63  }
0x14f: {  	_ = 	snop  }
0x150: {  	[tilespmem:s23], [sflag:$0x1] =	stream.indirect_vreg.gather [hbm4b:s8+s17], $0x80, v10, vm1, $0xb8;
	[tilespmem:$0x6200] =	vst v63  }
0x151: {  	v10 =	vld [tilespmem:$0x180];
	_ =	sdelay $0x4  }
0x152: {  	v11 =	vshrl.u32 v10, $0x3  }
0x153: {  	v11 =	vmul.u32 $0x18, v11  }
0x154: {  	v10 =	vand.u32 $0x7, v10  }
0x155: {  	v10 =	vor.u32 v10, v11  }
0x156: {  	v11 =	vperm.xlane v10, v3;
	_ =	sdelay $0x1  }
0x157: {  	v11 =	vadd.s32 v4, v11;
	_ =	sdelay $0x1  }
0x158: {  	v10 =	vperm.xlane v10, v5;
	_ =	sdelay $0x1  }
0x159: {  	v10 =	vadd.s32 v4, v10  }
0x15a: {  	[tilespmem:s24], [sflag:$0x2] =	stream.indirect_vreg.gather [hbm4b:s1+s17], $0x80, v11, vm0, $0xb8;
	[tilespmem:$0x6200] =	vst v63  }
0x15b: {  	_ = 	snop  }
0x15c: {  	[tilespmem:s25], [sflag:$0x2] =	stream.indirect_vreg.gather [hbm4b:s8+s17], $0x80, v11, vm1, $0xb8;
	[tilespmem:$0x6200] =	vst v63  }
0x15d: {  	_ = 	snop  }
0x15e: {  	[tilespmem:s26], [sflag:$0x2] =	stream.indirect_vreg.gather [hbm4b:s1+s17], $0x80, v10, vm0, $0xb8;
	[tilespmem:$0x6200] =	vst v63  }
0x15f: {  	_ = 	snop  }
0x160: {  	[tilespmem:s28], [sflag:$0x2] =	stream.indirect_vreg.gather [hbm4b:s8+s17], $0x80, v10, vm1, $0xb8;
	[tilespmem:$0x6200] =	vst v63  }
0x161: {  	_ = 	snop  }
0x162: {  	[tilespmem:s29], [sflag:$0x3] =	stream.linear.gather [hbm4b:s11+s17], $0x1800, $0x38;
	[tilespmem:$0x6200] =	vst v63  }
0x163: {  	_ =	swait.ge [sflag:s16], $0x1800  }
0x164: {  	[sflag:s16] =	ssyncset.done $0x0  }
0x165: {  	[sflag:s16] =	ssyncadd.s32 $0xFFFFE800  }
0x166: {  	_ =	swait.ge [sflag:s30], $0x1800  }
0x167: {  	[sflag:s30] =	ssyncset.done $0x0  }
0x168: {  	s18 =	simm.s32 $0x0;
	[sflag:s30] =	ssyncadd.s32 $0xFFFFE800  }
0x169: {  	s5 =	smul.u32 $0xC00, s18;
	_ =	swait.ge [sflag:s31], $0x1800  }
0x16a: {  	s4 =	sand.u32 $0x380, s17;
	[sflag:s31] =	ssyncset.done $0x0  }
0x16b: {  	s17 =	sor.u32 s4, s5;
	[sflag:s31] =	ssyncadd.s32 $0xFFFFE800  }
0x16c: {  	v10 =	vld [tilespmem:s17+$0xA70]  }
0x16d: {  	v11 =	vld [tilespmem:s17+$0x2270]  }
0x16e: {  	v12 =	vld [tilespmem:s17+$0x200]  }
0x16f: {  	v13 =	vld [tilespmem:s17+$0x1A00]  }
0x170: {  	v14 =	vld [tilespmem:s17+$0x210]  }
0x171: {  	v15 =	vld [tilespmem:s17+$0x3A70]  }
0x172: {  	v16 =	vld [tilespmem:s17+$0x1A10]  }
0x173: {  	v17 =	vld [tilespmem:s17+$0x220]  }
0x174: {  	v18 =	vld [tilespmem:s17+$0x1A20]  }
0x175: {  	v19 =	vld [tilespmem:s17+$0x1A30]  }
0x176: {  	v20 =	vld [tilespmem:s17+$0x1A40]  }
0x177: {  	v21 =	vld [tilespmem:s17+$0x1A50]  }
0x178: {  	v22 =	vld [tilespmem:s17+$0x260]  }
0x179: {  	v23 =	vld [tilespmem:s17+$0x1A60]  }
0x17a: {  	v24 =	vld [tilespmem:s17+$0x270]  }
0x17b: {  	v25 =	vld [tilespmem:s17+$0x1A70]  }
0x17c: {  	v26 =	vld [tilespmem:s17+$0x600]  }
0x17d: {  	v27 =	vld [tilespmem:s17+$0x1E00]  }
0x17e: {  	v28 =	vld [tilespmem:s17+$0x610]  }
0x17f: {  	v29 =	vld [tilespmem:s17+$0x1E10]  }
0x180: {  	v30 =	vld [tilespmem:s17+$0x620]  }
0x181: {  	v31 =	vld [tilespmem:s17+$0x1E20]  }
0x182: {  	v32 =	vld [tilespmem:s17+$0x630]  }
0x183: {  	v33 =	vld [tilespmem:s17+$0x1E30]  }
0x184: {  	v34 =	vld [tilespmem:s17+$0x640]  }
0x185: {  	v35 =	vld [tilespmem:s17+$0x1E40]  }
0x186: {  	v36 =	vld [tilespmem:s17+$0x650]  }
0x187: {  	v37 =	vld [tilespmem:s17+$0x1E50]  }
0x188: {  	v38 =	vld [tilespmem:s17+$0x660]  }
0x189: {  	v39 =	vld [tilespmem:s17+$0x1E60]  }
0x18a: {  	v40 =	vld [tilespmem:s17+$0x670]  }
0x18b: {  	v41 =	vld [tilespmem:s17+$0x1E70]  }
0x18c: {  	v42 =	vld [tilespmem:s17+$0xA00]  }
0x18d: {  	v43 =	vld [tilespmem:s17+$0x2200]  }
0x18e: {  	v44 =	vld [tilespmem:s17+$0xA10]  }
0x18f: {  	v60 =	vld [tilespmem:s17+$0xA40]  }
0x190: {  	v61 =	vld [tilespmem:s17+$0x2240]  }
0x191: {  	v56 =	vld [tilespmem:s17+$0x3200];
	v10 =	vmul.f32 v10, v6;
	v11 =	vmul.f32 v11, v7  }
0x192: {  	v57 =	vld [tilespmem:s17+$0x3210];
	v12 =	vmul.f32 v12, v6  }
0x193: {  	v58 =	vld [tilespmem:s17+$0x3220];
	v13 =	vmul.f32 v13, v7;
	v14 =	vmul.f32 v14, v6;
	v10 =	vadd.f32 v11, v10  }
0x194: {  	v17 =	vmul.f32 v17, v6;
	v18 =	vmul.f32 v18, v7;
	v11 =	vld [tilespmem:s17+$0x230]  }
0x195: {  	v12 =	vadd.f32 v13, v12;
	v13 =	vmul.f32 v16, v7;
	v10 =	vadd.f32 v10, v15;
	v15 =	vld [tilespmem:s17+$0x240]  }
0x196: {  	v45 =	vld [tilespmem:s17+$0x2210];
	v17 =	vadd.f32 v18, v17  }
0x197: {  	v13 =	vadd.f32 v13, v14;
	v12 =	vadd.f32 v12, v56;
	[tilespmem:s17+$0x5270] =	vst v10;
	v10 =	vld [tilespmem:s17+$0x250]  }
0x198: {  	v19 =	vmul.f32 v19, v7;
	v60 =	vmul.f32 v60, v6;
	v16 =	vld [tilespmem:s17+$0x3230];
	v17 =	vadd.f32 v17, v58  }
0x199: {  	v59 =	vld [tilespmem:s17+$0x3240];
	v61 =	vmul.f32 v61, v7;
	v13 =	vadd.f32 v13, v57;
	[tilespmem:s17+$0x4A00] =	vst v12;
	v11 =	vmul.f32 v11, v6  }
0x19a: {  	v46 =	vld [tilespmem:s17+$0xA20];
	[tilespmem:s17+$0x4A20] =	vst v17;
	v12 =	vmul.f32 v15, v6;
	v15 =	vmul.f32 v20, v7  }
0x19b: {  	v14 =	vld [tilespmem:s17+$0x3250];
	v17 =	vmul.f32 v23, v7;
	[tilespmem:s17+$0x4A10] =	vst v13;
	v13 =	vmul.f32 v21, v7;
	v11 =	vadd.f32 v19, v11  }
0x19c: {  	v47 =	vld [tilespmem:s17+$0x2220];
	v19 =	vmul.f32 v25, v7;
	v10 =	vmul.f32 v10, v6;
	v12 =	vadd.f32 v15, v12  }
0x19d: {  	v18 =	vld [tilespmem:s17+$0x3260];
	v11 =	vadd.f32 v11, v16;
	v16 =	vmul.f32 v22, v6;
	v22 =	vmul.f32 v31, v7  }
0x19e: {  	v48 =	vld [tilespmem:s17+$0xA30];
	v10 =	vadd.f32 v13, v10;
	v13 =	vmul.f32 v24, v6;
	v12 =	vadd.f32 v12, v59  }
0x19f: {  	v20 =	vld [tilespmem:s17+$0x3270];
	v16 =	vadd.f32 v17, v16;
	[tilespmem:s17+$0x4A30] =	vst v11;
	v11 =	vmul.f32 v26, v6;
	v17 =	vmul.f32 v27, v7  }
0x1a0: {  	v15 =	vld [tilespmem:s17+$0x3600];
	v10 =	vadd.f32 v10, v14;
	[tilespmem:s17+$0x4A40] =	vst v12;
	v12 =	vmul.f32 v28, v6;
	v14 =	vmul.f32 v29, v7  }
0x1a1: {  	v49 =	vld [tilespmem:s17+$0x2230];
	v13 =	vadd.f32 v19, v13;
	v11 =	vadd.f32 v17, v11;
	v17 =	vmul.f32 v30, v6  }
0x1a2: {  	v57 =	vmul.f32 v41, v7;
	v21 =	vld [tilespmem:s17+$0x3610];
	v12 =	vadd.f32 v14, v12;
	v14 =	vadd.f32 v16, v18  }
0x1a3: {  	v62 =	vld [tilespmem:s17+$0xA50];
	[tilespmem:s17+$0x4A50] =	vst v10;
	v10 =	vmul.f32 v32, v6;
	v16 =	vadd.f32 v22, v17;
	v17 =	vmul.f32 v33, v7  }
0x1a4: {  	v63 =	vld [tilespmem:s17+$0x2250];
	v13 =	vadd.f32 v13, v20;
	v20 =	vmul.f32 v35, v7;
	v22 =	vmul.f32 v37, v7  }
0x1a5: {  	v23 =	vld [tilespmem:s17+$0x3630];
	v11 =	vadd.f32 v11, v15;
	v15 =	vmul.f32 v40, v6;
	[tilespmem:s17+$0x4A60] =	vst v14;
	v14 =	vmul.f32 v34, v6  }
0x1a6: {  	v19 =	vld [tilespmem:s17+$0x3620];
	v10 =	vadd.f32 v17, v10;
	v17 =	vmul.f32 v36, v6;
	[tilespmem:s17+$0x4A70] =	vst v13;
	v13 =	vmul.f32 v38, v6  }
0x1a7: {  	v18 =	vld [tilespmem:s17+$0x3640];
	v12 =	vadd.f32 v12, v21;
	[tilespmem:s17+$0x4E00] =	vst v11;
	v11 =	vmul.f32 v42, v6;
	v25 =	vadd.f32 v57, v15  }
0x1a8: {  	v54 =	vld [tilespmem:s17+$0xA60];
	v15 =	vmul.f32 v45, v7;
	v20 =	vadd.f32 v20, v14;
	v14 =	vmul.f32 v39, v7  }
0x1a9: {  	v56 =	vld [tilespmem:s17+$0x3650];
	v21 =	vmul.f32 v48, v6;
	v17 =	vadd.f32 v22, v17;
	[tilespmem:s17+$0x4E10] =	vst v12;
	v12 =	vmul.f32 v44, v6  }
0x1aa: {  	v55 =	vld [tilespmem:s17+$0x2260];
	v10 =	vadd.f32 v10, v23;
	v23 =	vmul.f32 v49, v7;
	v58 =	vadd.f32 v14, v13  }
0x1ab: {  	v22 =	vld [tilespmem:s17+$0x3660];
	v13 =	vmul.f32 v43, v7;
	v14 =	vadd.f32 v16, v19;
	v16 =	vmul.f32 v46, v6  }
0x1ac: {  	v59 =	vld [tilespmem:s17+$0x3670];
	v19 =	vmul.f32 v47, v7;
	v12 =	vadd.f32 v15, v12;
	v18 =	vadd.f32 v20, v18  }
0x1ad: {  	[tilespmem:s17+$0x4E30] =	vst v10;
	v10 =	vmul.f32 v62, v6;
	v62 =	vmul.f32 v54, v6;
	v11 =	vadd.f32 v13, v11;
	v13 =	vld [tilespmem:s17+$0x3A00]  }
0x1ae: {  	v24 =	vadd.f32 v17, v56;
	[tilespmem:s17+$0x4E20] =	vst v14;
	v14 =	vld [tilespmem:s17+$0x3A10];
	v16 =	vadd.f32 v19, v16;
	v19 =	vmul.f32 v63, v7  }
0x1af: {  	v15 =	vld [tilespmem:s17+$0x3A20];
	v20 =	vadd.f32 v23, v21;
	v21 =	vadd.f32 v61, v60;
	v63 =	vmul.f32 v55, v7  }
0x1b0: {  	s19 =	simm.s32 $0x0;
	v17 =	vld [tilespmem:s17+$0x3A30];
	[tilespmem:s17+$0x4E40] =	vst v18;
	v23 =	vadd.f32 v19, v10;
	v19 =	vadd.f32 v58, v22  }
0x1b1: {  	s18 =	simm.s32 $0x80;
	s4 =	smul.u32 $0xC00, s19;
	s19 =	simm.s32 $0x2;
	[tilespmem:s17+$0x4E50] =	vst v24;
	v18 =	vld [tilespmem:s17+$0x3A40];
	v10 =	vadd.f32 v63, v62;
	v22 =	vadd.f32 v25, v59  }
.LBB2_4:
0x1b2: {  	p0 =	sne.s32 s19, $0xF;
	s5 =	sand.u32 $0x380, s18;
	[tilespmem:s17+$0x4E60] =	vst v19;
	v11 =	vadd.f32 v11, v13;
	v13 =	vld [tilespmem:s17+$0x3A50]  }
0x1b3: {  	s4 =	sor.u32 s5, s4;
	[tilespmem:s17+$0x4E70] =	vst v22;
	v12 =	vadd.f32 v12, v14;
	v14 =	vld [tilespmem:s17+$0x3A60]  }
0x1b4: {  	v19 =	vld [tilespmem:s4+$0xA70];
	[tilespmem:s17+$0x5200] =	vst v11;
	v11 =	vadd.f32 v16, v15  }
0x1b5: {  	v15 =	vld [tilespmem:s4+$0x2270];
	[tilespmem:s17+$0x5210] =	vst v12;
	v12 =	vadd.f32 v20, v17  }
0x1b6: {  	v16 =	vld [tilespmem:s4+$0x200];
	[tilespmem:s17+$0x5220] =	vst v11;
	v11 =	vadd.f32 v21, v18  }
0x1b7: {  	v17 =	vld [tilespmem:s4+$0x1A00];
	[tilespmem:s17+$0x5230] =	vst v12;
	v12 =	vadd.f32 v23, v13  }
0x1b8: {  	v13 =	vld [tilespmem:s4+$0x210];
	[tilespmem:s17+$0x5240] =	vst v11;
	v10 =	vadd.f32 v10, v14  }
0x1b9: {  	v11 =	vld [tilespmem:s4+$0x3A70];
	[tilespmem:s17+$0x5250] =	vst v12  }
0x1ba: {  	v14 =	vmul.f32 v19, v6;
	v12 =	vld [tilespmem:s4+$0x1A10];
	v15 =	vmul.f32 v15, v7;
	[tilespmem:s17+$0x5260] =	vst v10;
	s17 =	smov.u32 s4  }
0x1bb: {  	v10 =	vmul.f32 v16, v6;
	v16 =	vld [tilespmem:s17+$0x220]  }
0x1bc: {  	v17 =	vmul.f32 v17, v7;
	v18 =	vld [tilespmem:s17+$0x1A20];
	v14 =	vadd.f32 v15, v14  }
0x1bd: {  	v13 =	vmul.f32 v13, v6;
	v15 =	vld [tilespmem:s17+$0x230]  }
0x1be: {  	v10 =	vadd.f32 v17, v10;
	v17 =	vld [tilespmem:s17+$0x1A30];
	v11 =	vadd.f32 v14, v11  }
0x1bf: {  	v12 =	vmul.f32 v12, v7;
	v19 =	vld [tilespmem:s17+$0x240]  }
0x1c0: {  	v14 =	vmul.f32 v16, v6;
	v16 =	vld [tilespmem:s17+$0x1A40];
	[tilespmem:s17+$0x5270] =	vst v11  }
0x1c1: {  	v13 =	vadd.f32 v12, v13;
	v11 =	vmul.f32 v18, v7;
	v12 =	vld [tilespmem:s17+$0x250]  }
0x1c2: {  	v15 =	vmul.f32 v15, v6;
	v18 =	vld [tilespmem:s17+$0x1A50]  }
0x1c3: {  	v14 =	vadd.f32 v11, v14;
	v11 =	vmul.f32 v17, v7;
	v20 =	vld [tilespmem:s17+$0x260]  }
0x1c4: {  	v17 =	vmul.f32 v19, v6;
	v19 =	vld [tilespmem:s17+$0x1A60]  }
0x1c5: {  	v15 =	vadd.f32 v11, v15;
	v11 =	vmul.f32 v16, v7;
	v16 =	vld [tilespmem:s17+$0x270]  }
0x1c6: {  	v12 =	vmul.f32 v12, v6;
	v21 =	vld [tilespmem:s17+$0x1A70]  }
0x1c7: {  	v17 =	vadd.f32 v11, v17;
	v11 =	vmul.f32 v18, v7;
	v22 =	vld [tilespmem:s17+$0x600]  }
0x1c8: {  	v20 =	vmul.f32 v20, v6;
	v23 =	vld [tilespmem:s17+$0x1E00]  }
0x1c9: {  	v18 =	vadd.f32 v11, v12;
	v11 =	vmul.f32 v19, v7;
	v12 =	vld [tilespmem:s17+$0x610]  }
0x1ca: {  	v16 =	vmul.f32 v16, v6;
	v24 =	vld [tilespmem:s17+$0x1E10]  }
0x1cb: {  	v19 =	vadd.f32 v11, v20;
	v11 =	vmul.f32 v21, v7;
	v20 =	vld [tilespmem:s17+$0x620]  }
0x1cc: {  	v21 =	vmul.f32 v22, v6;
	v25 =	vld [tilespmem:s17+$0x1E20]  }
0x1cd: {  	v22 =	vadd.f32 v11, v16;
	v11 =	vmul.f32 v23, v7;
	v16 =	vld [tilespmem:s17+$0x630]  }
0x1ce: {  	v12 =	vmul.f32 v12, v6;
	v23 =	vld [tilespmem:s17+$0x1E30]  }
0x1cf: {  	v26 =	vadd.f32 v11, v21;
	v11 =	vmul.f32 v24, v7;
	v21 =	vld [tilespmem:s17+$0x640]  }
0x1d0: {  	v20 =	vmul.f32 v20, v6;
	v24 =	vld [tilespmem:s17+$0x1E40]  }
0x1d1: {  	v27 =	vadd.f32 v11, v12;
	v11 =	vmul.f32 v25, v7;
	v12 =	vld [tilespmem:s17+$0x650]  }
0x1d2: {  	v16 =	vmul.f32 v16, v6;
	v25 =	vld [tilespmem:s17+$0x1E50]  }
0x1d3: {  	v28 =	vadd.f32 v11, v20;
	v11 =	vmul.f32 v23, v7;
	v20 =	vld [tilespmem:s17+$0x660]  }
0x1d4: {  	v21 =	vmul.f32 v21, v6;
	v23 =	vld [tilespmem:s17+$0x1E60]  }
0x1d5: {  	v29 =	vadd.f32 v11, v16;
	v11 =	vmul.f32 v24, v7;
	v16 =	vld [tilespmem:s17+$0x670]  }
0x1d6: {  	v12 =	vmul.f32 v12, v6;
	v24 =	vld [tilespmem:s17+$0x1E70]  }
0x1d7: {  	v30 =	vadd.f32 v11, v21;
	v11 =	vmul.f32 v25, v7;
	v21 =	vld [tilespmem:s17+$0xA00]  }
0x1d8: {  	v20 =	vmul.f32 v20, v6;
	v25 =	vld [tilespmem:s17+$0x2200]  }
0x1d9: {  	v31 =	vadd.f32 v11, v12;
	v11 =	vmul.f32 v23, v7;
	v12 =	vld [tilespmem:s17+$0xA10]  }
0x1da: {  	v16 =	vmul.f32 v16, v6;
	v23 =	vld [tilespmem:s17+$0x2210]  }
0x1db: {  	v32 =	vadd.f32 v11, v20;
	v11 =	vmul.f32 v24, v7;
	v20 =	vld [tilespmem:s17+$0xA20]  }
0x1dc: {  	v21 =	vmul.f32 v21, v6;
	v24 =	vld [tilespmem:s17+$0x2220]  }
0x1dd: {  	v33 =	vadd.f32 v11, v16;
	v11 =	vmul.f32 v25, v7;
	v16 =	vld [tilespmem:s17+$0xA30]  }
0x1de: {  	v12 =	vmul.f32 v12, v6;
	v25 =	vld [tilespmem:s17+$0x2230]  }
0x1df: {  	v11 =	vadd.f32 v11, v21;
	v21 =	vmul.f32 v23, v7;
	v23 =	vld [tilespmem:s17+$0xA40]  }
0x1e0: {  	v20 =	vmul.f32 v20, v6;
	v34 =	vld [tilespmem:s17+$0x2240]  }
0x1e1: {  	v12 =	vadd.f32 v21, v12;
	v21 =	vmul.f32 v24, v7;
	v24 =	vld [tilespmem:s17+$0xA50]  }
0x1e2: {  	v35 =	vmul.f32 v16, v6;
	v36 =	vld [tilespmem:s17+$0x2250]  }
0x1e3: {  	v16 =	vadd.f32 v21, v20;
	v20 =	vmul.f32 v25, v7;
	v25 =	vld [tilespmem:s17+$0xA60]  }
0x1e4: {  	v21 =	vmul.f32 v23, v6;
	v37 =	vld [tilespmem:s17+$0x2260]  }
0x1e5: {  	v38 =	vld [tilespmem:s17+$0x3200];
	v20 =	vadd.f32 v20, v35;
	v23 =	vmul.f32 v34, v7  }
0x1e6: {  	v34 =	vld [tilespmem:s17+$0x3210];
	v24 =	vmul.f32 v24, v6  }
0x1e7: {  	v35 =	vld [tilespmem:s17+$0x3220];
	v21 =	vadd.f32 v23, v21;
	v23 =	vmul.f32 v36, v7  }
0x1e8: {  	v36 =	vld [tilespmem:s17+$0x3230];
	v25 =	vmul.f32 v25, v6  }
0x1e9: {  	v39 =	vld [tilespmem:s17+$0x3240];
	v23 =	vadd.f32 v23, v24;
	v24 =	vmul.f32 v37, v7  }
0x1ea: {  	v37 =	vadd.f32 v10, v38;
	v38 =	vld [tilespmem:s17+$0x3250]  }
0x1eb: {  	v13 =	vadd.f32 v13, v34;
	v34 =	vld [tilespmem:s17+$0x3260];
	v10 =	vadd.f32 v24, v25  }
0x1ec: {  	[tilespmem:s17+$0x4A00] =	vst v37;
	v14 =	vadd.f32 v14, v35;
	v24 =	vld [tilespmem:s17+$0x3270]  }
0x1ed: {  	[tilespmem:s17+$0x4A10] =	vst v13;
	v13 =	vadd.f32 v15, v36;
	v15 =	vld [tilespmem:s17+$0x3600]  }
0x1ee: {  	[tilespmem:s17+$0x4A20] =	vst v14;
	v14 =	vadd.f32 v17, v39;
	v17 =	vld [tilespmem:s17+$0x3610]  }
0x1ef: {  	[tilespmem:s17+$0x4A30] =	vst v13;
	v13 =	vadd.f32 v18, v38;
	v18 =	vld [tilespmem:s17+$0x3620]  }
0x1f0: {  	[tilespmem:s17+$0x4A40] =	vst v14;
	v14 =	vadd.f32 v19, v34;
	v19 =	vld [tilespmem:s17+$0x3630]  }
0x1f1: {  	[tilespmem:s17+$0x4A50] =	vst v13;
	v13 =	vadd.f32 v22, v24;
	v22 =	vld [tilespmem:s17+$0x3640]  }
0x1f2: {  	[tilespmem:s17+$0x4A60] =	vst v14;
	v14 =	vadd.f32 v26, v15;
	v15 =	vld [tilespmem:s17+$0x3650]  }
0x1f3: {  	[tilespmem:s17+$0x4A70] =	vst v13;
	v13 =	vadd.f32 v27, v17;
	v17 =	vld [tilespmem:s17+$0x3660]  }
0x1f4: {  	[tilespmem:s17+$0x4E00] =	vst v14;
	v14 =	vadd.f32 v28, v18;
	v18 =	vld [tilespmem:s17+$0x3670]  }
.Ltmp1:
0x1f5: {  	[tilespmem:s17+$0x4E10] =	vst v13;
	v19 =	vadd.f32 v29, v19;
	v13 =	vld [tilespmem:s17+$0x3A00];
	(pc) =	sbr.rel @p0 .LBB2_4-.Ltmp1, $4  }
0x1f6: {  	[tilespmem:s17+$0x4E20] =	vst v14;
	v22 =	vadd.f32 v30, v22;
	v14 =	vld [tilespmem:s17+$0x3A10]  }
0x1f7: {  	[tilespmem:s17+$0x4E30] =	vst v19;
	v24 =	vadd.f32 v31, v15;
	v15 =	vld [tilespmem:s17+$0x3A20]  }
0x1f8: {  	s4 =	sshrl.u32 s19, $0x3;
	[tilespmem:s17+$0x4E40] =	vst v22;
	v19 =	vadd.f32 v32, v17;
	v17 =	vld [tilespmem:s17+$0x3A30]  }
0x1f9: {  	s18 =	sadd.s32 $0x80, s18;
	s19 =	sadd.s32 $0x1, s19;
	s4 =	smul.u32 $0xC00, s4;
	[tilespmem:s17+$0x4E50] =	vst v24;
	v22 =	vadd.f32 v33, v18;
	v18 =	vld [tilespmem:s17+$0x3A40]  }
0x1fa: {  	[tilespmem:s17+$0x4E60] =	vst v19;
	v19 =	vld [tilespmem:s17+$0x3A50];
	s5 =	sand.u32 $0x380, s18;
	v11 =	vadd.f32 v11, v13  }
0x1fb: {  	v13 =	vld [tilespmem:s17+$0x3A60];
	[tilespmem:s17+$0x4E70] =	vst v22;
	s18 =	sor.u32 s5, s4;
	v12 =	vadd.f32 v12, v14  }
0x1fc: {  	v22 =	vld [tilespmem:s18+$0xA70];
	[tilespmem:s17+$0x5200] =	vst v11;
	v14 =	vadd.f32 v16, v15  }
0x1fd: {  	v11 =	vld [tilespmem:s18+$0x2270];
	[tilespmem:s17+$0x5210] =	vst v12;
	v15 =	vadd.f32 v20, v17  }
0x1fe: {  	v12 =	vld [tilespmem:s18+$0x200];
	[tilespmem:s17+$0x5220] =	vst v14;
	v16 =	vadd.f32 v21, v18  }
0x1ff: {  	v14 =	vld [tilespmem:s18+$0x1A00];
	[tilespmem:s17+$0x5230] =	vst v15;
	v17 =	vadd.f32 v23, v19  }
0x200: {  	v10 =	vadd.f32 v10, v13;
	v15 =	vld [tilespmem:s18+$0x210];
	[tilespmem:s17+$0x5240] =	vst v16  }
0x201: {  	v16 =	vld [tilespmem:s18+$0x3A70];
	[tilespmem:s17+$0x5250] =	vst v17  }
0x202: {  	v13 =	vld [tilespmem:s18+$0x1A10];
	[tilespmem:s17+$0x5260] =	vst v10  }
0x203: {  	v10 =	vld [tilespmem:s18+$0x220]  }
0x204: {  	v17 =	vld [tilespmem:s18+$0x1A20]  }
0x205: {  	v18 =	vld [tilespmem:s18+$0x230]  }
0x206: {  	v19 =	vld [tilespmem:s18+$0x1A30]  }
0x207: {  	v20 =	vld [tilespmem:s18+$0x240]  }
0x208: {  	v21 =	vld [tilespmem:s18+$0x1A40]  }
0x209: {  	v23 =	vld [tilespmem:s18+$0x250]  }
0x20a: {  	v24 =	vld [tilespmem:s18+$0x1A50]  }
0x20b: {  	v25 =	vld [tilespmem:s18+$0x260]  }
0x20c: {  	v26 =	vld [tilespmem:s18+$0x1A60]  }
0x20d: {  	v27 =	vld [tilespmem:s18+$0x270]  }
0x20e: {  	v28 =	vld [tilespmem:s18+$0x1A70]  }
0x20f: {  	v29 =	vld [tilespmem:s18+$0x600]  }
0x210: {  	v30 =	vld [tilespmem:s18+$0x1E00]  }
0x211: {  	v31 =	vld [tilespmem:s18+$0x610]  }
0x212: {  	v32 =	vld [tilespmem:s18+$0x1E10]  }
0x213: {  	v33 =	vld [tilespmem:s18+$0x620]  }
0x214: {  	v34 =	vld [tilespmem:s18+$0x1E20]  }
0x215: {  	v35 =	vld [tilespmem:s18+$0x630]  }
0x216: {  	v36 =	vld [tilespmem:s18+$0x1E30]  }
0x217: {  	v37 =	vld [tilespmem:s18+$0x640]  }
0x218: {  	v38 =	vld [tilespmem:s18+$0x1E40]  }
0x219: {  	v39 =	vld [tilespmem:s18+$0x650]  }
0x21a: {  	v40 =	vld [tilespmem:s18+$0x1E50]  }
0x21b: {  	v41 =	vld [tilespmem:s18+$0x660]  }
0x21c: {  	v42 =	vld [tilespmem:s18+$0x1E60]  }
0x21d: {  	v43 =	vld [tilespmem:s18+$0x670]  }
0x21e: {  	v44 =	vld [tilespmem:s18+$0x1E70]  }
0x21f: {  	v45 =	vld [tilespmem:s18+$0xA00]  }
0x220: {  	v46 =	vld [tilespmem:s18+$0x2200]  }
0x221: {  	v47 =	vld [tilespmem:s18+$0xA10]  }
0x222: {  	v48 =	vld [tilespmem:s18+$0x2210]  }
0x223: {  	v49 =	vld [tilespmem:s18+$0xA20]  }
0x224: {  	v50 =	vld [tilespmem:s18+$0x2220]  }
0x225: {  	v22 =	vmul.f32 v22, v6;
	v11 =	vmul.f32 v11, v7;
	v51 =	vld [tilespmem:s18+$0xA30]  }
0x226: {  	v52 =	vld [tilespmem:s18+$0x2230];
	v12 =	vmul.f32 v12, v6;
	v14 =	vmul.f32 v14, v7  }
0x227: {  	v53 =	vld [tilespmem:s18+$0xA40];
	v11 =	vadd.f32 v11, v22;
	v15 =	vmul.f32 v15, v6  }
0x228: {  	v60 =	vld [tilespmem:s18+$0x3200];
	v12 =	vadd.f32 v14, v12;
	v13 =	vmul.f32 v13, v7;
	v10 =	vmul.f32 v10, v6  }
0x229: {  	v62 =	vld [tilespmem:s18+$0x3210];
	v11 =	vadd.f32 v11, v16;
	v14 =	vmul.f32 v17, v7;
	v16 =	vmul.f32 v18, v6  }
0x22a: {  	v56 =	vld [tilespmem:s18+$0x3240];
	v18 =	vmul.f32 v19, v7;
	v59 =	vmul.f32 v26, v7  }
0x22b: {  	v22 =	vld [tilespmem:s18+$0x2240];
	v61 =	vmul.f32 v28, v7;
	v63 =	vmul.f32 v30, v7  }
0x22c: {  	v17 =	vld [tilespmem:s18+$0xA50];
	v54 =	vmul.f32 v31, v6;
	v55 =	vmul.f32 v32, v7  }
0x22d: {  	v19 =	vld [tilespmem:s18+$0x2250];
	v57 =	vmul.f32 v33, v6;
	v58 =	vmul.f32 v34, v7;
	v12 =	vadd.f32 v12, v60  }
0x22e: {  	v30 =	vld [tilespmem:s18+$0x3220];
	v60 =	vmul.f32 v35, v6;
	v39 =	vmul.f32 v39, v6;
	v13 =	vadd.f32 v13, v15  }
0x22f: {  	v15 =	vmul.f32 v20, v6;
	v20 =	vmul.f32 v21, v7;
	v21 =	vld [tilespmem:s18+$0xA60];
	v10 =	vadd.f32 v14, v10  }
0x230: {  	v14 =	vmul.f32 v23, v6;
	v16 =	vadd.f32 v18, v16;
	v18 =	vmul.f32 v25, v6;
	v25 =	vld [tilespmem:s18+$0x3230]  }
0x231: {  	v23 =	vmul.f32 v24, v7;
	v24 =	vld [tilespmem:s18+$0x2260];
	v15 =	vadd.f32 v20, v15;
	v20 =	vmul.f32 v27, v6  }
0x232: {  	v40 =	vmul.f32 v40, v7;
	v41 =	vmul.f32 v41, v6;
	v18 =	vadd.f32 v59, v18;
	v59 =	vld [tilespmem:s18+$0x3250]  }
0x233: {  	[tilespmem:s18+$0x5270] =	vst v11;
	v42 =	vmul.f32 v42, v7;
	v13 =	vadd.f32 v13, v62;
	v20 =	vadd.f32 v61, v20;
	v61 =	vld [tilespmem:s18+$0x3260]  }
0x234: {  	v43 =	vmul.f32 v43, v6;
	v44 =	vmul.f32 v44, v7;
	[tilespmem:s18+$0x4A00] =	vst v12;
	v12 =	vld [tilespmem:s18+$0x3270];
	v10 =	vadd.f32 v10, v30  }
0x235: {  	v46 =	vmul.f32 v46, v7;
	v14 =	vadd.f32 v23, v14;
	[tilespmem:s18+$0x4A10] =	vst v13;
	v13 =	vadd.f32 v16, v25;
	v16 =	vld [tilespmem:s18+$0x3600]  }
0x236: {  	v11 =	vadd.f32 v55, v54;
	v23 =	vmul.f32 v29, v6;
	[tilespmem:s18+$0x4A20] =	vst v10;
	v10 =	vadd.f32 v15, v56;
	v15 =	vld [tilespmem:s18+$0x3610]  }
0x237: {  	v22 =	vmul.f32 v22, v7;
	v62 =	vadd.f32 v58, v57;
	[tilespmem:s18+$0x4A30] =	vst v13;
	v13 =	vadd.f32 v14, v59;
	v14 =	vld [tilespmem:s18+$0x3620]  }
0x238: {  	v54 =	vmul.f32 v47, v6;
	v23 =	vadd.f32 v63, v23;
	[tilespmem:s18+$0x4A40] =	vst v10;
	v10 =	vadd.f32 v18, v61;
	v18 =	vld [tilespmem:s18+$0x3630]  }
0x239: {  	v27 =	vadd.f32 v40, v39;
	v63 =	vmul.f32 v36, v7;
	v12 =	vadd.f32 v20, v12;
	[tilespmem:s18+$0x4A50] =	vst v13;
	v13 =	vld [tilespmem:s18+$0x3640]  }
0x23a: {  	v36 =	vmul.f32 v37, v6;
	v37 =	vmul.f32 v38, v7;
	[tilespmem:s18+$0x4A60] =	vst v10;
	v10 =	vadd.f32 v23, v16;
	v16 =	vld [tilespmem:s18+$0x3650]  }
0x23b: {  	v55 =	vmul.f32 v48, v7;
	v38 =	vadd.f32 v63, v60;
	[tilespmem:s18+$0x4A70] =	vst v12;
	v12 =	vld [tilespmem:s18+$0x3660];
	v11 =	vadd.f32 v11, v15  }
0x23c: {  	v57 =	vmul.f32 v50, v7;
	v30 =	vadd.f32 v37, v36;
	[tilespmem:s18+$0x4E00] =	vst v10;
	v10 =	vadd.f32 v62, v14;
	v14 =	vld [tilespmem:s18+$0x3670]  }
0x23d: {  	v58 =	vmul.f32 v51, v6;
	v26 =	vadd.f32 v55, v54;
	[tilespmem:s18+$0x4E10] =	vst v11;
	v11 =	vadd.f32 v38, v18;
	v18 =	vld [tilespmem:s18+$0x3A00]  }
0x23e: {  	v20 =	vadd.f32 v42, v41;
	v23 =	vmul.f32 v45, v6;
	[tilespmem:s18+$0x4E20] =	vst v10;
	v10 =	vadd.f32 v30, v13;
	v13 =	vld [tilespmem:s18+$0x3A10]  }
0x23f: {  	v17 =	vmul.f32 v17, v6;
	v15 =	vadd.f32 v44, v43;
	[tilespmem:s18+$0x4E30] =	vst v11;
	v11 =	vadd.f32 v27, v16;
	v16 =	vld [tilespmem:s18+$0x3A20]  }
0x240: {  	v56 =	vmul.f32 v49, v6;
	v23 =	vadd.f32 v46, v23;
	[tilespmem:s18+$0x4E40] =	vst v10;
	v10 =	vadd.f32 v20, v12;
	v12 =	vld [tilespmem:s18+$0x3A30]  }
0x241: {  	v19 =	vmul.f32 v19, v7;
	v59 =	vmul.f32 v52, v7;
	[tilespmem:s18+$0x4E50] =	vst v11;
	v11 =	vadd.f32 v15, v14;
	v14 =	vld [tilespmem:s18+$0x3A40]  }
0x242: {  	v25 =	vadd.f32 v57, v56;
	v20 =	vmul.f32 v53, v6;
	[tilespmem:s18+$0x4E60] =	vst v10;
	v10 =	vadd.f32 v23, v18;
	v18 =	vld [tilespmem:s18+$0x3A50]  }
0x243: {  	v21 =	vmul.f32 v21, v6;
	v15 =	vadd.f32 v59, v58;
	[tilespmem:s18+$0x4E70] =	vst v11;
	v11 =	vadd.f32 v26, v13;
	v13 =	vld [tilespmem:s18+$0x3A60]  }
0x244: {  	v20 =	vadd.f32 v22, v20;
	v22 =	vmul.f32 v24, v7;
	[tilespmem:s18+$0x5200] =	vst v10;
	v10 =	vadd.f32 v25, v16  }
0x245: {  	v16 =	vadd.f32 v19, v17;
	[tilespmem:s18+$0x5210] =	vst v11;
	v11 =	vadd.f32 v15, v12  }
0x246: {  	v12 =	vadd.f32 v22, v21;
	[tilespmem:s18+$0x5220] =	vst v10;
	v10 =	vadd.f32 v20, v14  }
0x247: {  	[tilespmem:s18+$0x5230] =	vst v11;
	v11 =	vadd.f32 v16, v18  }
0x248: {  	[tilespmem:s18+$0x5240] =	vst v10;
	v10 =	vadd.f32 v12, v13  }
0x249: {  	[tilespmem:s18+$0x5250] =	vst v11  }
0x24a: {  	s17 =	simm.s32 $0x0;
	[tilespmem:s18+$0x5260] =	vst v10  }
0x24b: {  	[hbm4b:s12+s17] =	stream.linear.scatter [tilespmem:s0], [sflag:$0x3], $0x1800, $0x38;
	[tilespmem:$0x6200] =	vst v63  }
0x24c: {  	_ =	swait.ge [sflag:s16], $0x1800  }
0x24d: {  	[sflag:s16] =	ssyncset.done $0x0  }
0x24e: {  	v8 =	vadd.s32 v2, v8;
	[sflag:s16] =	ssyncadd.s32 $0xFFFFE800  }
0x24f: {  	[tilespmem:$0x100] =	vst v8  }
0x250: {  	v8 =	vld [tilespmem:$0x100];
	_ =	sdelay $0x4  }
0x251: {  	v10 =	vshrl.u32 v8, $0x3  }
0x252: {  	v10 =	vmul.u32 $0x18, v10  }
0x253: {  	v8 =	vand.u32 $0x7, v8  }
0x254: {  	v8 =	vor.u32 v8, v10  }
0x255: {  	v10 =	vperm.xlane v8, v3;
	_ =	sdelay $0x1  }
0x256: {  	v10 =	vadd.s32 v4, v10;
	_ =	sdelay $0x1  }
0x257: {  	v8 =	vperm.xlane v8, v5  }
0x258: {  	v9 =	vadd.s32 v2, v9  }
0x259: {  	[tilespmem:$0x180] =	vst v9;
	v8 =	vadd.s32 v4, v8  }
0x25a: {  	[tilespmem:s20], [sflag:$0x1] =	stream.indirect_vreg.gather [hbm4b:s1+s17], $0x80, v10, vm0, $0xb8;
	[tilespmem:$0x6200] =	vst v63  }
0x25b: {  	_ = 	snop  }
0x25c: {  	[tilespmem:s21], [sflag:$0x1] =	stream.indirect_vreg.gather [hbm4b:s8+s17], $0x80, v10, vm1, $0xb8;
	[tilespmem:$0x6200] =	vst v63  }
0x25d: {  	_ = 	snop  }
0x25e: {  	[tilespmem:s22], [sflag:$0x1] =	stream.indirect_vreg.gather [hbm4b:s1+s17], $0x80, v8, vm0, $0xb8;
	[tilespmem:$0x6200] =	vst v63  }
0x25f: {  	_ = 	snop  }
0x260: {  	[tilespmem:s23], [sflag:$0x1] =	stream.indirect_vreg.gather [hbm4b:s8+s17], $0x80, v8, vm1, $0xb8;
	[tilespmem:$0x6200] =	vst v63  }
0x261: {  	v8 =	vld [tilespmem:$0x180];
	_ =	sdelay $0x4  }
0x262: {  	v9 =	vshrl.u32 v8, $0x3  }
0x263: {  	v9 =	vmul.u32 $0x18, v9  }
0x264: {  	v8 =	vand.u32 $0x7, v8  }
0x265: {  	v8 =	vor.u32 v8, v9  }
0x266: {  	v9 =	vperm.xlane v8, v3;
	_ =	sdelay $0x1  }
0x267: {  	v9 =	vadd.s32 v4, v9;
	_ =	sdelay $0x1  }
0x268: {  	v8 =	vperm.xlane v8, v5;
	_ =	sdelay $0x1  }
0x269: {  	v8 =	vadd.s32 v4, v8  }
0x26a: {  	[tilespmem:s24], [sflag:$0x2] =	stream.indirect_vreg.gather [hbm4b:s1+s17], $0x80, v9, vm0, $0xb8;
	[tilespmem:$0x6200] =	vst v63  }
0x26b: {  	_ = 	snop  }
0x26c: {  	[tilespmem:s25], [sflag:$0x2] =	stream.indirect_vreg.gather [hbm4b:s8+s17], $0x80, v9, vm1, $0xb8;
	[tilespmem:$0x6200] =	vst v63  }
0x26d: {  	_ = 	snop  }
0x26e: {  	[tilespmem:s26], [sflag:$0x2] =	stream.indirect_vreg.gather [hbm4b:s1+s17], $0x80, v8, vm0, $0xb8;
	[tilespmem:$0x6200] =	vst v63  }
0x26f: {  	_ = 	snop  }
0x270: {  	[tilespmem:s28], [sflag:$0x2] =	stream.indirect_vreg.gather [hbm4b:s8+s17], $0x80, v8, vm1, $0xb8;
	[tilespmem:$0x6200] =	vst v63  }
0x271: {  	_ = 	snop  }
0x272: {  	[tilespmem:s29], [sflag:$0x3] =	stream.linear.gather [hbm4b:s13+s17], $0x1800, $0x38;
	[tilespmem:$0x6200] =	vst v63  }
0x273: {  	_ =	swait.ge [sflag:s16], $0x1800  }
0x274: {  	[sflag:s16] =	ssyncset.done $0x0  }
0x275: {  	[sflag:s16] =	ssyncadd.s32 $0xFFFFE800  }
0x276: {  	_ =	swait.ge [sflag:s30], $0x1800  }
0x277: {  	[sflag:s30] =	ssyncset.done $0x0  }
0x278: {  	s18 =	simm.s32 $0x0;
	[sflag:s30] =	ssyncadd.s32 $0xFFFFE800  }
0x279: {  	s5 =	smul.u32 $0xC00, s18;
	_ =	swait.ge [sflag:s31], $0x1800  }
0x27a: {  	s4 =	sand.u32 $0x380, s17;
	[sflag:s31] =	ssyncset.done $0x0  }
0x27b: {  	s17 =	sor.u32 s4, s5;
	[sflag:s31] =	ssyncadd.s32 $0xFFFFE800  }
0x27c: {  	v8 =	vld [tilespmem:s17+$0xA70]  }
0x27d: {  	v9 =	vld [tilespmem:s17+$0x2270]  }
0x27e: {  	v10 =	vld [tilespmem:s17+$0x200]  }
0x27f: {  	v11 =	vld [tilespmem:s17+$0x1A00]  }
0x280: {  	v12 =	vld [tilespmem:s17+$0x210]  }
0x281: {  	v13 =	vld [tilespmem:s17+$0x3A70]  }
0x282: {  	v14 =	vld [tilespmem:s17+$0x1A10]  }
0x283: {  	v15 =	vld [tilespmem:s17+$0x220]  }
0x284: {  	v16 =	vld [tilespmem:s17+$0x1A20]  }
0x285: {  	v17 =	vld [tilespmem:s17+$0x1A30]  }
0x286: {  	v18 =	vld [tilespmem:s17+$0x1A40]  }
0x287: {  	v19 =	vld [tilespmem:s17+$0x1A50]  }
0x288: {  	v20 =	vld [tilespmem:s17+$0x260]  }
0x289: {  	v21 =	vld [tilespmem:s17+$0x1A60]  }
0x28a: {  	v22 =	vld [tilespmem:s17+$0x270]  }
0x28b: {  	v23 =	vld [tilespmem:s17+$0x1A70]  }
0x28c: {  	v24 =	vld [tilespmem:s17+$0x600]  }
0x28d: {  	v25 =	vld [tilespmem:s17+$0x1E00]  }
0x28e: {  	v26 =	vld [tilespmem:s17+$0x610]  }
0x28f: {  	v27 =	vld [tilespmem:s17+$0x1E10]  }
0x290: {  	v28 =	vld [tilespmem:s17+$0x620]  }
0x291: {  	v29 =	vld [tilespmem:s17+$0x1E20]  }
0x292: {  	v30 =	vld [tilespmem:s17+$0x630]  }
0x293: {  	v31 =	vld [tilespmem:s17+$0x1E30]  }
0x294: {  	v32 =	vld [tilespmem:s17+$0x640]  }
0x295: {  	v33 =	vld [tilespmem:s17+$0x1E40]  }
0x296: {  	v34 =	vld [tilespmem:s17+$0x650]  }
0x297: {  	v35 =	vld [tilespmem:s17+$0x1E50]  }
0x298: {  	v36 =	vld [tilespmem:s17+$0x660]  }
0x299: {  	v37 =	vld [tilespmem:s17+$0x1E60]  }
0x29a: {  	v38 =	vld [tilespmem:s17+$0x670]  }
0x29b: {  	v39 =	vld [tilespmem:s17+$0x1E70]  }
0x29c: {  	v40 =	vld [tilespmem:s17+$0xA00]  }
0x29d: {  	v41 =	vld [tilespmem:s17+$0x2200]  }
0x29e: {  	v42 =	vld [tilespmem:s17+$0xA10]  }
0x29f: {  	v60 =	vld [tilespmem:s17+$0xA40]  }
0x2a0: {  	v61 =	vld [tilespmem:s17+$0x2240]  }
0x2a1: {  	v54 =	vld [tilespmem:s17+$0x3200];
	v8 =	vmul.f32 v8, v6;
	v9 =	vmul.f32 v9, v7  }
0x2a2: {  	v55 =	vld [tilespmem:s17+$0x3210]  }
0x2a3: {  	v56 =	vld [tilespmem:s17+$0x3220];
	v8 =	vadd.f32 v9, v8  }
0x2a4: {  	v10 =	vmul.f32 v10, v6;
	v11 =	vmul.f32 v11, v7;
	v9 =	vld [tilespmem:s17+$0x230]  }
0x2a5: {  	v15 =	vmul.f32 v15, v6;
	v16 =	vmul.f32 v16, v7;
	v8 =	vadd.f32 v8, v13;
	v13 =	vld [tilespmem:s17+$0x240]  }
0x2a6: {  	v62 =	vld [tilespmem:s17+$0xA60];
	v12 =	vmul.f32 v12, v6;
	v10 =	vadd.f32 v11, v10;
	v11 =	vmul.f32 v14, v7  }
0x2a7: {  	v17 =	vmul.f32 v17, v7;
	v15 =	vadd.f32 v16, v15;
	[tilespmem:s17+$0x5270] =	vst v8;
	v8 =	vld [tilespmem:s17+$0x250]  }
0x2a8: {  	v60 =	vmul.f32 v60, v6;
	v14 =	vld [tilespmem:s17+$0x3230];
	v11 =	vadd.f32 v11, v12;
	v10 =	vadd.f32 v10, v54  }
0x2a9: {  	v57 =	vld [tilespmem:s17+$0x3240];
	v61 =	vmul.f32 v61, v7;
	v15 =	vadd.f32 v15, v56;
	v9 =	vmul.f32 v9, v6  }
0x2aa: {  	v43 =	vld [tilespmem:s17+$0x2210];
	v11 =	vadd.f32 v11, v55;
	[tilespmem:s17+$0x4A00] =	vst v10;
	v10 =	vmul.f32 v13, v6;
	v13 =	vmul.f32 v18, v7  }
0x2ab: {  	v62 =	vmul.f32 v62, v6;
	v12 =	vld [tilespmem:s17+$0x3250];
	[tilespmem:s17+$0x4A20] =	vst v15;
	v15 =	vmul.f32 v21, v7;
	v9 =	vadd.f32 v17, v9  }
0x2ac: {  	v44 =	vld [tilespmem:s17+$0xA20];
	[tilespmem:s17+$0x4A10] =	vst v11;
	v11 =	vmul.f32 v19, v7;
	v8 =	vmul.f32 v8, v6;
	v10 =	vadd.f32 v13, v10  }
0x2ad: {  	v45 =	vld [tilespmem:s17+$0x2220];
	v17 =	vmul.f32 v23, v7;
	v9 =	vadd.f32 v9, v14;
	v14 =	vmul.f32 v20, v6  }
0x2ae: {  	v16 =	vld [tilespmem:s17+$0x3260];
	v8 =	vadd.f32 v11, v8;
	v11 =	vmul.f32 v22, v6;
	v10 =	vadd.f32 v10, v57  }
0x2af: {  	v18 =	vld [tilespmem:s17+$0x3270];
	v14 =	vadd.f32 v15, v14;
	[tilespmem:s17+$0x4A30] =	vst v9;
	v9 =	vmul.f32 v24, v6;
	v15 =	vmul.f32 v25, v7  }
0x2b0: {  	v13 =	vld [tilespmem:s17+$0x3600];
	v8 =	vadd.f32 v8, v12;
	[tilespmem:s17+$0x4A40] =	vst v10;
	v10 =	vmul.f32 v26, v6;
	v12 =	vmul.f32 v27, v7  }
0x2b1: {  	v46 =	vld [tilespmem:s17+$0xA30];
	v20 =	vmul.f32 v29, v7;
	v9 =	vadd.f32 v15, v9;
	v15 =	vmul.f32 v28, v6  }
0x2b2: {  	v19 =	vld [tilespmem:s17+$0x3610];
	v23 =	vmul.f32 v39, v7;
	v11 =	vadd.f32 v17, v11;
	v10 =	vadd.f32 v12, v10  }
0x2b3: {  	v47 =	vld [tilespmem:s17+$0x2230];
	v12 =	vadd.f32 v14, v16;
	[tilespmem:s17+$0x4A50] =	vst v8;
	v8 =	vmul.f32 v30, v6;
	v14 =	vadd.f32 v20, v15  }
0x2b4: {  	v50 =	vld [tilespmem:s17+$0xA50];
	v15 =	vmul.f32 v31, v7;
	v11 =	vadd.f32 v11, v18;
	v18 =	vmul.f32 v33, v7  }
0x2b5: {  	v21 =	vld [tilespmem:s17+$0x3630];
	v20 =	vmul.f32 v35, v7;
	v9 =	vadd.f32 v9, v13;
	v13 =	vmul.f32 v38, v6;
	[tilespmem:s17+$0x4A60] =	vst v12  }
0x2b6: {  	v17 =	vld [tilespmem:s17+$0x3620];
	v12 =	vmul.f32 v32, v6;
	v8 =	vadd.f32 v15, v8;
	v15 =	vmul.f32 v34, v6;
	[tilespmem:s17+$0x4A70] =	vst v11  }
0x2b7: {  	v51 =	vld [tilespmem:s17+$0x2250];
	v11 =	vmul.f32 v36, v6;
	v10 =	vadd.f32 v10, v19;
	[tilespmem:s17+$0x4E00] =	vst v9;
	v9 =	vmul.f32 v40, v6  }
0x2b8: {  	v16 =	vld [tilespmem:s17+$0x3640];
	v23 =	vadd.f32 v23, v13;
	v13 =	vmul.f32 v43, v7;
	v19 =	vmul.f32 v46, v6  }
0x2b9: {  	v22 =	vld [tilespmem:s17+$0x3650];
	v18 =	vadd.f32 v18, v12;
	v15 =	vadd.f32 v20, v15;
	v12 =	vmul.f32 v37, v7  }
0x2ba: {  	v63 =	vld [tilespmem:s17+$0x2260];
	[tilespmem:s17+$0x4E10] =	vst v10;
	v10 =	vmul.f32 v42, v6;
	v8 =	vadd.f32 v8, v21;
	v21 =	vmul.f32 v47, v7  }
0x2bb: {  	v20 =	vld [tilespmem:s17+$0x3660];
	v58 =	vadd.f32 v12, v11;
	v11 =	vmul.f32 v41, v7;
	v12 =	vadd.f32 v14, v17  }
0x2bc: {  	v59 =	vld [tilespmem:s17+$0x3670];
	v14 =	vmul.f32 v44, v6;
	v17 =	vmul.f32 v45, v7;
	v10 =	vadd.f32 v13, v10  }
0x2bd: {  	v16 =	vadd.f32 v18, v16;
	[tilespmem:s17+$0x4E30] =	vst v8;
	v8 =	vmul.f32 v50, v6;
	v9 =	vadd.f32 v11, v9;
	v11 =	vld [tilespmem:s17+$0x3A00]  }
0x2be: {  	v22 =	vadd.f32 v15, v22;
	[tilespmem:s17+$0x4E20] =	vst v12;
	v12 =	vld [tilespmem:s17+$0x3A10];
	v14 =	vadd.f32 v17, v14;
	v17 =	vmul.f32 v51, v7  }
0x2bf: {  	v63 =	vmul.f32 v63, v7;
	v13 =	vld [tilespmem:s17+$0x3A20];
	v18 =	vadd.f32 v21, v19;
	v19 =	vadd.f32 v61, v60  }
0x2c0: {  	s19 =	simm.s32 $0x0;
	v15 =	vld [tilespmem:s17+$0x3A30];
	[tilespmem:s17+$0x4E40] =	vst v16;
	v21 =	vadd.f32 v17, v8;
	v17 =	vadd.f32 v58, v20  }
0x2c1: {  	s18 =	simm.s32 $0x80;
	s4 =	smul.u32 $0xC00, s19;
	s19 =	simm.s32 $0x2;
	[tilespmem:s17+$0x4E50] =	vst v22;
	v16 =	vld [tilespmem:s17+$0x3A40];
	v8 =	vadd.f32 v63, v62;
	v20 =	vadd.f32 v23, v59  }
.LBB2_6:
0x2c2: {  	p0 =	sne.s32 s19, $0xF;
	s5 =	sand.u32 $0x380, s18;
	[tilespmem:s17+$0x4E60] =	vst v17;
	v9 =	vadd.f32 v9, v11;
	v11 =	vld [tilespmem:s17+$0x3A50]  }
0x2c3: {  	s4 =	sor.u32 s5, s4;
	[tilespmem:s17+$0x4E70] =	vst v20;
	v10 =	vadd.f32 v10, v12;
	v12 =	vld [tilespmem:s17+$0x3A60]  }
0x2c4: {  	v17 =	vld [tilespmem:s4+$0xA70];
	[tilespmem:s17+$0x5200] =	vst v9;
	v9 =	vadd.f32 v14, v13  }
0x2c5: {  	v13 =	vld [tilespmem:s4+$0x2270];
	[tilespmem:s17+$0x5210] =	vst v10;
	v10 =	vadd.f32 v18, v15  }
0x2c6: {  	v14 =	vld [tilespmem:s4+$0x200];
	[tilespmem:s17+$0x5220] =	vst v9;
	v9 =	vadd.f32 v19, v16  }
0x2c7: {  	v15 =	vld [tilespmem:s4+$0x1A00];
	[tilespmem:s17+$0x5230] =	vst v10;
	v10 =	vadd.f32 v21, v11  }
0x2c8: {  	v11 =	vld [tilespmem:s4+$0x210];
	[tilespmem:s17+$0x5240] =	vst v9;
	v8 =	vadd.f32 v8, v12  }
0x2c9: {  	v9 =	vld [tilespmem:s4+$0x3A70];
	[tilespmem:s17+$0x5250] =	vst v10  }
0x2ca: {  	v12 =	vmul.f32 v17, v6;
	v10 =	vld [tilespmem:s4+$0x1A10];
	v13 =	vmul.f32 v13, v7;
	[tilespmem:s17+$0x5260] =	vst v8;
	s17 =	smov.u32 s4  }
0x2cb: {  	v8 =	vmul.f32 v14, v6;
	v14 =	vld [tilespmem:s17+$0x220]  }
0x2cc: {  	v15 =	vmul.f32 v15, v7;
	v16 =	vld [tilespmem:s17+$0x1A20];
	v12 =	vadd.f32 v13, v12  }
0x2cd: {  	v11 =	vmul.f32 v11, v6;
	v13 =	vld [tilespmem:s17+$0x230]  }
0x2ce: {  	v8 =	vadd.f32 v15, v8;
	v15 =	vld [tilespmem:s17+$0x1A30];
	v9 =	vadd.f32 v12, v9  }
0x2cf: {  	v10 =	vmul.f32 v10, v7;
	v17 =	vld [tilespmem:s17+$0x240]  }
0x2d0: {  	v12 =	vmul.f32 v14, v6;
	v14 =	vld [tilespmem:s17+$0x1A40];
	[tilespmem:s17+$0x5270] =	vst v9  }
0x2d1: {  	v11 =	vadd.f32 v10, v11;
	v9 =	vmul.f32 v16, v7;
	v10 =	vld [tilespmem:s17+$0x250]  }
0x2d2: {  	v13 =	vmul.f32 v13, v6;
	v16 =	vld [tilespmem:s17+$0x1A50]  }
0x2d3: {  	v12 =	vadd.f32 v9, v12;
	v9 =	vmul.f32 v15, v7;
	v18 =	vld [tilespmem:s17+$0x260]  }
0x2d4: {  	v15 =	vmul.f32 v17, v6;
	v17 =	vld [tilespmem:s17+$0x1A60]  }
0x2d5: {  	v13 =	vadd.f32 v9, v13;
	v9 =	vmul.f32 v14, v7;
	v14 =	vld [tilespmem:s17+$0x270]  }
0x2d6: {  	v10 =	vmul.f32 v10, v6;
	v19 =	vld [tilespmem:s17+$0x1A70]  }
0x2d7: {  	v15 =	vadd.f32 v9, v15;
	v9 =	vmul.f32 v16, v7;
	v20 =	vld [tilespmem:s17+$0x600]  }
0x2d8: {  	v18 =	vmul.f32 v18, v6;
	v21 =	vld [tilespmem:s17+$0x1E00]  }
0x2d9: {  	v16 =	vadd.f32 v9, v10;
	v9 =	vmul.f32 v17, v7;
	v10 =	vld [tilespmem:s17+$0x610]  }
0x2da: {  	v14 =	vmul.f32 v14, v6;
	v22 =	vld [tilespmem:s17+$0x1E10]  }
0x2db: {  	v17 =	vadd.f32 v9, v18;
	v9 =	vmul.f32 v19, v7;
	v18 =	vld [tilespmem:s17+$0x620]  }
0x2dc: {  	v19 =	vmul.f32 v20, v6;
	v23 =	vld [tilespmem:s17+$0x1E20]  }
0x2dd: {  	v20 =	vadd.f32 v9, v14;
	v9 =	vmul.f32 v21, v7;
	v14 =	vld [tilespmem:s17+$0x630]  }
0x2de: {  	v10 =	vmul.f32 v10, v6;
	v21 =	vld [tilespmem:s17+$0x1E30]  }
0x2df: {  	v24 =	vadd.f32 v9, v19;
	v9 =	vmul.f32 v22, v7;
	v19 =	vld [tilespmem:s17+$0x640]  }
0x2e0: {  	v18 =	vmul.f32 v18, v6;
	v22 =	vld [tilespmem:s17+$0x1E40]  }
0x2e1: {  	v25 =	vadd.f32 v9, v10;
	v9 =	vmul.f32 v23, v7;
	v10 =	vld [tilespmem:s17+$0x650]  }
0x2e2: {  	v14 =	vmul.f32 v14, v6;
	v23 =	vld [tilespmem:s17+$0x1E50]  }
0x2e3: {  	v26 =	vadd.f32 v9, v18;
	v9 =	vmul.f32 v21, v7;
	v18 =	vld [tilespmem:s17+$0x660]  }
0x2e4: {  	v19 =	vmul.f32 v19, v6;
	v21 =	vld [tilespmem:s17+$0x1E60]  }
0x2e5: {  	v27 =	vadd.f32 v9, v14;
	v9 =	vmul.f32 v22, v7;
	v14 =	vld [tilespmem:s17+$0x670]  }
0x2e6: {  	v10 =	vmul.f32 v10, v6;
	v22 =	vld [tilespmem:s17+$0x1E70]  }
0x2e7: {  	v28 =	vadd.f32 v9, v19;
	v9 =	vmul.f32 v23, v7;
	v19 =	vld [tilespmem:s17+$0xA00]  }
0x2e8: {  	v18 =	vmul.f32 v18, v6;
	v23 =	vld [tilespmem:s17+$0x2200]  }
0x2e9: {  	v29 =	vadd.f32 v9, v10;
	v9 =	vmul.f32 v21, v7;
	v10 =	vld [tilespmem:s17+$0xA10]  }
0x2ea: {  	v14 =	vmul.f32 v14, v6;
	v21 =	vld [tilespmem:s17+$0x2210]  }
0x2eb: {  	v30 =	vadd.f32 v9, v18;
	v9 =	vmul.f32 v22, v7;
	v18 =	vld [tilespmem:s17+$0xA20]  }
0x2ec: {  	v19 =	vmul.f32 v19, v6;
	v22 =	vld [tilespmem:s17+$0x2220]  }
0x2ed: {  	v31 =	vadd.f32 v9, v14;
	v9 =	vmul.f32 v23, v7;
	v14 =	vld [tilespmem:s17+$0xA30]  }
0x2ee: {  	v10 =	vmul.f32 v10, v6;
	v23 =	vld [tilespmem:s17+$0x2230]  }
0x2ef: {  	v9 =	vadd.f32 v9, v19;
	v19 =	vmul.f32 v21, v7;
	v21 =	vld [tilespmem:s17+$0xA40]  }
0x2f0: {  	v18 =	vmul.f32 v18, v6;
	v32 =	vld [tilespmem:s17+$0x2240]  }
0x2f1: {  	v10 =	vadd.f32 v19, v10;
	v19 =	vmul.f32 v22, v7;
	v22 =	vld [tilespmem:s17+$0xA50]  }
0x2f2: {  	v33 =	vmul.f32 v14, v6;
	v34 =	vld [tilespmem:s17+$0x2250]  }
0x2f3: {  	v14 =	vadd.f32 v19, v18;
	v18 =	vmul.f32 v23, v7;
	v23 =	vld [tilespmem:s17+$0xA60]  }
0x2f4: {  	v19 =	vmul.f32 v21, v6;
	v35 =	vld [tilespmem:s17+$0x2260]  }
0x2f5: {  	v36 =	vld [tilespmem:s17+$0x3200];
	v18 =	vadd.f32 v18, v33;
	v21 =	vmul.f32 v32, v7  }
0x2f6: {  	v32 =	vld [tilespmem:s17+$0x3210];
	v22 =	vmul.f32 v22, v6  }
0x2f7: {  	v33 =	vld [tilespmem:s17+$0x3220];
	v19 =	vadd.f32 v21, v19;
	v21 =	vmul.f32 v34, v7  }
0x2f8: {  	v34 =	vld [tilespmem:s17+$0x3230];
	v23 =	vmul.f32 v23, v6  }
0x2f9: {  	v37 =	vld [tilespmem:s17+$0x3240];
	v21 =	vadd.f32 v21, v22;
	v22 =	vmul.f32 v35, v7  }
0x2fa: {  	v35 =	vadd.f32 v8, v36;
	v36 =	vld [tilespmem:s17+$0x3250]  }
0x2fb: {  	v11 =	vadd.f32 v11, v32;
	v32 =	vld [tilespmem:s17+$0x3260];
	v8 =	vadd.f32 v22, v23  }
0x2fc: {  	[tilespmem:s17+$0x4A00] =	vst v35;
	v12 =	vadd.f32 v12, v33;
	v22 =	vld [tilespmem:s17+$0x3270]  }
0x2fd: {  	[tilespmem:s17+$0x4A10] =	vst v11;
	v11 =	vadd.f32 v13, v34;
	v13 =	vld [tilespmem:s17+$0x3600]  }
0x2fe: {  	[tilespmem:s17+$0x4A20] =	vst v12;
	v12 =	vadd.f32 v15, v37;
	v15 =	vld [tilespmem:s17+$0x3610]  }
0x2ff: {  	[tilespmem:s17+$0x4A30] =	vst v11;
	v11 =	vadd.f32 v16, v36;
	v16 =	vld [tilespmem:s17+$0x3620]  }
0x300: {  	[tilespmem:s17+$0x4A40] =	vst v12;
	v12 =	vadd.f32 v17, v32;
	v17 =	vld [tilespmem:s17+$0x3630]  }
0x301: {  	[tilespmem:s17+$0x4A50] =	vst v11;
	v11 =	vadd.f32 v20, v22;
	v20 =	vld [tilespmem:s17+$0x3640]  }
0x302: {  	[tilespmem:s17+$0x4A60] =	vst v12;
	v12 =	vadd.f32 v24, v13;
	v13 =	vld [tilespmem:s17+$0x3650]  }
0x303: {  	[tilespmem:s17+$0x4A70] =	vst v11;
	v11 =	vadd.f32 v25, v15;
	v15 =	vld [tilespmem:s17+$0x3660]  }
0x304: {  	[tilespmem:s17+$0x4E00] =	vst v12;
	v12 =	vadd.f32 v26, v16;
	v16 =	vld [tilespmem:s17+$0x3670]  }
.Ltmp2:
0x305: {  	[tilespmem:s17+$0x4E10] =	vst v11;
	v17 =	vadd.f32 v27, v17;
	v11 =	vld [tilespmem:s17+$0x3A00];
	(pc) =	sbr.rel @p0 .LBB2_6-.Ltmp2, $4  }
0x306: {  	[tilespmem:s17+$0x4E20] =	vst v12;
	v20 =	vadd.f32 v28, v20;
	v12 =	vld [tilespmem:s17+$0x3A10]  }
0x307: {  	[tilespmem:s17+$0x4E30] =	vst v17;
	v22 =	vadd.f32 v29, v13;
	v13 =	vld [tilespmem:s17+$0x3A20]  }
0x308: {  	s4 =	sshrl.u32 s19, $0x3;
	[tilespmem:s17+$0x4E40] =	vst v20;
	v17 =	vadd.f32 v30, v15;
	v15 =	vld [tilespmem:s17+$0x3A30]  }
0x309: {  	s18 =	sadd.s32 $0x80, s18;
	s19 =	sadd.s32 $0x1, s19;
	s4 =	smul.u32 $0xC00, s4;
	[tilespmem:s17+$0x4E50] =	vst v22;
	v20 =	vadd.f32 v31, v16;
	v16 =	vld [tilespmem:s17+$0x3A40]  }
0x30a: {  	[tilespmem:s17+$0x4E60] =	vst v17;
	v52 =	vld [tilespmem:s17+$0x3A50];
	s5 =	sand.u32 $0x380, s18;
	v9 =	vadd.f32 v9, v11  }
0x30b: {  	v53 =	vld [tilespmem:s17+$0x3A60];
	[tilespmem:s17+$0x4E70] =	vst v20;
	s18 =	sor.u32 s5, s4;
	v10 =	vadd.f32 v10, v12  }
0x30c: {  	v20 =	vld [tilespmem:s18+$0xA70];
	[tilespmem:s17+$0x5200] =	vst v9;
	v54 =	vadd.f32 v14, v13  }
0x30d: {  	v9 =	vld [tilespmem:s18+$0x2270];
	[tilespmem:s17+$0x5210] =	vst v10;
	v55 =	vadd.f32 v18, v15  }
0x30e: {  	v10 =	vld [tilespmem:s18+$0x200];
	[tilespmem:s17+$0x5220] =	vst v54;
	v56 =	vadd.f32 v19, v16  }
0x30f: {  	v12 =	vld [tilespmem:s18+$0x1A00];
	[tilespmem:s17+$0x5230] =	vst v55;
	v57 =	vadd.f32 v21, v52  }
0x310: {  	v8 =	vadd.f32 v8, v53;
	v13 =	vld [tilespmem:s18+$0x210];
	[tilespmem:s17+$0x5240] =	vst v56  }
0x311: {  	v14 =	vld [tilespmem:s18+$0x3A70];
	[tilespmem:s17+$0x5250] =	vst v57  }
0x312: {  	v58 =	vld [tilespmem:s18+$0x1A10];
	[tilespmem:s17+$0x5260] =	vst v8  }
0x313: {  	v8 =	vld [tilespmem:s18+$0x220]  }
0x314: {  	v15 =	vld [tilespmem:s18+$0x1A20]  }
0x315: {  	v59 =	vld [tilespmem:s18+$0x230]  }
0x316: {  	v60 =	vld [tilespmem:s18+$0x1A30]  }
0x317: {  	v61 =	vld [tilespmem:s18+$0x240]  }
0x318: {  	v62 =	vld [tilespmem:s18+$0x1A40]  }
0x319: {  	v63 =	vld [tilespmem:s18+$0x250]  }
0x31a: {  	v22 =	vld [tilespmem:s18+$0x1A50]  }
0x31b: {  	v23 =	vld [tilespmem:s18+$0x260]  }
0x31c: {  	v24 =	vld [tilespmem:s18+$0x1A60]  }
0x31d: {  	v25 =	vld [tilespmem:s18+$0x270]  }
0x31e: {  	v26 =	vld [tilespmem:s18+$0x1A70]  }
0x31f: {  	v27 =	vld [tilespmem:s18+$0x600]  }
0x320: {  	v28 =	vld [tilespmem:s18+$0x1E00]  }
0x321: {  	v29 =	vld [tilespmem:s18+$0x610]  }
0x322: {  	v30 =	vld [tilespmem:s18+$0x1E10]  }
0x323: {  	v31 =	vld [tilespmem:s18+$0x620]  }
0x324: {  	v32 =	vld [tilespmem:s18+$0x1E20]  }
0x325: {  	v33 =	vld [tilespmem:s18+$0x630]  }
0x326: {  	v34 =	vld [tilespmem:s18+$0x1E30]  }
0x327: {  	v35 =	vld [tilespmem:s18+$0x640]  }
0x328: {  	v36 =	vld [tilespmem:s18+$0x1E40]  }
0x329: {  	v37 =	vld [tilespmem:s18+$0x650]  }
0x32a: {  	v38 =	vld [tilespmem:s18+$0x1E50]  }
0x32b: {  	v39 =	vld [tilespmem:s18+$0x660]  }
0x32c: {  	v40 =	vld [tilespmem:s18+$0x1E60]  }
0x32d: {  	v41 =	vld [tilespmem:s18+$0x670]  }
0x32e: {  	v42 =	vld [tilespmem:s18+$0x1E70]  }
0x32f: {  	v43 =	vld [tilespmem:s18+$0xA00]  }
0x330: {  	v44 =	vld [tilespmem:s18+$0x2200]  }
0x331: {  	v45 =	vld [tilespmem:s18+$0xA10]  }
0x332: {  	v46 =	vld [tilespmem:s18+$0x2210]  }
0x333: {  	v47 =	vld [tilespmem:s18+$0xA20]  }
0x334: {  	v20 =	vmul.f32 v20, v6;
	v48 =	vld [tilespmem:s18+$0x2220]  }
0x335: {  	v9 =	vmul.f32 v9, v7;
	v10 =	vmul.f32 v10, v6;
	v49 =	vld [tilespmem:s18+$0xA30]  }
0x336: {  	v50 =	vld [tilespmem:s18+$0x2230];
	v12 =	vmul.f32 v12, v7;
	v13 =	vmul.f32 v13, v6  }
0x337: {  	v17 =	vld [tilespmem:s18+$0x2240];
	v11 =	vmul.f32 v58, v7;
	v8 =	vmul.f32 v8, v6  }
0x338: {  	v19 =	vld [tilespmem:s18+$0xA50];
	v15 =	vmul.f32 v15, v7;
	v51 =	vmul.f32 v59, v6  }
0x339: {  	v9 =	vadd.f32 v9, v20;
	v20 =	vld [tilespmem:s18+$0xA40];
	v52 =	vmul.f32 v60, v7;
	v53 =	vmul.f32 v61, v6  }
0x33a: {  	v54 =	vmul.f32 v62, v7;
	v56 =	vmul.f32 v22, v7;
	v22 =	vld [tilespmem:s18+$0x2250]  }
0x33b: {  	v55 =	vmul.f32 v63, v6;
	v58 =	vmul.f32 v24, v7;
	v24 =	vld [tilespmem:s18+$0xA60]  }
0x33c: {  	v10 =	vadd.f32 v12, v10;
	v57 =	vmul.f32 v23, v6;
	v60 =	vmul.f32 v26, v7;
	v26 =	vld [tilespmem:s18+$0x2260]  }
0x33d: {  	v9 =	vadd.f32 v9, v14;
	v59 =	vmul.f32 v25, v6;
	v61 =	vmul.f32 v27, v6;
	v63 =	vld [tilespmem:s18+$0x3200]  }
0x33e: {  	v62 =	vmul.f32 v28, v7;
	v11 =	vadd.f32 v11, v13;
	v14 =	vadd.f32 v54, v53;
	v53 =	vld [tilespmem:s18+$0x3210]  }
0x33f: {  	v17 =	vmul.f32 v17, v7;
	v8 =	vadd.f32 v15, v8;
	v13 =	vadd.f32 v56, v55;
	v56 =	vld [tilespmem:s18+$0x3220]  }
0x340: {  	v12 =	vadd.f32 v52, v51;
	v51 =	vmul.f32 v29, v6;
	v15 =	vadd.f32 v58, v57;
	v57 =	vld [tilespmem:s18+$0x3230]  }
0x341: {  	v52 =	vmul.f32 v30, v7;
	v54 =	vmul.f32 v31, v6;
	v58 =	vld [tilespmem:s18+$0x3240]  }
0x342: {  	v55 =	vmul.f32 v32, v7;
	v18 =	vadd.f32 v62, v61;
	v61 =	vld [tilespmem:s18+$0x3250];
	v10 =	vadd.f32 v10, v63  }
0x343: {  	[tilespmem:s18+$0x5270] =	vst v9;
	v16 =	vadd.f32 v60, v59;
	v60 =	vmul.f32 v34, v7;
	v34 =	vld [tilespmem:s18+$0x3260];
	v11 =	vadd.f32 v11, v53  }
0x344: {  	v59 =	vmul.f32 v33, v6;
	v62 =	vmul.f32 v35, v6;
	v35 =	vld [tilespmem:s18+$0x3270];
	[tilespmem:s18+$0x4A00] =	vst v10;
	v8 =	vadd.f32 v8, v56  }
0x345: {  	v21 =	vadd.f32 v52, v51;
	v51 =	vld [tilespmem:s18+$0x3600];
	v63 =	vmul.f32 v36, v7;
	v36 =	vadd.f32 v12, v57;
	[tilespmem:s18+$0x4A10] =	vst v11  }
0x346: {  	v20 =	vmul.f32 v20, v6;
	v23 =	vadd.f32 v55, v54;
	v54 =	vld [tilespmem:s18+$0x3610];
	v14 =	vadd.f32 v14, v58;
	[tilespmem:s18+$0x4A20] =	vst v8  }
0x347: {  	v33 =	vmul.f32 v43, v6;
	v29 =	vadd.f32 v60, v59;
	v59 =	vld [tilespmem:s18+$0x3630];
	v13 =	vadd.f32 v13, v61;
	[tilespmem:s18+$0x4A30] =	vst v36  }
0x348: {  	v52 =	vmul.f32 v37, v6;
	v55 =	vmul.f32 v39, v6;
	v60 =	vld [tilespmem:s18+$0x3640];
	v58 =	vadd.f32 v15, v34;
	[tilespmem:s18+$0x4A40] =	vst v14  }
0x349: {  	v37 =	vmul.f32 v45, v6;
	v39 =	vld [tilespmem:s18+$0x3670];
	v9 =	vadd.f32 v63, v62;
	v10 =	vadd.f32 v16, v35;
	[tilespmem:s18+$0x4A50] =	vst v13  }
0x34a: {  	v45 =	vld [tilespmem:s18+$0x3A10];
	v61 =	vmul.f32 v41, v6;
	v62 =	vmul.f32 v42, v7;
	[tilespmem:s18+$0x4A60] =	vst v58;
	v12 =	vadd.f32 v18, v51  }
0x34b: {  	v56 =	vmul.f32 v40, v7;
	v57 =	vld [tilespmem:s18+$0x3620];
	v40 =	vmul.f32 v46, v7;
	[tilespmem:s18+$0x4A70] =	vst v10;
	v35 =	vadd.f32 v21, v54  }
0x34c: {  	v53 =	vmul.f32 v38, v7;
	v63 =	vld [tilespmem:s18+$0x3650];
	v14 =	vadd.f32 v62, v61;
	v41 =	vadd.f32 v29, v59;
	[tilespmem:s18+$0x4E00] =	vst v12  }
0x34d: {  	v34 =	vmul.f32 v44, v7;
	v42 =	vld [tilespmem:s18+$0x3A00];
	v9 =	vadd.f32 v9, v60;
	v46 =	vadd.f32 v40, v37;
	[tilespmem:s18+$0x4E10] =	vst v35  }
0x34e: {  	v44 =	vmul.f32 v48, v7;
	v48 =	vld [tilespmem:s18+$0x3A20];
	v8 =	vadd.f32 v53, v52;
	[tilespmem:s18+$0x4E30] =	vst v41;
	v53 =	vadd.f32 v14, v39  }
0x34f: {  	v43 =	vmul.f32 v47, v6;
	v17 =	vadd.f32 v17, v20;
	v36 =	vld [tilespmem:s18+$0x3660];
	[tilespmem:s18+$0x4E40] =	vst v9;
	v58 =	vadd.f32 v46, v45  }
0x350: {  	v50 =	vmul.f32 v50, v7;
	v25 =	vadd.f32 v34, v33;
	v52 =	vld [tilespmem:s18+$0x3A30];
	v38 =	vadd.f32 v23, v57;
	[tilespmem:s18+$0x4E70] =	vst v53  }
0x351: {  	v47 =	vmul.f32 v49, v6;
	v49 =	vadd.f32 v44, v43;
	v54 =	vld [tilespmem:s18+$0x3A40];
	v8 =	vadd.f32 v8, v63;
	[tilespmem:s18+$0x5210] =	vst v58  }
0x352: {  	v19 =	vmul.f32 v19, v6;
	v11 =	vadd.f32 v56, v55;
	v56 =	vld [tilespmem:s18+$0x3A50];
	v55 =	vadd.f32 v25, v42;
	[tilespmem:s18+$0x4E20] =	vst v38  }
0x353: {  	v16 =	vadd.f32 v50, v47;
	v59 =	vld [tilespmem:s18+$0x3A60];
	v57 =	vmul.f32 v22, v7;
	v60 =	vadd.f32 v49, v48;
	[tilespmem:s18+$0x4E50] =	vst v8  }
0x354: {  	v6 =	vmul.f32 v24, v6;
	v7 =	vmul.f32 v26, v7;
	v51 =	vadd.f32 v11, v36;
	[tilespmem:s18+$0x5200] =	vst v55  }
0x355: {  	v61 =	vadd.f32 v57, v19;
	v62 =	vadd.f32 v16, v52;
	[tilespmem:s18+$0x5220] =	vst v60  }
0x356: {  	v6 =	vadd.f32 v7, v6;
	v7 =	vadd.f32 v17, v54;
	[tilespmem:s18+$0x4E60] =	vst v51  }
0x357: {  	[tilespmem:s18+$0x5230] =	vst v62;
	v63 =	vadd.f32 v61, v56  }
0x358: {  	s2 =	sadd.s32 $0x1, s2;
	[tilespmem:s18+$0x5240] =	vst v7;
	v6 =	vadd.f32 v6, v59  }
0x359: {  	p0 =	sne.s32 s2, s15;
	[tilespmem:s18+$0x5250] =	vst v63  }
.Ltmp3:
0x35a: {  	[tilespmem:s18+$0x5260] =	vst v6;
	(pc) =	sbr.rel @p0 .LBB2_1-.Ltmp3, $4  }
0x35b: {  	[hbm4b:s14+s3] =	stream.linear.scatter [tilespmem:s0], [sflag:$0x3], $0x1800, $0x38;
	[tilespmem:$0x6200] =	vst v63  }
0x35c: {  	_ =	swait.ge [sflag:s16], $0x1800  }
0x35d: {  	[sflag:s16] =	ssyncset.done $0x0  }
0x35e: {  	[sflag:s16] =	ssyncadd.s32 $0xFFFFE800  }
0x35f: {  	_ =	sfence.sel $0x180000  }
0x360: {  	[bflag:$0x0] =	sbarrier.arrive $0xFFFF  }
0x361: {  	_ =	strace $0x90000047  }
0x362: {  	s0 =	stileid.u32;
	[bflag:$0x2] =	sbarrier.arrive $0xFFFF  }
0x363: {  	p0 =	sne.s32 s0, $0x0;
	s0 =	rddreg [dreg:$0x4]  }
0x364: {  	s0 =	sadd.s32 @!p0 $0x100000, s0  }
0x365: {  	[sflag:s0] =	ssyncadd.tile.s32 @!p0 $0x1;
	_ =	shalt  }
.Lfunc_end2:
_tile_overlayer_lowered:
.L_overlay_start_2:
0x366: {  	(tag) =	ssettag $0x2  }
0x367: {  	s0 =	rddreg [dreg:$0x0];
	s2 =	stileid.u32  }
0x368: {  	s1 =	rddreg [dreg:$0x1];
	p0 =	sne.s32 s2, $0x0  }
0x369: {  	s3 =	rddreg [dreg:$0x2];
	[bflag:$0x3] =	sbarrier.arrive $0xFFFF;
	s2 =	simm.s32 @!p0 $0x1C03  }
0x36a: {  	[timem:s3], [sflag:s2] =	dma.local @!p0 [hbm:s0], s1  }
0x36b: {  	s0 =	simm.s32 @!p0 $0x3  }
0x36c: {  	_ =	swait.ge @!p0 [sflag:s0], s1  }
0x36d: {  	s1 =	ssub.s32 @!p0 $0x0, s1;
	[sflag:s0] =	ssyncset.done @!p0 $0x0  }
0x36e: {  	[sflag:s0] =	ssyncadd.s32 @!p0 s1  }
0x36f: {  	[bflag:$0x3] =	sbarrier.arrive $0xFFFF  }
0x370: {  	_ =	shalt  }

</sc_bundles>
